<compile_context>
chip_gen: v7x
topology: tpu7x:2x2x1
jax: 0.10.2.dev20260603
libtpu: 0.0.44.dev20260713+nightly
codegen_flags: <defaults>
</compile_context>

<pallas_src>
import functools

import numpy as np
import jax
import jax.numpy as jnp
from jax import lax
from jax.experimental import pallas as pl
from jax.experimental.pallas import tpu as pltpu
from jax.experimental.pallas import tpu_sc as plsc

N_BINS = 64
INPUT_DIM = 64
R = 1.2
BOUND = 50.0

NC = 2
NS = 16
NW = NC * NS
CR = 128

_LOG2_POLY = (
    -0.02512326007229515, 0.2700380630042624, -1.2479651030208252,
    3.2494723906595535, -5.301716265875989, 6.089900348117342,
    -3.0346040497219526,
)
_LN2 = float(np.log(2.0))


def _log2_estrin(mant, e_f, scale, bias):
    c6, c5, c4, c3, c2, c1, c0 = [c * scale for c in _LOG2_POLY]
    c0 = c0 + bias * scale
    m2 = mant * mant
    t1 = c1 * mant + c0
    t2 = c3 * mant + c2
    t3 = c5 * mant + c4
    t4 = c6 * m2 + t3
    return (t4 * m2 + t2) * m2 + t1 + e_f * scale


def _static_mesh():
    m = N_BINS / 2
    x1L_raw = BOUND * (R - 1.0) / (np.power(R, m) - 1.0)
    index = np.arange(0, N_BINS + 1, dtype=np.float64).reshape(-1, 1) - m
    xr = np.where(index >= 0, (1.0 - np.power(R, index)) / (1.0 - R),
                  (1.0 - np.power(R, np.abs(index))) / (1.0 - R))
    xr = np.where(index >= 0, x1L_raw * xr, -x1L_raw * xr)
    xr = (xr + BOUND) / 2.0 / BOUND
    mesh = np.concatenate([np.array([[0.0]]), xr[1:-1, :1],
                           np.array([[1.0]])], 0).astype(np.float32)
    elmt = (mesh[1:] - mesh[:-1]).astype(np.float32)
    return mesh, elmt, x1L_raw


_MESH_NP, _ELMT_NP, _X1L_RAW = _static_mesh()
_T_SCALE = np.float32((R - 1.0) / _X1L_RAW)
_INV_L2R = np.float32(1.0 / np.log2(R))

_LUT_NP = ((np.log2(1.0 + (np.arange(1024, dtype=np.float64) + 0.5) / 1024.0)
            - 127.0) / np.log2(R)).astype(np.float32)


def _coeff_tables(p):
    elmt = jnp.asarray(_ELMT_NP)
    p0 = jnp.ones((1, INPUT_DIM), dtype=jnp.float32)
    px = jnp.exp(p) * (elmt[:-1] + elmt[1:]) / 2.0
    px = (1.0 - elmt[0]) / jnp.sum(px, 0, keepdims=True)
    px = px * jnp.exp(p)
    pdf = jnp.concatenate([p0, px, p0], 0)
    cell = (pdf[:-1, :] + pdf[1:, :]) / 2.0 * elmt
    F_ref = jnp.concatenate([jnp.zeros((1, INPUT_DIM), jnp.float32),
                             jnp.cumsum(cell, axis=0)[:N_BINS - 1]], 0)

    v1 = pdf[:N_BINS]
    v2 = pdf[1:N_BINS + 1]
    h = jnp.asarray(_ELMT_NP[:, 0])
    m0x = jnp.asarray(_MESH_NP[:N_BINS, 0] * (2.0 * BOUND) - BOUND)
    c = (v2 - v1) / ((2.0 * 2.0 * BOUND) * h)[:, None]
    b = v1 - (2.0 * m0x)[:, None] * c
    a = ((2.0 * BOUND) * F_ref - BOUND
         + (m0x * m0x)[:, None] * c - m0x[:, None] * v1)
    zrow = jnp.zeros((1, INPUT_DIM), jnp.float32)
    orow = jnp.ones((1, INPUT_DIM), jnp.float32)
    a = jnp.concatenate([zrow, a, zrow], 0)
    b = jnp.concatenate([orow, b, orow], 0)
    c = jnp.concatenate([zrow, c, zrow], 0)
    return a, b, c


def _split_float(a):
    bi = plsc.bitcast(a, jnp.int32)
    e_f = (bi >> 23).astype(jnp.float32)
    mant = plsc.bitcast((bi & 0x007FFFFF) | 0x3F800000, jnp.float32)
    return e_f, mant


def _lnf(a):
    e_f, mant = _split_float(a)
    return _log2_estrin(mant, e_f, _LN2, -127.0)


def _sc_body(batch, x_hbm, a_hbm, b_hbm, c_hbm, l_hbm, y_hbm, ld_hbm,
             xb, yb, ldb, ta, tb, tc, tl,
             sx0, sx1, sy0, sy1, sl0, sl1):
    rows_w = batch // NW
    nch = rows_w // CR
    sx, sy, sl = (sx0, sx1), (sy0, sy1), (sl0, sl1)
    wid = lax.axis_index("s") * NC + lax.axis_index("c")
    pltpu.sync_copy(a_hbm, ta)
    pltpu.sync_copy(b_hbm, tb)
    pltpu.sync_copy(c_hbm, tc)
    pltpu.sync_copy(l_hbm, tl)
    base = wid * rows_w
    lanes = lax.iota(jnp.int32, 16)
    ones = jnp.ones((16,), dtype=jnp.float32)

    def elem(xv, d):
        t = jnp.abs(xv) * _T_SCALE + 1.0
        bi = plsc.bitcast(t, jnp.int32)
        li = (bi >> 13) & 0x3FF
        e_f = (bi >> 23).astype(jnp.float32)
        mf = e_f * _INV_L2R + plsc.load_gather(tl, [li])
        mi = mf.astype(jnp.int32)
        mc = jnp.minimum(jnp.maximum(mi, 0), N_BINS // 2)
        neg = plsc.bitcast(xv, jnp.int32) >> 31
        k = (mc ^ neg) + (N_BINS // 2 + 1)
        tix = k * INPUT_DIM + d
        av = plsc.load_gather(ta, [tix])
        bv = plsc.load_gather(tb, [tix])
        cv = plsc.load_gather(tc, [tix])
        cx = cv * xv
        inner = bv + cx
        y = av + xv * inner
        g = inner + cx
        return y, g

    def x_load(ci, b):
        r0 = pl.multiple_of(base + ci * CR, 8)
        return pltpu.make_async_copy(
            x_hbm.at[pl.ds(r0, CR)], xb.at[pl.ds(b * CR, CR)], sx[b])

    def compute_chunk(ci, b):
        rb = b * CR

        @plsc.parallel_loop(0, CR // 16)
        def rg_body(rg):
            rows = rb + rg * 16 + lanes

            @plsc.parallel_loop(0, INPUT_DIM // 4, unroll=2,
                                carry=(ones, ones, ones, ones))
            def d_body(i, accs):
                a0, a1, a2, a3 = accs
                out = []
                for j, acc in zip(range(4), (a0, a1, a2, a3)):
                    dv = (i * 4 + j + lanes) & (INPUT_DIM - 1)
                    xv = plsc.load_gather(xb, [rows, dv])
                    y, g = elem(xv, dv)
                    plsc.store_scatter(yb, [rows, dv], y)
                    out.append(acc * g)
                return tuple(out)

            a0, a1, a2, a3 = d_body
            ld = _lnf(a0) + _lnf(a1) + _lnf(a2) + _lnf(a3)
            ldb[pl.ds(rb + rg * 16, 16)] = ld

        r0 = pl.multiple_of(base + ci * CR, 8)
        pltpu.make_async_copy(
            yb.at[pl.ds(rb, CR)], y_hbm.at[pl.ds(r0, CR)], sy[b]).start()
        pltpu.make_async_copy(
            ldb.at[pl.ds(rb, CR)], ld_hbm.at[pl.ds(r0, CR)], sl[b]).start()

    x_load(0, 0).start()

    def pair_body(cp, carry):
        for b in range(2):
            ci = cp * 2 + b
            x_load(ci, b).wait()

            @pl.when(ci + 1 < nch)
            def _():
                x_load(ci + 1, 1 - b).start()

            @pl.when(cp > 0)
            def _():
                r2 = pl.multiple_of(base + (ci - 2) * CR, 8)
                pltpu.make_async_copy(
                    yb.at[pl.ds(b * CR, CR)],
                    y_hbm.at[pl.ds(r2, CR)], sy[b]).wait()
                pltpu.make_async_copy(
                    ldb.at[pl.ds(b * CR, CR)],
                    ld_hbm.at[pl.ds(r2, CR)], sl[b]).wait()

            compute_chunk(ci, b)
        return carry

    lax.fori_loop(0, nch // 2, pair_body, 0)
    for b in range(2):
        r2 = pl.multiple_of(base + (nch - 2 + b) * CR, 8)
        pltpu.make_async_copy(
            yb.at[pl.ds(b * CR, CR)], y_hbm.at[pl.ds(r2, CR)], sy[b]).wait()
        pltpu.make_async_copy(
            ldb.at[pl.ds(b * CR, CR)], ld_hbm.at[pl.ds(r2, CR)], sl[b]).wait()


def kernel(x, p):
    batch = x.shape[0]
    a, b, c = _coeff_tables(p)
    mesh = plsc.VectorSubcoreMesh(core_axis_name="c", subcore_axis_name="s")
    run = pl.kernel(
        functools.partial(_sc_body, batch),
        out_type=(jax.ShapeDtypeStruct((batch, INPUT_DIM), jnp.float32),
                  jax.ShapeDtypeStruct((batch,), jnp.float32)),
        mesh=mesh,
        compiler_params=pltpu.CompilerParams(needs_layout_passes=False),
        scratch_types=[
            pltpu.VMEM((2 * CR, INPUT_DIM), jnp.float32),
            pltpu.VMEM((2 * CR, INPUT_DIM), jnp.float32),
            pltpu.VMEM((2 * CR,), jnp.float32),
            pltpu.VMEM(((N_BINS + 2) * INPUT_DIM,), jnp.float32),
            pltpu.VMEM(((N_BINS + 2) * INPUT_DIM,), jnp.float32),
            pltpu.VMEM(((N_BINS + 2) * INPUT_DIM,), jnp.float32),
            pltpu.VMEM((1024,), jnp.float32),
            pltpu.SemaphoreType.DMA,
            pltpu.SemaphoreType.DMA,
            pltpu.SemaphoreType.DMA,
            pltpu.SemaphoreType.DMA,
            pltpu.SemaphoreType.DMA,
            pltpu.SemaphoreType.DMA,
        ],
    )
    y, ld = run(x, a.reshape(-1), b.reshape(-1), c.reshape(-1),
                jnp.asarray(_LUT_NP))
    return (y, ld)

# --- scband reference (transcript-rebuilt; emitter-appended) ---
"""Pipeline reference for scband-cdf-quadratic-34522947125489 (READ-ONLY COPY).

The authoritative reference and input builder live on the scoring server;
editing this copy changes nothing except your own understanding.
"""

import jax, jax.numpy as jnp
import numpy as np

N_BINS = 64
INPUT_DIM = 64
R = 1.2
BOUND = 50.0
BATCH = 262144


def _build_mesh():
    m = N_BINS / 2
    x1L_raw = BOUND * (R - 1.0) / (np.power(R, m) - 1.0)
    index = np.arange(0, N_BINS + 1, dtype=np.float64).reshape(-1, 1) - m
    xr = np.where(index >= 0, (1.0 - np.power(R, index)) / (1.0 - R),
                  (1.0 - np.power(R, np.abs(index))) / (1.0 - R))
    xr = np.where(index >= 0, x1L_raw * xr, -x1L_raw * xr)
    xr = (xr + BOUND) / 2.0 / BOUND
    x1L = x1L_raw / 2.0 / BOUND
    mesh = np.concatenate([np.array([[0.0]]), xr[1:-1, :1], np.array([[1.0]])], 0).astype(np.float32)
    elmt = (mesh[1:] - mesh[:-1]).astype(np.float32)
    return jnp.asarray(mesh), jnp.asarray(elmt), np.float32(x1L)


def setup_inputs(seed: int = 0) -> dict:
    key = jax.random.key(seed)
    k1, k2 = jax.random.split(key)
    x = jax.random.normal(k1, (BATCH, INPUT_DIM), dtype=jnp.float32)
    p = jax.random.normal(k2, (N_BINS - 1, INPUT_DIM), dtype=jnp.float32) * 0.1
    return {"x": x, "p": p}


def _pdf_normalize(p, elmt):
    p0 = jnp.ones((1, INPUT_DIM), dtype=jnp.float32)
    px = jnp.exp(p) * (elmt[:-1] + elmt[1:]) / 2.0
    px = (1.0 - elmt[0]) / jnp.sum(px, 0, keepdims=True)
    px = px * jnp.exp(p)
    pdf = jnp.concatenate([p0, px, p0], 0)
    cell = (pdf[:-1, :] + pdf[1:, :]) / 2.0 * elmt
    F_ref = jnp.concatenate([jnp.zeros((1, INPUT_DIM), jnp.float32),
                             jnp.cumsum(cell, axis=0)[:N_BINS - 1]], 0)
    return pdf, F_ref


def _cdf(x, pdf, F_ref, mesh, elmt, x1L):
    x_sign = jnp.sign(x - 0.5)
    m = jnp.floor(jnp.log(jnp.abs(x - 0.5) * (R - 1.0) / x1L + 1.0) / np.log(R))
    k_ind = jnp.where(x_sign >= 0, N_BINS / 2 + m, N_BINS / 2 - m - 1).astype(jnp.int32)
    cover = jnp.where(k_ind * (k_ind - N_BINS + 1) <= 0, 1.0, 0.0)
    k_ind = jnp.clip(k_ind, 0, N_BINS - 1)
    v1 = jnp.take_along_axis(pdf, k_ind, axis=0)
    v2 = jnp.take_along_axis(pdf, k_ind + 1, axis=0)
    mesh0 = mesh[:, 0]
    elmt0 = elmt[:, 0]
    xmodi = x - mesh0[k_ind]
    h_list = elmt0[k_ind]
    F_pre = jnp.take_along_axis(F_ref, k_ind, axis=0)
    y = jnp.where(cover > 0, F_pre + xmodi ** 2 / 2.0 * (v2 - v1) / h_list + xmodi * v1, x)
    dlogdet = jnp.where(cover > 0, xmodi * (v2 - v1) / h_list + v1, jnp.ones_like(cover))
    dlogdet = jnp.sum(jnp.log(dlogdet), axis=1)
    return y, dlogdet


def reference(x, p):
    mesh, elmt, x1L = _build_mesh()
    pdf, F_ref = _pdf_normalize(p, elmt)
    xs = (x + BOUND) / 2.0 / BOUND
    y, logdet = _cdf(xs, pdf, F_ref, mesh, elmt, x1L)
    y = y * 2.0 * BOUND - BOUND
    return (y, logdet)

if __name__ == "__main__":
    import jax
    _d = setup_inputs()
    print(jax.jit(kernel)(*tuple(_d.values())))

</pallas_src>

<mosaic_0001>
#map = affine_map<(d0, d1) -> (0, 0)>
#map1 = affine_map<(d0, d1) -> (0)>
module attributes {stable_mosaic.version = 14 : i64} {
  func.func @_sc_body(%arg0: i32, %arg1: i32, %arg2: memref<262144x64xf32, #tpu.memory_space<hbm>>, %arg3: memref<4224xf32, #tpu.memory_space<hbm>>, %arg4: memref<4224xf32, #tpu.memory_space<hbm>>, %arg5: memref<4224xf32, #tpu.memory_space<hbm>>, %arg6: memref<1024xf32, #tpu.memory_space<hbm>>, %arg7: memref<262144x64xf32, #tpu.memory_space<hbm>>, %arg8: memref<262144xf32, #tpu.memory_space<hbm>>, %arg9: memref<256x64xf32, #tpu.memory_space<vmem>>, %arg10: memref<256x64xf32, #tpu.memory_space<vmem>>, %arg11: memref<256xf32, #tpu.memory_space<vmem>>, %arg12: memref<4224xf32, #tpu.memory_space<vmem>>, %arg13: memref<4224xf32, #tpu.memory_space<vmem>>, %arg14: memref<4224xf32, #tpu.memory_space<vmem>>, %arg15: memref<1024xf32, #tpu.memory_space<vmem>>, %arg16: memref<!tpu.dma_semaphore, #tpu.memory_space<semaphore_mem>>, %arg17: memref<!tpu.dma_semaphore, #tpu.memory_space<semaphore_mem>>, %arg18: memref<!tpu.dma_semaphore, #tpu.memory_space<semaphore_mem>>, %arg19: memref<!tpu.dma_semaphore, #tpu.memory_space<semaphore_mem>>, %arg20: memref<!tpu.dma_semaphore, #tpu.memory_space<semaphore_mem>>, %arg21: memref<!tpu.dma_semaphore, #tpu.memory_space<semaphore_mem>>) attributes {dimension_semantics = [#tpu.dimension_semantics<core_parallel>, #tpu.dimension_semantics<subcore_parallel>], iteration_bounds = array<i64: 2, 16>, scalar_prefetch = 0 : i64, scratch_operands = 13 : i64, tpu.core_type = #tpu.core_type<sc_vector_subcore>, window_params = [{transform_indices = #map}, {transform_indices = #map1}, {transform_indices = #map1}, {transform_indices = #map1}, {transform_indices = #map1}, {transform_indices = #map}, {transform_indices = #map1}]} {
    %mul3A = arith.constant 2 : i32
    %mul3A_0 = arith.muli %arg1, %mul3A : i32
    %add3A = arith.addi %mul3A_0, %arg0 : i32
    "tpu.region"() ({
      %run_scoped3A = tpu.sem_alloc : memref<!tpu.dma_semaphore, #tpu.memory_space<semaphore_mem>>
      tpu.enqueue_dma source(%arg3 : memref<4224xf32, #tpu.memory_space<hbm>>) target(%arg12 : memref<4224xf32, #tpu.memory_space<vmem>>) target_semaphore(%run_scoped3A : memref<!tpu.dma_semaphore, #tpu.memory_space<semaphore_mem>>)
      tpu.wait_dma2 semaphore(%run_scoped3A : memref<!tpu.dma_semaphore, #tpu.memory_space<semaphore_mem>>) src(%arg3 : memref<4224xf32, #tpu.memory_space<hbm>>) dst(%arg12 : memref<4224xf32, #tpu.memory_space<vmem>>)
      tpu.yield
    }) : () -> ()
    "tpu.region"() ({
      %run_scoped3A = tpu.sem_alloc : memref<!tpu.dma_semaphore, #tpu.memory_space<semaphore_mem>>
      tpu.enqueue_dma source(%arg4 : memref<4224xf32, #tpu.memory_space<hbm>>) target(%arg13 : memref<4224xf32, #tpu.memory_space<vmem>>) target_semaphore(%run_scoped3A : memref<!tpu.dma_semaphore, #tpu.memory_space<semaphore_mem>>)
      tpu.wait_dma2 semaphore(%run_scoped3A : memref<!tpu.dma_semaphore, #tpu.memory_space<semaphore_mem>>) src(%arg4 : memref<4224xf32, #tpu.memory_space<hbm>>) dst(%arg13 : memref<4224xf32, #tpu.memory_space<vmem>>)
      tpu.yield
    }) : () -> ()
    "tpu.region"() ({
      %run_scoped3A = tpu.sem_alloc : memref<!tpu.dma_semaphore, #tpu.memory_space<semaphore_mem>>
      tpu.enqueue_dma source(%arg5 : memref<4224xf32, #tpu.memory_space<hbm>>) target(%arg14 : memref<4224xf32, #tpu.memory_space<vmem>>) target_semaphore(%run_scoped3A : memref<!tpu.dma_semaphore, #tpu.memory_space<semaphore_mem>>)
      tpu.wait_dma2 semaphore(%run_scoped3A : memref<!tpu.dma_semaphore, #tpu.memory_space<semaphore_mem>>) src(%arg5 : memref<4224xf32, #tpu.memory_space<hbm>>) dst(%arg14 : memref<4224xf32, #tpu.memory_space<vmem>>)
      tpu.yield
    }) : () -> ()
    "tpu.region"() ({
      %run_scoped3A = tpu.sem_alloc : memref<!tpu.dma_semaphore, #tpu.memory_space<semaphore_mem>>
      tpu.enqueue_dma source(%arg6 : memref<1024xf32, #tpu.memory_space<hbm>>) target(%arg15 : memref<1024xf32, #tpu.memory_space<vmem>>) target_semaphore(%run_scoped3A : memref<!tpu.dma_semaphore, #tpu.memory_space<semaphore_mem>>)
      tpu.wait_dma2 semaphore(%run_scoped3A : memref<!tpu.dma_semaphore, #tpu.memory_space<semaphore_mem>>) src(%arg6 : memref<1024xf32, #tpu.memory_space<hbm>>) dst(%arg15 : memref<1024xf32, #tpu.memory_space<vmem>>)
      tpu.yield
    }) : () -> ()
    %mul3A_1 = arith.constant 8192 : i32
    %mul3A_2 = arith.muli %add3A, %mul3A_1 : i32
    %iota3A = tpu.iota {dimensions = array<i32: 0>} : vector<16xi32>
    %broadcast_in_dim3A = arith.constant 1.000000e+00 : f32
    %broadcast_in_dim3A_3 = vector.broadcast %broadcast_in_dim3A : f32 to vector<16xf32>
    %add3A_4 = arith.constant 0 : i32
    %add3A_5 = arith.addi %mul3A_2, %add3A_4 : i32
    %multiple_of3A = tpu.assume_multiple %add3A_5, 8 : i32
    %dma_start3A = arith.constant 0 : i32
    %dma_start3A_6 = arith.constant 0 : i32
    %dma_start3A_7 = tpu.memref_slice %arg9[%dma_start3A, %dma_start3A_6] : memref<256x64xf32, #tpu.memory_space<vmem>> -> memref<128x64xf32, #tpu.memory_space<vmem>>
    %dma_start3A_8 = arith.constant 0 : i32
    %dma_start3A_9 = tpu.memref_slice %arg2[%multiple_of3A, %dma_start3A_8] : memref<262144x64xf32, #tpu.memory_space<hbm>> -> memref<128x64xf32, #tpu.memory_space<hbm>>
    %dma_start3A_10 = arith.constant 0 : i32
    %dma_start3A_11 = arith.constant 0 : i32
    %dma_start3A_12 = tpu.memref_slice %arg9[%dma_start3A_10, %dma_start3A_11] : memref<256x64xf32, #tpu.memory_space<vmem>> -> memref<128x64xf32, #tpu.memory_space<vmem>>
    %dma_start3A_13 = arith.constant 0 : i32
    %dma_start3A_14 = tpu.memref_slice %arg2[%multiple_of3A, %dma_start3A_13] : memref<262144x64xf32, #tpu.memory_space<hbm>> -> memref<128x64xf32, #tpu.memory_space<hbm>>
    tpu.enqueue_dma source(%dma_start3A_14 : memref<128x64xf32, #tpu.memory_space<hbm>>) target(%dma_start3A_12 : memref<128x64xf32, #tpu.memory_space<vmem>>) target_semaphore(%arg16 : memref<!tpu.dma_semaphore, #tpu.memory_space<semaphore_mem>>)
    %scan3A = arith.constant 0 : i32
    %scan3A_15 = arith.constant 0 : i32
    %scan3A_16 = arith.constant 32 : i32
    %scan3A_17 = arith.addi %scan3A_15, %scan3A_16 : i32
    %scan3A_18 = arith.constant 1 : i32
    scf.for %scan3A_57 = %scan3A_15 to %scan3A_17 step %scan3A_18  : i32 {
      %mul3A_58 = arith.constant 2 : i32
      %mul3A_59 = arith.muli %scan3A_57, %mul3A_58 : i32
      %add3A_60 = arith.constant 0 : i32
      %add3A_61 = arith.addi %mul3A_59, %add3A_60 : i32
      %mul3A_62 = arith.constant 128 : i32
      %mul3A_63 = arith.muli %add3A_61, %mul3A_62 : i32
      %add3A_64 = arith.addi %mul3A_2, %mul3A_63 : i32
      %multiple_of3A_65 = tpu.assume_multiple %add3A_64, 8 : i32
      %dma_wait3A_66 = arith.constant 0 : i32
      %dma_wait3A_67 = arith.constant 0 : i32
      %dma_wait3A_68 = tpu.memref_slice %arg9[%dma_wait3A_66, %dma_wait3A_67] : memref<256x64xf32, #tpu.memory_space<vmem>> -> memref<128x64xf32, #tpu.memory_space<vmem>>
      %dma_wait3A_69 = arith.constant 0 : i32
      %dma_wait3A_70 = tpu.memref_slice %arg2[%multiple_of3A_65, %dma_wait3A_69] : memref<262144x64xf32, #tpu.memory_space<hbm>> -> memref<128x64xf32, #tpu.memory_space<hbm>>
      %dma_wait3A_71 = arith.constant 0 : i32
      %dma_wait3A_72 = arith.constant 0 : i32
      %dma_wait3A_73 = tpu.memref_slice %arg9[%dma_wait3A_71, %dma_wait3A_72] : memref<256x64xf32, #tpu.memory_space<vmem>> -> memref<128x64xf32, #tpu.memory_space<vmem>>
      %dma_wait3A_74 = arith.constant 0 : i32
      %dma_wait3A_75 = tpu.memref_slice %arg2[%multiple_of3A_65, %dma_wait3A_74] : memref<262144x64xf32, #tpu.memory_space<hbm>> -> memref<128x64xf32, #tpu.memory_space<hbm>>
      tpu.wait_dma2 semaphore(%arg16 : memref<!tpu.dma_semaphore, #tpu.memory_space<semaphore_mem>>) src(%dma_wait3A_75 : memref<128x64xf32, #tpu.memory_space<hbm>>) dst(%dma_wait3A_73 : memref<128x64xf32, #tpu.memory_space<vmem>>)
      %add3A_76 = arith.constant 1 : i32
      %add3A_77 = arith.addi %add3A_61, %add3A_76 : i32
      %lt3A = arith.constant 64 : i32
      %lt3A_78 = arith.cmpi slt, %add3A_77, %lt3A : i32
      %convert_element_type3A = arith.extui %lt3A_78 : i1 to i32
      %cond3A = arith.constant 0 : i32
      %cond3A_79 = arith.cmpi ne, %convert_element_type3A, %cond3A : i32
      scf.if %cond3A_79 {
        %add3A_159 = arith.constant 1 : i32
        %add3A_160 = arith.addi %add3A_61, %add3A_159 : i32
        %mul3A_161 = arith.constant 128 : i32
        %mul3A_162 = arith.muli %add3A_160, %mul3A_161 : i32
        %add3A_163 = arith.addi %mul3A_2, %mul3A_162 : i32
        %multiple_of3A_164 = tpu.assume_multiple %add3A_163, 8 : i32
        %dma_start3A_165 = arith.constant 128 : i32
        %dma_start3A_166 = arith.constant 0 : i32
        %dma_start3A_167 = tpu.memref_slice %arg9[%dma_start3A_165, %dma_start3A_166] : memref<256x64xf32, #tpu.memory_space<vmem>> -> memref<128x64xf32, #tpu.memory_space<vmem>>
        %dma_start3A_168 = arith.constant 0 : i32
        %dma_start3A_169 = tpu.memref_slice %arg2[%multiple_of3A_164, %dma_start3A_168] : memref<262144x64xf32, #tpu.memory_space<hbm>> -> memref<128x64xf32, #tpu.memory_space<hbm>>
        %dma_start3A_170 = arith.constant 128 : i32
        %dma_start3A_171 = arith.constant 0 : i32
        %dma_start3A_172 = tpu.memref_slice %arg9[%dma_start3A_170, %dma_start3A_171] : memref<256x64xf32, #tpu.memory_space<vmem>> -> memref<128x64xf32, #tpu.memory_space<vmem>>
        %dma_start3A_173 = arith.constant 0 : i32
        %dma_start3A_174 = tpu.memref_slice %arg2[%multiple_of3A_164, %dma_start3A_173] : memref<262144x64xf32, #tpu.memory_space<hbm>> -> memref<128x64xf32, #tpu.memory_space<hbm>>
        tpu.enqueue_dma source(%dma_start3A_174 : memref<128x64xf32, #tpu.memory_space<hbm>>) target(%dma_start3A_172 : memref<128x64xf32, #tpu.memory_space<vmem>>) target_semaphore(%arg17 : memref<!tpu.dma_semaphore, #tpu.memory_space<semaphore_mem>>)
      } else {
      }
      %gt3A = arith.constant 0 : i32
      %gt3A_80 = arith.cmpi sgt, %scan3A_57, %gt3A : i32
      %convert_element_type3A_81 = arith.extui %gt3A_80 : i1 to i32
      %cond3A_82 = arith.constant 0 : i32
      %cond3A_83 = arith.cmpi ne, %convert_element_type3A_81, %cond3A_82 : i32
      scf.if %cond3A_83 {
        %sub3A = arith.constant 2 : i32
        %sub3A_159 = arith.subi %add3A_61, %sub3A : i32
        %mul3A_160 = arith.constant 128 : i32
        %mul3A_161 = arith.muli %sub3A_159, %mul3A_160 : i32
        %add3A_162 = arith.addi %mul3A_2, %mul3A_161 : i32
        %multiple_of3A_163 = tpu.assume_multiple %add3A_162, 8 : i32
        %dma_wait3A_164 = arith.constant 0 : i32
        %dma_wait3A_165 = arith.constant 0 : i32
        %dma_wait3A_166 = tpu.memref_slice %arg10[%dma_wait3A_164, %dma_wait3A_165] : memref<256x64xf32, #tpu.memory_space<vmem>> -> memref<128x64xf32, #tpu.memory_space<vmem>>
        %dma_wait3A_167 = arith.constant 0 : i32
        %dma_wait3A_168 = tpu.memref_slice %arg7[%multiple_of3A_163, %dma_wait3A_167] : memref<262144x64xf32, #tpu.memory_space<hbm>> -> memref<128x64xf32, #tpu.memory_space<hbm>>
        %dma_wait3A_169 = arith.constant 0 : i32
        %dma_wait3A_170 = tpu.memref_slice %arg7[%multiple_of3A_163, %dma_wait3A_169] : memref<262144x64xf32, #tpu.memory_space<hbm>> -> memref<128x64xf32, #tpu.memory_space<hbm>>
        %dma_wait3A_171 = arith.constant 0 : i32
        %dma_wait3A_172 = arith.constant 0 : i32
        %dma_wait3A_173 = tpu.memref_slice %arg10[%dma_wait3A_171, %dma_wait3A_172] : memref<256x64xf32, #tpu.memory_space<vmem>> -> memref<128x64xf32, #tpu.memory_space<vmem>>
        tpu.wait_dma2 semaphore(%arg18 : memref<!tpu.dma_semaphore, #tpu.memory_space<semaphore_mem>>) src(%dma_wait3A_173 : memref<128x64xf32, #tpu.memory_space<vmem>>) dst(%dma_wait3A_170 : memref<128x64xf32, #tpu.memory_space<hbm>>)
        %dma_wait3A_174 = arith.constant 0 : i32
        %dma_wait3A_175 = tpu.memref_slice %arg11[%dma_wait3A_174] : memref<256xf32, #tpu.memory_space<vmem>> -> memref<128xf32, #tpu.memory_space<vmem>>
        %dma_wait3A_176 = tpu.memref_slice %arg8[%multiple_of3A_163] : memref<262144xf32, #tpu.memory_space<hbm>> -> memref<128xf32, #tpu.memory_space<hbm>>
        %dma_wait3A_177 = tpu.memref_slice %arg8[%multiple_of3A_163] : memref<262144xf32, #tpu.memory_space<hbm>> -> memref<128xf32, #tpu.memory_space<hbm>>
        %dma_wait3A_178 = arith.constant 0 : i32
        %dma_wait3A_179 = tpu.memref_slice %arg11[%dma_wait3A_178] : memref<256xf32, #tpu.memory_space<vmem>> -> memref<128xf32, #tpu.memory_space<vmem>>
        tpu.wait_dma2 semaphore(%arg20 : memref<!tpu.dma_semaphore, #tpu.memory_space<semaphore_mem>>) src(%dma_wait3A_179 : memref<128xf32, #tpu.memory_space<vmem>>) dst(%dma_wait3A_177 : memref<128xf32, #tpu.memory_space<hbm>>)
      } else {
      }
      %parallel_loop3A = arith.constant 0 : i32
      %parallel_loop3A_84 = arith.constant 8 : i32
      %parallel_loop3A_85 = arith.constant 1 : i32
      scf.for %parallel_loop3A_159 = %parallel_loop3A to %parallel_loop3A_84 step %parallel_loop3A_85  : i32 {
        %parallel_loop3A_160 = arith.constant 16 : i32
        %parallel_loop3A_161 = arith.muli %parallel_loop3A_159, %parallel_loop3A_160 : i32
        %parallel_loop3A_162 = arith.constant 0 : i32
        %parallel_loop3A_163 = arith.addi %parallel_loop3A_162, %parallel_loop3A_161 : i32
        %parallel_loop3A_164 = vector.broadcast %parallel_loop3A_163 : i32 to vector<16xi32>
        %parallel_loop3A_165 = arith.addi %parallel_loop3A_164, %iota3A : vector<16xi32>
        %parallel_loop3A_166 = arith.constant 0 : i32
        %parallel_loop3A_167 = arith.constant 16 : i32
        %parallel_loop3A_168 = arith.constant 1 : i32
        %parallel_loop3A_169:4 = scf.for %parallel_loop3A_351 = %parallel_loop3A_166 to %parallel_loop3A_167 step %parallel_loop3A_168 iter_args(%parallel_loop3A_352 = %broadcast_in_dim3A_3, %parallel_loop3A_353 = %broadcast_in_dim3A_3, %parallel_loop3A_354 = %broadcast_in_dim3A_3, %parallel_loop3A_355 = %broadcast_in_dim3A_3) -> (vector<16xf32>, vector<16xf32>, vector<16xf32>, vector<16xf32>)  : i32 {
          %parallel_loop3A_356 = arith.constant 4 : i32
          %parallel_loop3A_357 = arith.muli %parallel_loop3A_351, %parallel_loop3A_356 : i32
          %parallel_loop3A_358 = arith.constant 0 : i32
          %parallel_loop3A_359 = arith.addi %parallel_loop3A_357, %parallel_loop3A_358 : i32
          %parallel_loop3A_360 = vector.broadcast %parallel_loop3A_359 : i32 to vector<16xi32>
          %parallel_loop3A_361 = arith.addi %parallel_loop3A_360, %iota3A : vector<16xi32>
          %parallel_loop3A_362 = arith.constant 63 : i32
          %parallel_loop3A_363 = vector.broadcast %parallel_loop3A_362 : i32 to vector<16xi32>
          %parallel_loop3A_364 = arith.andi %parallel_loop3A_361, %parallel_loop3A_363 : vector<16xi32>
          %parallel_loop3A_365 = tpu.vector_load_idx %arg9[%parallel_loop3A_165, %parallel_loop3A_364] : memref<256x64xf32, #tpu.memory_space<vmem>>[vector<16xi32>, vector<16xi32>], vector<16xf32>,
          %parallel_loop3A_366 = math.absf %parallel_loop3A_365 : vector<16xf32>
          %parallel_loop3A_367 = arith.constant 6.81643772 : f32
          %parallel_loop3A_368 = vector.broadcast %parallel_loop3A_367 : f32 to vector<16xf32>
          %parallel_loop3A_369 = arith.mulf %parallel_loop3A_366, %parallel_loop3A_368 : vector<16xf32>
          %parallel_loop3A_370 = arith.constant 1.000000e+00 : f32
          %parallel_loop3A_371 = vector.broadcast %parallel_loop3A_370 : f32 to vector<16xf32>
          %parallel_loop3A_372 = arith.addf %parallel_loop3A_369, %parallel_loop3A_371 : vector<16xf32>
          %parallel_loop3A_373 = vector.bitcast %parallel_loop3A_372 : vector<16xf32> to vector<16xi32>
          %parallel_loop3A_374 = arith.constant 13 : i32
          %parallel_loop3A_375 = vector.broadcast %parallel_loop3A_374 : i32 to vector<16xi32>
          %parallel_loop3A_376 = arith.shrsi %parallel_loop3A_373, %parallel_loop3A_375 : vector<16xi32>
          %parallel_loop3A_377 = arith.constant 1023 : i32
          %parallel_loop3A_378 = vector.broadcast %parallel_loop3A_377 : i32 to vector<16xi32>
          %parallel_loop3A_379 = arith.andi %parallel_loop3A_376, %parallel_loop3A_378 : vector<16xi32>
          %parallel_loop3A_380 = arith.constant 23 : i32
          %parallel_loop3A_381 = vector.broadcast %parallel_loop3A_380 : i32 to vector<16xi32>
          %parallel_loop3A_382 = arith.shrsi %parallel_loop3A_373, %parallel_loop3A_381 : vector<16xi32>
          %parallel_loop3A_383 = arith.sitofp %parallel_loop3A_382 : vector<16xi32> to vector<16xf32>
          %parallel_loop3A_384 = arith.constant 3.80178404 : f32
          %parallel_loop3A_385 = vector.broadcast %parallel_loop3A_384 : f32 to vector<16xf32>
          %parallel_loop3A_386 = arith.mulf %parallel_loop3A_383, %parallel_loop3A_385 : vector<16xf32>
          %parallel_loop3A_387 = tpu.vector_load_idx %arg15[%parallel_loop3A_379] : memref<1024xf32, #tpu.memory_space<vmem>>[vector<16xi32>], vector<16xf32>,
          %parallel_loop3A_388 = arith.addf %parallel_loop3A_386, %parallel_loop3A_387 : vector<16xf32>
          %parallel_loop3A_389 = arith.fptosi %parallel_loop3A_388 : vector<16xf32> to vector<16xi32>
          %parallel_loop3A_390 = arith.constant 0 : i32
          %parallel_loop3A_391 = vector.broadcast %parallel_loop3A_390 : i32 to vector<16xi32>
          %parallel_loop3A_392 = arith.maxsi %parallel_loop3A_389, %parallel_loop3A_391 : vector<16xi32>
          %parallel_loop3A_393 = arith.constant 32 : i32
          %parallel_loop3A_394 = vector.broadcast %parallel_loop3A_393 : i32 to vector<16xi32>
          %parallel_loop3A_395 = arith.minsi %parallel_loop3A_392, %parallel_loop3A_394 : vector<16xi32>
          %parallel_loop3A_396 = vector.bitcast %parallel_loop3A_365 : vector<16xf32> to vector<16xi32>
          %parallel_loop3A_397 = arith.constant 31 : i32
          %parallel_loop3A_398 = vector.broadcast %parallel_loop3A_397 : i32 to vector<16xi32>
          %parallel_loop3A_399 = arith.shrsi %parallel_loop3A_396, %parallel_loop3A_398 : vector<16xi32>
          %parallel_loop3A_400 = arith.xori %parallel_loop3A_395, %parallel_loop3A_399 : vector<16xi32>
          %parallel_loop3A_401 = arith.constant 33 : i32
          %parallel_loop3A_402 = vector.broadcast %parallel_loop3A_401 : i32 to vector<16xi32>
          %parallel_loop3A_403 = arith.addi %parallel_loop3A_400, %parallel_loop3A_402 : vector<16xi32>
          %parallel_loop3A_404 = arith.constant 64 : i32
          %parallel_loop3A_405 = vector.broadcast %parallel_loop3A_404 : i32 to vector<16xi32>
          %parallel_loop3A_406 = arith.muli %parallel_loop3A_403, %parallel_loop3A_405 : vector<16xi32>
          %parallel_loop3A_407 = arith.addi %parallel_loop3A_406, %parallel_loop3A_364 : vector<16xi32>
          %parallel_loop3A_408 = tpu.vector_load_idx %arg12[%parallel_loop3A_407] : memref<4224xf32, #tpu.memory_space<vmem>>[vector<16xi32>], vector<16xf32>,
          %parallel_loop3A_409 = tpu.vector_load_idx %arg13[%parallel_loop3A_407] : memref<4224xf32, #tpu.memory_space<vmem>>[vector<16xi32>], vector<16xf32>,
          %parallel_loop3A_410 = tpu.vector_load_idx %arg14[%parallel_loop3A_407] : memref<4224xf32, #tpu.memory_space<vmem>>[vector<16xi32>], vector<16xf32>,
          %parallel_loop3A_411 = arith.mulf %parallel_loop3A_410, %parallel_loop3A_365 : vector<16xf32>
          %parallel_loop3A_412 = arith.addf %parallel_loop3A_409, %parallel_loop3A_411 : vector<16xf32>
          %parallel_loop3A_413 = arith.mulf %parallel_loop3A_365, %parallel_loop3A_412 : vector<16xf32>
          %parallel_loop3A_414 = arith.addf %parallel_loop3A_408, %parallel_loop3A_413 : vector<16xf32>
          %parallel_loop3A_415 = arith.addf %parallel_loop3A_412, %parallel_loop3A_411 : vector<16xf32>
          tpu.vector_store_idx %arg10[%parallel_loop3A_165, %parallel_loop3A_364], %parallel_loop3A_414 : memref<256x64xf32, #tpu.memory_space<vmem>>[vector<16xi32>, vector<16xi32>], vector<16xf32>,
          %parallel_loop3A_416 = arith.mulf %parallel_loop3A_352, %parallel_loop3A_415 : vector<16xf32>
          %parallel_loop3A_417 = arith.constant 4 : i32
          %parallel_loop3A_418 = arith.muli %parallel_loop3A_351, %parallel_loop3A_417 : i32
          %parallel_loop3A_419 = arith.constant 1 : i32
          %parallel_loop3A_420 = arith.addi %parallel_loop3A_418, %parallel_loop3A_419 : i32
          %parallel_loop3A_421 = vector.broadcast %parallel_loop3A_420 : i32 to vector<16xi32>
          %parallel_loop3A_422 = arith.addi %parallel_loop3A_421, %iota3A : vector<16xi32>
          %parallel_loop3A_423 = arith.constant 63 : i32
          %parallel_loop3A_424 = vector.broadcast %parallel_loop3A_423 : i32 to vector<16xi32>
          %parallel_loop3A_425 = arith.andi %parallel_loop3A_422, %parallel_loop3A_424 : vector<16xi32>
          %parallel_loop3A_426 = tpu.vector_load_idx %arg9[%parallel_loop3A_165, %parallel_loop3A_425] : memref<256x64xf32, #tpu.memory_space<vmem>>[vector<16xi32>, vector<16xi32>], vector<16xf32>,
          %parallel_loop3A_427 = math.absf %parallel_loop3A_426 : vector<16xf32>
          %parallel_loop3A_428 = arith.constant 6.81643772 : f32
          %parallel_loop3A_429 = vector.broadcast %parallel_loop3A_428 : f32 to vector<16xf32>
          %parallel_loop3A_430 = arith.mulf %parallel_loop3A_427, %parallel_loop3A_429 : vector<16xf32>
          %parallel_loop3A_431 = arith.constant 1.000000e+00 : f32
          %parallel_loop3A_432 = vector.broadcast %parallel_loop3A_431 : f32 to vector<16xf32>
          %parallel_loop3A_433 = arith.addf %parallel_loop3A_430, %parallel_loop3A_432 : vector<16xf32>
          %parallel_loop3A_434 = vector.bitcast %parallel_loop3A_433 : vector<16xf32> to vector<16xi32>
          %parallel_loop3A_435 = arith.constant 13 : i32
          %parallel_loop3A_436 = vector.broadcast %parallel_loop3A_435 : i32 to vector<16xi32>
          %parallel_loop3A_437 = arith.shrsi %parallel_loop3A_434, %parallel_loop3A_436 : vector<16xi32>
          %parallel_loop3A_438 = arith.constant 1023 : i32
          %parallel_loop3A_439 = vector.broadcast %parallel_loop3A_438 : i32 to vector<16xi32>
          %parallel_loop3A_440 = arith.andi %parallel_loop3A_437, %parallel_loop3A_439 : vector<16xi32>
          %parallel_loop3A_441 = arith.constant 23 : i32
          %parallel_loop3A_442 = vector.broadcast %parallel_loop3A_441 : i32 to vector<16xi32>
          %parallel_loop3A_443 = arith.shrsi %parallel_loop3A_434, %parallel_loop3A_442 : vector<16xi32>
          %parallel_loop3A_444 = arith.sitofp %parallel_loop3A_443 : vector<16xi32> to vector<16xf32>
          %parallel_loop3A_445 = arith.constant 3.80178404 : f32
          %parallel_loop3A_446 = vector.broadcast %parallel_loop3A_445 : f32 to vector<16xf32>
          %parallel_loop3A_447 = arith.mulf %parallel_loop3A_444, %parallel_loop3A_446 : vector<16xf32>
          %parallel_loop3A_448 = tpu.vector_load_idx %arg15[%parallel_loop3A_440] : memref<1024xf32, #tpu.memory_space<vmem>>[vector<16xi32>], vector<16xf32>,
          %parallel_loop3A_449 = arith.addf %parallel_loop3A_447, %parallel_loop3A_448 : vector<16xf32>
          %parallel_loop3A_450 = arith.fptosi %parallel_loop3A_449 : vector<16xf32> to vector<16xi32>
          %parallel_loop3A_451 = arith.constant 0 : i32
          %parallel_loop3A_452 = vector.broadcast %parallel_loop3A_451 : i32 to vector<16xi32>
          %parallel_loop3A_453 = arith.maxsi %parallel_loop3A_450, %parallel_loop3A_452 : vector<16xi32>
          %parallel_loop3A_454 = arith.constant 32 : i32
          %parallel_loop3A_455 = vector.broadcast %parallel_loop3A_454 : i32 to vector<16xi32>
          %parallel_loop3A_456 = arith.minsi %parallel_loop3A_453, %parallel_loop3A_455 : vector<16xi32>
          %parallel_loop3A_457 = vector.bitcast %parallel_loop3A_426 : vector<16xf32> to vector<16xi32>
          %parallel_loop3A_458 = arith.constant 31 : i32
          %parallel_loop3A_459 = vector.broadcast %parallel_loop3A_458 : i32 to vector<16xi32>
          %parallel_loop3A_460 = arith.shrsi %parallel_loop3A_457, %parallel_loop3A_459 : vector<16xi32>
          %parallel_loop3A_461 = arith.xori %parallel_loop3A_456, %parallel_loop3A_460 : vector<16xi32>
          %parallel_loop3A_462 = arith.constant 33 : i32
          %parallel_loop3A_463 = vector.broadcast %parallel_loop3A_462 : i32 to vector<16xi32>
          %parallel_loop3A_464 = arith.addi %parallel_loop3A_461, %parallel_loop3A_463 : vector<16xi32>
          %parallel_loop3A_465 = arith.constant 64 : i32
          %parallel_loop3A_466 = vector.broadcast %parallel_loop3A_465 : i32 to vector<16xi32>
          %parallel_loop3A_467 = arith.muli %parallel_loop3A_464, %parallel_loop3A_466 : vector<16xi32>
          %parallel_loop3A_468 = arith.addi %parallel_loop3A_467, %parallel_loop3A_425 : vector<16xi32>
          %parallel_loop3A_469 = tpu.vector_load_idx %arg12[%parallel_loop3A_468] : memref<4224xf32, #tpu.memory_space<vmem>>[vector<16xi32>], vector<16xf32>,
          %parallel_loop3A_470 = tpu.vector_load_idx %arg13[%parallel_loop3A_468] : memref<4224xf32, #tpu.memory_space<vmem>>[vector<16xi32>], vector<16xf32>,
          %parallel_loop3A_471 = tpu.vector_load_idx %arg14[%parallel_loop3A_468] : memref<4224xf32, #tpu.memory_space<vmem>>[vector<16xi32>], vector<16xf32>,
          %parallel_loop3A_472 = arith.mulf %parallel_loop3A_471, %parallel_loop3A_426 : vector<16xf32>
          %parallel_loop3A_473 = arith.addf %parallel_loop3A_470, %parallel_loop3A_472 : vector<16xf32>
          %parallel_loop3A_474 = arith.mulf %parallel_loop3A_426, %parallel_loop3A_473 : vector<16xf32>
          %parallel_loop3A_475 = arith.addf %parallel_loop3A_469, %parallel_loop3A_474 : vector<16xf32>
          %parallel_loop3A_476 = arith.addf %parallel_loop3A_473, %parallel_loop3A_472 : vector<16xf32>
          tpu.vector_store_idx %arg10[%parallel_loop3A_165, %parallel_loop3A_425], %parallel_loop3A_475 : memref<256x64xf32, #tpu.memory_space<vmem>>[vector<16xi32>, vector<16xi32>], vector<16xf32>,
          %parallel_loop3A_477 = arith.mulf %parallel_loop3A_353, %parallel_loop3A_476 : vector<16xf32>
          %parallel_loop3A_478 = arith.constant 4 : i32
          %parallel_loop3A_479 = arith.muli %parallel_loop3A_351, %parallel_loop3A_478 : i32
          %parallel_loop3A_480 = arith.constant 2 : i32
          %parallel_loop3A_481 = arith.addi %parallel_loop3A_479, %parallel_loop3A_480 : i32
          %parallel_loop3A_482 = vector.broadcast %parallel_loop3A_481 : i32 to vector<16xi32>
          %parallel_loop3A_483 = arith.addi %parallel_loop3A_482, %iota3A : vector<16xi32>
          %parallel_loop3A_484 = arith.constant 63 : i32
          %parallel_loop3A_485 = vector.broadcast %parallel_loop3A_484 : i32 to vector<16xi32>
          %parallel_loop3A_486 = arith.andi %parallel_loop3A_483, %parallel_loop3A_485 : vector<16xi32>
          %parallel_loop3A_487 = tpu.vector_load_idx %arg9[%parallel_loop3A_165, %parallel_loop3A_486] : memref<256x64xf32, #tpu.memory_space<vmem>>[vector<16xi32>, vector<16xi32>], vector<16xf32>,
          %parallel_loop3A_488 = math.absf %parallel_loop3A_487 : vector<16xf32>
          %parallel_loop3A_489 = arith.constant 6.81643772 : f32
          %parallel_loop3A_490 = vector.broadcast %parallel_loop3A_489 : f32 to vector<16xf32>
          %parallel_loop3A_491 = arith.mulf %parallel_loop3A_488, %parallel_loop3A_490 : vector<16xf32>
          %parallel_loop3A_492 = arith.constant 1.000000e+00 : f32
          %parallel_loop3A_493 = vector.broadcast %parallel_loop3A_492 : f32 to vector<16xf32>
          %parallel_loop3A_494 = arith.addf %parallel_loop3A_491, %parallel_loop3A_493 : vector<16xf32>
          %parallel_loop3A_495 = vector.bitcast %parallel_loop3A_494 : vector<16xf32> to vector<16xi32>
          %parallel_loop3A_496 = arith.constant 13 : i32
          %parallel_loop3A_497 = vector.broadcast %parallel_loop3A_496 : i32 to vector<16xi32>
          %parallel_loop3A_498 = arith.shrsi %parallel_loop3A_495, %parallel_loop3A_497 : vector<16xi32>
          %parallel_loop3A_499 = arith.constant 1023 : i32
          %parallel_loop3A_500 = vector.broadcast %parallel_loop3A_499 : i32 to vector<16xi32>
          %parallel_loop3A_501 = arith.andi %parallel_loop3A_498, %parallel_loop3A_500 : vector<16xi32>
          %parallel_loop3A_502 = arith.constant 23 : i32
          %parallel_loop3A_503 = vector.broadcast %parallel_loop3A_502 : i32 to vector<16xi32>
          %parallel_loop3A_504 = arith.shrsi %parallel_loop3A_495, %parallel_loop3A_503 : vector<16xi32>
          %parallel_loop3A_505 = arith.sitofp %parallel_loop3A_504 : vector<16xi32> to vector<16xf32>
          %parallel_loop3A_506 = arith.constant 3.80178404 : f32
          %parallel_loop3A_507 = vector.broadcast %parallel_loop3A_506 : f32 to vector<16xf32>
          %parallel_loop3A_508 = arith.mulf %parallel_loop3A_505, %parallel_loop3A_507 : vector<16xf32>
          %parallel_loop3A_509 = tpu.vector_load_idx %arg15[%parallel_loop3A_501] : memref<1024xf32, #tpu.memory_space<vmem>>[vector<16xi32>], vector<16xf32>,
          %parallel_loop3A_510 = arith.addf %parallel_loop3A_508, %parallel_loop3A_509 : vector<16xf32>
          %parallel_loop3A_511 = arith.fptosi %parallel_loop3A_510 : vector<16xf32> to vector<16xi32>
          %parallel_loop3A_512 = arith.constant 0 : i32
          %parallel_loop3A_513 = vector.broadcast %parallel_loop3A_512 : i32 to vector<16xi32>
          %parallel_loop3A_514 = arith.maxsi %parallel_loop3A_511, %parallel_loop3A_513 : vector<16xi32>
          %parallel_loop3A_515 = arith.constant 32 : i32
          %parallel_loop3A_516 = vector.broadcast %parallel_loop3A_515 : i32 to vector<16xi32>
          %parallel_loop3A_517 = arith.minsi %parallel_loop3A_514, %parallel_loop3A_516 : vector<16xi32>
          %parallel_loop3A_518 = vector.bitcast %parallel_loop3A_487 : vector<16xf32> to vector<16xi32>
          %parallel_loop3A_519 = arith.constant 31 : i32
          %parallel_loop3A_520 = vector.broadcast %parallel_loop3A_519 : i32 to vector<16xi32>
          %parallel_loop3A_521 = arith.shrsi %parallel_loop3A_518, %parallel_loop3A_520 : vector<16xi32>
          %parallel_loop3A_522 = arith.xori %parallel_loop3A_517, %parallel_loop3A_521 : vector<16xi32>
          %parallel_loop3A_523 = arith.constant 33 : i32
          %parallel_loop3A_524 = vector.broadcast %parallel_loop3A_523 : i32 to vector<16xi32>
          %parallel_loop3A_525 = arith.addi %parallel_loop3A_522, %parallel_loop3A_524 : vector<16xi32>
          %parallel_loop3A_526 = arith.constant 64 : i32
          %parallel_loop3A_527 = vector.broadcast %parallel_loop3A_526 : i32 to vector<16xi32>
          %parallel_loop3A_528 = arith.muli %parallel_loop3A_525, %parallel_loop3A_527 : vector<16xi32>
          %parallel_loop3A_529 = arith.addi %parallel_loop3A_528, %parallel_loop3A_486 : vector<16xi32>
          %parallel_loop3A_530 = tpu.vector_load_idx %arg12[%parallel_loop3A_529] : memref<4224xf32, #tpu.memory_space<vmem>>[vector<16xi32>], vector<16xf32>,
          %parallel_loop3A_531 = tpu.vector_load_idx %arg13[%parallel_loop3A_529] : memref<4224xf32, #tpu.memory_space<vmem>>[vector<16xi32>], vector<16xf32>,
          %parallel_loop3A_532 = tpu.vector_load_idx %arg14[%parallel_loop3A_529] : memref<4224xf32, #tpu.memory_space<vmem>>[vector<16xi32>], vector<16xf32>,
          %parallel_loop3A_533 = arith.mulf %parallel_loop3A_532, %parallel_loop3A_487 : vector<16xf32>
          %parallel_loop3A_534 = arith.addf %parallel_loop3A_531, %parallel_loop3A_533 : vector<16xf32>
          %parallel_loop3A_535 = arith.mulf %parallel_loop3A_487, %parallel_loop3A_534 : vector<16xf32>
          %parallel_loop3A_536 = arith.addf %parallel_loop3A_530, %parallel_loop3A_535 : vector<16xf32>
          %parallel_loop3A_537 = arith.addf %parallel_loop3A_534, %parallel_loop3A_533 : vector<16xf32>
          tpu.vector_store_idx %arg10[%parallel_loop3A_165, %parallel_loop3A_486], %parallel_loop3A_536 : memref<256x64xf32, #tpu.memory_space<vmem>>[vector<16xi32>, vector<16xi32>], vector<16xf32>,
          %parallel_loop3A_538 = arith.mulf %parallel_loop3A_354, %parallel_loop3A_537 : vector<16xf32>
          %parallel_loop3A_539 = arith.constant 4 : i32
          %parallel_loop3A_540 = arith.muli %parallel_loop3A_351, %parallel_loop3A_539 : i32
          %parallel_loop3A_541 = arith.constant 3 : i32
          %parallel_loop3A_542 = arith.addi %parallel_loop3A_540, %parallel_loop3A_541 : i32
          %parallel_loop3A_543 = vector.broadcast %parallel_loop3A_542 : i32 to vector<16xi32>
          %parallel_loop3A_544 = arith.addi %parallel_loop3A_543, %iota3A : vector<16xi32>
          %parallel_loop3A_545 = arith.constant 63 : i32
          %parallel_loop3A_546 = vector.broadcast %parallel_loop3A_545 : i32 to vector<16xi32>
          %parallel_loop3A_547 = arith.andi %parallel_loop3A_544, %parallel_loop3A_546 : vector<16xi32>
          %parallel_loop3A_548 = tpu.vector_load_idx %arg9[%parallel_loop3A_165, %parallel_loop3A_547] : memref<256x64xf32, #tpu.memory_space<vmem>>[vector<16xi32>, vector<16xi32>], vector<16xf32>,
          %parallel_loop3A_549 = math.absf %parallel_loop3A_548 : vector<16xf32>
          %parallel_loop3A_550 = arith.constant 6.81643772 : f32
          %parallel_loop3A_551 = vector.broadcast %parallel_loop3A_550 : f32 to vector<16xf32>
          %parallel_loop3A_552 = arith.mulf %parallel_loop3A_549, %parallel_loop3A_551 : vector<16xf32>
          %parallel_loop3A_553 = arith.constant 1.000000e+00 : f32
          %parallel_loop3A_554 = vector.broadcast %parallel_loop3A_553 : f32 to vector<16xf32>
          %parallel_loop3A_555 = arith.addf %parallel_loop3A_552, %parallel_loop3A_554 : vector<16xf32>
          %parallel_loop3A_556 = vector.bitcast %parallel_loop3A_555 : vector<16xf32> to vector<16xi32>
          %parallel_loop3A_557 = arith.constant 13 : i32
          %parallel_loop3A_558 = vector.broadcast %parallel_loop3A_557 : i32 to vector<16xi32>
          %parallel_loop3A_559 = arith.shrsi %parallel_loop3A_556, %parallel_loop3A_558 : vector<16xi32>
          %parallel_loop3A_560 = arith.constant 1023 : i32
          %parallel_loop3A_561 = vector.broadcast %parallel_loop3A_560 : i32 to vector<16xi32>
          %parallel_loop3A_562 = arith.andi %parallel_loop3A_559, %parallel_loop3A_561 : vector<16xi32>
          %parallel_loop3A_563 = arith.constant 23 : i32
          %parallel_loop3A_564 = vector.broadcast %parallel_loop3A_563 : i32 to vector<16xi32>
          %parallel_loop3A_565 = arith.shrsi %parallel_loop3A_556, %parallel_loop3A_564 : vector<16xi32>
          %parallel_loop3A_566 = arith.sitofp %parallel_loop3A_565 : vector<16xi32> to vector<16xf32>
          %parallel_loop3A_567 = arith.constant 3.80178404 : f32
          %parallel_loop3A_568 = vector.broadcast %parallel_loop3A_567 : f32 to vector<16xf32>
          %parallel_loop3A_569 = arith.mulf %parallel_loop3A_566, %parallel_loop3A_568 : vector<16xf32>
          %parallel_loop3A_570 = tpu.vector_load_idx %arg15[%parallel_loop3A_562] : memref<1024xf32, #tpu.memory_space<vmem>>[vector<16xi32>], vector<16xf32>,
          %parallel_loop3A_571 = arith.addf %parallel_loop3A_569, %parallel_loop3A_570 : vector<16xf32>
          %parallel_loop3A_572 = arith.fptosi %parallel_loop3A_571 : vector<16xf32> to vector<16xi32>
          %parallel_loop3A_573 = arith.constant 0 : i32
          %parallel_loop3A_574 = vector.broadcast %parallel_loop3A_573 : i32 to vector<16xi32>
          %parallel_loop3A_575 = arith.maxsi %parallel_loop3A_572, %parallel_loop3A_574 : vector<16xi32>
          %parallel_loop3A_576 = arith.constant 32 : i32
          %parallel_loop3A_577 = vector.broadcast %parallel_loop3A_576 : i32 to vector<16xi32>
          %parallel_loop3A_578 = arith.minsi %parallel_loop3A_575, %parallel_loop3A_577 : vector<16xi32>
          %parallel_loop3A_579 = vector.bitcast %parallel_loop3A_548 : vector<16xf32> to vector<16xi32>
          %parallel_loop3A_580 = arith.constant 31 : i32
          %parallel_loop3A_581 = vector.broadcast %parallel_loop3A_580 : i32 to vector<16xi32>
          %parallel_loop3A_582 = arith.shrsi %parallel_loop3A_579, %parallel_loop3A_581 : vector<16xi32>
          %parallel_loop3A_583 = arith.xori %parallel_loop3A_578, %parallel_loop3A_582 : vector<16xi32>
          %parallel_loop3A_584 = arith.constant 33 : i32
          %parallel_loop3A_585 = vector.broadcast %parallel_loop3A_584 : i32 to vector<16xi32>
          %parallel_loop3A_586 = arith.addi %parallel_loop3A_583, %parallel_loop3A_585 : vector<16xi32>
          %parallel_loop3A_587 = arith.constant 64 : i32
          %parallel_loop3A_588 = vector.broadcast %parallel_loop3A_587 : i32 to vector<16xi32>
          %parallel_loop3A_589 = arith.muli %parallel_loop3A_586, %parallel_loop3A_588 : vector<16xi32>
          %parallel_loop3A_590 = arith.addi %parallel_loop3A_589, %parallel_loop3A_547 : vector<16xi32>
          %parallel_loop3A_591 = tpu.vector_load_idx %arg12[%parallel_loop3A_590] : memref<4224xf32, #tpu.memory_space<vmem>>[vector<16xi32>], vector<16xf32>,
          %parallel_loop3A_592 = tpu.vector_load_idx %arg13[%parallel_loop3A_590] : memref<4224xf32, #tpu.memory_space<vmem>>[vector<16xi32>], vector<16xf32>,
          %parallel_loop3A_593 = tpu.vector_load_idx %arg14[%parallel_loop3A_590] : memref<4224xf32, #tpu.memory_space<vmem>>[vector<16xi32>], vector<16xf32>,
          %parallel_loop3A_594 = arith.mulf %parallel_loop3A_593, %parallel_loop3A_548 : vector<16xf32>
          %parallel_loop3A_595 = arith.addf %parallel_loop3A_592, %parallel_loop3A_594 : vector<16xf32>
          %parallel_loop3A_596 = arith.mulf %parallel_loop3A_548, %parallel_loop3A_595 : vector<16xf32>
          %parallel_loop3A_597 = arith.addf %parallel_loop3A_591, %parallel_loop3A_596 : vector<16xf32>
          %parallel_loop3A_598 = arith.addf %parallel_loop3A_595, %parallel_loop3A_594 : vector<16xf32>
          tpu.vector_store_idx %arg10[%parallel_loop3A_165, %parallel_loop3A_547], %parallel_loop3A_597 : memref<256x64xf32, #tpu.memory_space<vmem>>[vector<16xi32>, vector<16xi32>], vector<16xf32>,
          %parallel_loop3A_599 = arith.mulf %parallel_loop3A_355, %parallel_loop3A_598 : vector<16xf32>
          scf.yield %parallel_loop3A_416, %parallel_loop3A_477, %parallel_loop3A_538, %parallel_loop3A_599 : vector<16xf32>, vector<16xf32>, vector<16xf32>, vector<16xf32>
        } {sc.loop_unroll_factor = 2 : i64, sc.parallel_access}
        %parallel_loop3A_170 = vector.bitcast %parallel_loop3A_169#0 : vector<16xf32> to vector<16xi32>
        %parallel_loop3A_171 = arith.constant 23 : i32
        %parallel_loop3A_172 = vector.broadcast %parallel_loop3A_171 : i32 to vector<16xi32>
        %parallel_loop3A_173 = arith.shrsi %parallel_loop3A_170, %parallel_loop3A_172 : vector<16xi32>
        %parallel_loop3A_174 = arith.sitofp %parallel_loop3A_173 : vector<16xi32> to vector<16xf32>
        %parallel_loop3A_175 = arith.constant 8388607 : i32
        %parallel_loop3A_176 = vector.broadcast %parallel_loop3A_175 : i32 to vector<16xi32>
        %parallel_loop3A_177 = arith.andi %parallel_loop3A_170, %parallel_loop3A_176 : vector<16xi32>
        %parallel_loop3A_178 = arith.constant 1065353216 : i32
        %parallel_loop3A_179 = vector.broadcast %parallel_loop3A_178 : i32 to vector<16xi32>
        %parallel_loop3A_180 = arith.ori %parallel_loop3A_177, %parallel_loop3A_179 : vector<16xi32>
        %parallel_loop3A_181 = vector.bitcast %parallel_loop3A_180 : vector<16xi32> to vector<16xf32>
        %parallel_loop3A_182 = arith.mulf %parallel_loop3A_181, %parallel_loop3A_181 : vector<16xf32>
        %parallel_loop3A_183 = arith.constant 4.22119713 : f32
        %parallel_loop3A_184 = vector.broadcast %parallel_loop3A_183 : f32 to vector<16xf32>
        %parallel_loop3A_185 = arith.mulf %parallel_loop3A_184, %parallel_loop3A_181 : vector<16xf32>
        %parallel_loop3A_186 = arith.constant -90.1331176 : f32
        %parallel_loop3A_187 = vector.broadcast %parallel_loop3A_186 : f32 to vector<16xf32>
        %parallel_loop3A_188 = arith.addf %parallel_loop3A_185, %parallel_loop3A_187 : vector<16xf32>
        %parallel_loop3A_189 = arith.constant 2.25236273 : f32
        %parallel_loop3A_190 = vector.broadcast %parallel_loop3A_189 : f32 to vector<16xf32>
        %parallel_loop3A_191 = arith.mulf %parallel_loop3A_190, %parallel_loop3A_181 : vector<16xf32>
        %parallel_loop3A_192 = arith.constant -3.67486978 : f32
        %parallel_loop3A_193 = vector.broadcast %parallel_loop3A_192 : f32 to vector<16xf32>
        %parallel_loop3A_194 = arith.addf %parallel_loop3A_191, %parallel_loop3A_193 : vector<16xf32>
        %parallel_loop3A_195 = arith.constant 0.187176123 : f32
        %parallel_loop3A_196 = vector.broadcast %parallel_loop3A_195 : f32 to vector<16xf32>
        %parallel_loop3A_197 = arith.mulf %parallel_loop3A_196, %parallel_loop3A_181 : vector<16xf32>
        %parallel_loop3A_198 = arith.constant -0.865023493 : f32
        %parallel_loop3A_199 = vector.broadcast %parallel_loop3A_198 : f32 to vector<16xf32>
        %parallel_loop3A_200 = arith.addf %parallel_loop3A_197, %parallel_loop3A_199 : vector<16xf32>
        %parallel_loop3A_201 = arith.constant -0.0174141172 : f32
        %parallel_loop3A_202 = vector.broadcast %parallel_loop3A_201 : f32 to vector<16xf32>
        %parallel_loop3A_203 = arith.mulf %parallel_loop3A_202, %parallel_loop3A_182 : vector<16xf32>
        %parallel_loop3A_204 = arith.addf %parallel_loop3A_203, %parallel_loop3A_200 : vector<16xf32>
        %parallel_loop3A_205 = arith.mulf %parallel_loop3A_204, %parallel_loop3A_182 : vector<16xf32>
        %parallel_loop3A_206 = arith.addf %parallel_loop3A_205, %parallel_loop3A_194 : vector<16xf32>
        %parallel_loop3A_207 = arith.mulf %parallel_loop3A_206, %parallel_loop3A_182 : vector<16xf32>
        %parallel_loop3A_208 = arith.addf %parallel_loop3A_207, %parallel_loop3A_188 : vector<16xf32>
        %parallel_loop3A_209 = arith.constant 0.693147182 : f32
        %parallel_loop3A_210 = vector.broadcast %parallel_loop3A_209 : f32 to vector<16xf32>
        %parallel_loop3A_211 = arith.mulf %parallel_loop3A_174, %parallel_loop3A_210 : vector<16xf32>
        %parallel_loop3A_212 = arith.addf %parallel_loop3A_208, %parallel_loop3A_211 : vector<16xf32>
        %parallel_loop3A_213 = vector.bitcast %parallel_loop3A_169#1 : vector<16xf32> to vector<16xi32>
        %parallel_loop3A_214 = arith.constant 23 : i32
        %parallel_loop3A_215 = vector.broadcast %parallel_loop3A_214 : i32 to vector<16xi32>
        %parallel_loop3A_216 = arith.shrsi %parallel_loop3A_213, %parallel_loop3A_215 : vector<16xi32>
        %parallel_loop3A_217 = arith.sitofp %parallel_loop3A_216 : vector<16xi32> to vector<16xf32>
        %parallel_loop3A_218 = arith.constant 8388607 : i32
        %parallel_loop3A_219 = vector.broadcast %parallel_loop3A_218 : i32 to vector<16xi32>
        %parallel_loop3A_220 = arith.andi %parallel_loop3A_213, %parallel_loop3A_219 : vector<16xi32>
        %parallel_loop3A_221 = arith.constant 1065353216 : i32
        %parallel_loop3A_222 = vector.broadcast %parallel_loop3A_221 : i32 to vector<16xi32>
        %parallel_loop3A_223 = arith.ori %parallel_loop3A_220, %parallel_loop3A_222 : vector<16xi32>
        %parallel_loop3A_224 = vector.bitcast %parallel_loop3A_223 : vector<16xi32> to vector<16xf32>
        %parallel_loop3A_225 = arith.mulf %parallel_loop3A_224, %parallel_loop3A_224 : vector<16xf32>
        %parallel_loop3A_226 = arith.constant 4.22119713 : f32
        %parallel_loop3A_227 = vector.broadcast %parallel_loop3A_226 : f32 to vector<16xf32>
        %parallel_loop3A_228 = arith.mulf %parallel_loop3A_227, %parallel_loop3A_224 : vector<16xf32>
        %parallel_loop3A_229 = arith.constant -90.1331176 : f32
        %parallel_loop3A_230 = vector.broadcast %parallel_loop3A_229 : f32 to vector<16xf32>
        %parallel_loop3A_231 = arith.addf %parallel_loop3A_228, %parallel_loop3A_230 : vector<16xf32>
        %parallel_loop3A_232 = arith.constant 2.25236273 : f32
        %parallel_loop3A_233 = vector.broadcast %parallel_loop3A_232 : f32 to vector<16xf32>
        %parallel_loop3A_234 = arith.mulf %parallel_loop3A_233, %parallel_loop3A_224 : vector<16xf32>
        %parallel_loop3A_235 = arith.constant -3.67486978 : f32
        %parallel_loop3A_236 = vector.broadcast %parallel_loop3A_235 : f32 to vector<16xf32>
        %parallel_loop3A_237 = arith.addf %parallel_loop3A_234, %parallel_loop3A_236 : vector<16xf32>
        %parallel_loop3A_238 = arith.constant 0.187176123 : f32
        %parallel_loop3A_239 = vector.broadcast %parallel_loop3A_238 : f32 to vector<16xf32>
        %parallel_loop3A_240 = arith.mulf %parallel_loop3A_239, %parallel_loop3A_224 : vector<16xf32>
        %parallel_loop3A_241 = arith.constant -0.865023493 : f32
        %parallel_loop3A_242 = vector.broadcast %parallel_loop3A_241 : f32 to vector<16xf32>
        %parallel_loop3A_243 = arith.addf %parallel_loop3A_240, %parallel_loop3A_242 : vector<16xf32>
        %parallel_loop3A_244 = arith.constant -0.0174141172 : f32
        %parallel_loop3A_245 = vector.broadcast %parallel_loop3A_244 : f32 to vector<16xf32>
        %parallel_loop3A_246 = arith.mulf %parallel_loop3A_245, %parallel_loop3A_225 : vector<16xf32>
        %parallel_loop3A_247 = arith.addf %parallel_loop3A_246, %parallel_loop3A_243 : vector<16xf32>
        %parallel_loop3A_248 = arith.mulf %parallel_loop3A_247, %parallel_loop3A_225 : vector<16xf32>
        %parallel_loop3A_249 = arith.addf %parallel_loop3A_248, %parallel_loop3A_237 : vector<16xf32>
        %parallel_loop3A_250 = arith.mulf %parallel_loop3A_249, %parallel_loop3A_225 : vector<16xf32>
        %parallel_loop3A_251 = arith.addf %parallel_loop3A_250, %parallel_loop3A_231 : vector<16xf32>
        %parallel_loop3A_252 = arith.constant 0.693147182 : f32
        %parallel_loop3A_253 = vector.broadcast %parallel_loop3A_252 : f32 to vector<16xf32>
        %parallel_loop3A_254 = arith.mulf %parallel_loop3A_217, %parallel_loop3A_253 : vector<16xf32>
        %parallel_loop3A_255 = arith.addf %parallel_loop3A_251, %parallel_loop3A_254 : vector<16xf32>
        %parallel_loop3A_256 = arith.addf %parallel_loop3A_212, %parallel_loop3A_255 : vector<16xf32>
        %parallel_loop3A_257 = vector.bitcast %parallel_loop3A_169#2 : vector<16xf32> to vector<16xi32>
        %parallel_loop3A_258 = arith.constant 23 : i32
        %parallel_loop3A_259 = vector.broadcast %parallel_loop3A_258 : i32 to vector<16xi32>
        %parallel_loop3A_260 = arith.shrsi %parallel_loop3A_257, %parallel_loop3A_259 : vector<16xi32>
        %parallel_loop3A_261 = arith.sitofp %parallel_loop3A_260 : vector<16xi32> to vector<16xf32>
        %parallel_loop3A_262 = arith.constant 8388607 : i32
        %parallel_loop3A_263 = vector.broadcast %parallel_loop3A_262 : i32 to vector<16xi32>
        %parallel_loop3A_264 = arith.andi %parallel_loop3A_257, %parallel_loop3A_263 : vector<16xi32>
        %parallel_loop3A_265 = arith.constant 1065353216 : i32
        %parallel_loop3A_266 = vector.broadcast %parallel_loop3A_265 : i32 to vector<16xi32>
        %parallel_loop3A_267 = arith.ori %parallel_loop3A_264, %parallel_loop3A_266 : vector<16xi32>
        %parallel_loop3A_268 = vector.bitcast %parallel_loop3A_267 : vector<16xi32> to vector<16xf32>
        %parallel_loop3A_269 = arith.mulf %parallel_loop3A_268, %parallel_loop3A_268 : vector<16xf32>
        %parallel_loop3A_270 = arith.constant 4.22119713 : f32
        %parallel_loop3A_271 = vector.broadcast %parallel_loop3A_270 : f32 to vector<16xf32>
        %parallel_loop3A_272 = arith.mulf %parallel_loop3A_271, %parallel_loop3A_268 : vector<16xf32>
        %parallel_loop3A_273 = arith.constant -90.1331176 : f32
        %parallel_loop3A_274 = vector.broadcast %parallel_loop3A_273 : f32 to vector<16xf32>
        %parallel_loop3A_275 = arith.addf %parallel_loop3A_272, %parallel_loop3A_274 : vector<16xf32>
        %parallel_loop3A_276 = arith.constant 2.25236273 : f32
        %parallel_loop3A_277 = vector.broadcast %parallel_loop3A_276 : f32 to vector<16xf32>
        %parallel_loop3A_278 = arith.mulf %parallel_loop3A_277, %parallel_loop3A_268 : vector<16xf32>
        %parallel_loop3A_279 = arith.constant -3.67486978 : f32
        %parallel_loop3A_280 = vector.broadcast %parallel_loop3A_279 : f32 to vector<16xf32>
        %parallel_loop3A_281 = arith.addf %parallel_loop3A_278, %parallel_loop3A_280 : vector<16xf32>
        %parallel_loop3A_282 = arith.constant 0.187176123 : f32
        %parallel_loop3A_283 = vector.broadcast %parallel_loop3A_282 : f32 to vector<16xf32>
        %parallel_loop3A_284 = arith.mulf %parallel_loop3A_283, %parallel_loop3A_268 : vector<16xf32>
        %parallel_loop3A_285 = arith.constant -0.865023493 : f32
        %parallel_loop3A_286 = vector.broadcast %parallel_loop3A_285 : f32 to vector<16xf32>
        %parallel_loop3A_287 = arith.addf %parallel_loop3A_284, %parallel_loop3A_286 : vector<16xf32>
        %parallel_loop3A_288 = arith.constant -0.0174141172 : f32
        %parallel_loop3A_289 = vector.broadcast %parallel_loop3A_288 : f32 to vector<16xf32>
        %parallel_loop3A_290 = arith.mulf %parallel_loop3A_289, %parallel_loop3A_269 : vector<16xf32>
        %parallel_loop3A_291 = arith.addf %parallel_loop3A_290, %parallel_loop3A_287 : vector<16xf32>
        %parallel_loop3A_292 = arith.mulf %parallel_loop3A_291, %parallel_loop3A_269 : vector<16xf32>
        %parallel_loop3A_293 = arith.addf %parallel_loop3A_292, %parallel_loop3A_281 : vector<16xf32>
        %parallel_loop3A_294 = arith.mulf %parallel_loop3A_293, %parallel_loop3A_269 : vector<16xf32>
        %parallel_loop3A_295 = arith.addf %parallel_loop3A_294, %parallel_loop3A_275 : vector<16xf32>
        %parallel_loop3A_296 = arith.constant 0.693147182 : f32
        %parallel_loop3A_297 = vector.broadcast %parallel_loop3A_296 : f32 to vector<16xf32>
        %parallel_loop3A_298 = arith.mulf %parallel_loop3A_261, %parallel_loop3A_297 : vector<16xf32>
        %parallel_loop3A_299 = arith.addf %parallel_loop3A_295, %parallel_loop3A_298 : vector<16xf32>
        %parallel_loop3A_300 = arith.addf %parallel_loop3A_256, %parallel_loop3A_299 : vector<16xf32>
        %parallel_loop3A_301 = vector.bitcast %parallel_loop3A_169#3 : vector<16xf32> to vector<16xi32>
        %parallel_loop3A_302 = arith.constant 23 : i32
        %parallel_loop3A_303 = vector.broadcast %parallel_loop3A_302 : i32 to vector<16xi32>
        %parallel_loop3A_304 = arith.shrsi %parallel_loop3A_301, %parallel_loop3A_303 : vector<16xi32>
        %parallel_loop3A_305 = arith.sitofp %parallel_loop3A_304 : vector<16xi32> to vector<16xf32>
        %parallel_loop3A_306 = arith.constant 8388607 : i32
        %parallel_loop3A_307 = vector.broadcast %parallel_loop3A_306 : i32 to vector<16xi32>
        %parallel_loop3A_308 = arith.andi %parallel_loop3A_301, %parallel_loop3A_307 : vector<16xi32>
        %parallel_loop3A_309 = arith.constant 1065353216 : i32
        %parallel_loop3A_310 = vector.broadcast %parallel_loop3A_309 : i32 to vector<16xi32>
        %parallel_loop3A_311 = arith.ori %parallel_loop3A_308, %parallel_loop3A_310 : vector<16xi32>
        %parallel_loop3A_312 = vector.bitcast %parallel_loop3A_311 : vector<16xi32> to vector<16xf32>
        %parallel_loop3A_313 = arith.mulf %parallel_loop3A_312, %parallel_loop3A_312 : vector<16xf32>
        %parallel_loop3A_314 = arith.constant 4.22119713 : f32
        %parallel_loop3A_315 = vector.broadcast %parallel_loop3A_314 : f32 to vector<16xf32>
        %parallel_loop3A_316 = arith.mulf %parallel_loop3A_315, %parallel_loop3A_312 : vector<16xf32>
        %parallel_loop3A_317 = arith.constant -90.1331176 : f32
        %parallel_loop3A_318 = vector.broadcast %parallel_loop3A_317 : f32 to vector<16xf32>
        %parallel_loop3A_319 = arith.addf %parallel_loop3A_316, %parallel_loop3A_318 : vector<16xf32>
        %parallel_loop3A_320 = arith.constant 2.25236273 : f32
        %parallel_loop3A_321 = vector.broadcast %parallel_loop3A_320 : f32 to vector<16xf32>
        %parallel_loop3A_322 = arith.mulf %parallel_loop3A_321, %parallel_loop3A_312 : vector<16xf32>
        %parallel_loop3A_323 = arith.constant -3.67486978 : f32
        %parallel_loop3A_324 = vector.broadcast %parallel_loop3A_323 : f32 to vector<16xf32>
        %parallel_loop3A_325 = arith.addf %parallel_loop3A_322, %parallel_loop3A_324 : vector<16xf32>
        %parallel_loop3A_326 = arith.constant 0.187176123 : f32
        %parallel_loop3A_327 = vector.broadcast %parallel_loop3A_326 : f32 to vector<16xf32>
        %parallel_loop3A_328 = arith.mulf %parallel_loop3A_327, %parallel_loop3A_312 : vector<16xf32>
        %parallel_loop3A_329 = arith.constant -0.865023493 : f32
        %parallel_loop3A_330 = vector.broadcast %parallel_loop3A_329 : f32 to vector<16xf32>
        %parallel_loop3A_331 = arith.addf %parallel_loop3A_328, %parallel_loop3A_330 : vector<16xf32>
        %parallel_loop3A_332 = arith.constant -0.0174141172 : f32
        %parallel_loop3A_333 = vector.broadcast %parallel_loop3A_332 : f32 to vector<16xf32>
        %parallel_loop3A_334 = arith.mulf %parallel_loop3A_333, %parallel_loop3A_313 : vector<16xf32>
        %parallel_loop3A_335 = arith.addf %parallel_loop3A_334, %parallel_loop3A_331 : vector<16xf32>
        %parallel_loop3A_336 = arith.mulf %parallel_loop3A_335, %parallel_loop3A_313 : vector<16xf32>
        %parallel_loop3A_337 = arith.addf %parallel_loop3A_336, %parallel_loop3A_325 : vector<16xf32>
        %parallel_loop3A_338 = arith.mulf %parallel_loop3A_337, %parallel_loop3A_313 : vector<16xf32>
        %parallel_loop3A_339 = arith.addf %parallel_loop3A_338, %parallel_loop3A_319 : vector<16xf32>
        %parallel_loop3A_340 = arith.constant 0.693147182 : f32
        %parallel_loop3A_341 = vector.broadcast %parallel_loop3A_340 : f32 to vector<16xf32>
        %parallel_loop3A_342 = arith.mulf %parallel_loop3A_305, %parallel_loop3A_341 : vector<16xf32>
        %parallel_loop3A_343 = arith.addf %parallel_loop3A_339, %parallel_loop3A_342 : vector<16xf32>
        %parallel_loop3A_344 = arith.addf %parallel_loop3A_300, %parallel_loop3A_343 : vector<16xf32>
        %parallel_loop3A_345 = arith.constant 16 : i32
        %parallel_loop3A_346 = arith.muli %parallel_loop3A_159, %parallel_loop3A_345 : i32
        %parallel_loop3A_347 = arith.constant 0 : i32
        %parallel_loop3A_348 = arith.addi %parallel_loop3A_347, %parallel_loop3A_346 : i32
        %parallel_loop3A_349 = arith.index_cast %parallel_loop3A_348 : i32 to index
        %parallel_loop3A_350 = tpu.vector_load %arg11[%parallel_loop3A_349] {strides = array<i32>} : memref<256xf32, #tpu.memory_space<vmem>>, vector<16xf32>,
        tpu.vector_store %arg11[%parallel_loop3A_349], %parallel_loop3A_344 {strides = array<i32>} : memref<256xf32, #tpu.memory_space<vmem>>, vector<16xf32>,
      } {sc.loop_unroll_factor = 1 : i64, sc.parallel_access}
      %mul3A_86 = arith.constant 128 : i32
      %mul3A_87 = arith.muli %add3A_61, %mul3A_86 : i32
      %add3A_88 = arith.addi %mul3A_2, %mul3A_87 : i32
      %multiple_of3A_89 = tpu.assume_multiple %add3A_88, 8 : i32
      %dma_start3A_90 = arith.constant 0 : i32
      %dma_start3A_91 = arith.constant 0 : i32
      %dma_start3A_92 = tpu.memref_slice %arg10[%dma_start3A_90, %dma_start3A_91] : memref<256x64xf32, #tpu.memory_space<vmem>> -> memref<128x64xf32, #tpu.memory_space<vmem>>
      %dma_start3A_93 = arith.constant 0 : i32
      %dma_start3A_94 = tpu.memref_slice %arg7[%multiple_of3A_89, %dma_start3A_93] : memref<262144x64xf32, #tpu.memory_space<hbm>> -> memref<128x64xf32, #tpu.memory_space<hbm>>
      %dma_start3A_95 = arith.constant 0 : i32
      %dma_start3A_96 = tpu.memref_slice %arg7[%multiple_of3A_89, %dma_start3A_95] : memref<262144x64xf32, #tpu.memory_space<hbm>> -> memref<128x64xf32, #tpu.memory_space<hbm>>
      %dma_start3A_97 = arith.constant 0 : i32
      %dma_start3A_98 = arith.constant 0 : i32
      %dma_start3A_99 = tpu.memref_slice %arg10[%dma_start3A_97, %dma_start3A_98] : memref<256x64xf32, #tpu.memory_space<vmem>> -> memref<128x64xf32, #tpu.memory_space<vmem>>
      tpu.enqueue_dma source(%dma_start3A_99 : memref<128x64xf32, #tpu.memory_space<vmem>>) target(%dma_start3A_96 : memref<128x64xf32, #tpu.memory_space<hbm>>) target_semaphore(%arg18 : memref<!tpu.dma_semaphore, #tpu.memory_space<semaphore_mem>>)
      %dma_start3A_100 = arith.constant 0 : i32
      %dma_start3A_101 = tpu.memref_slice %arg11[%dma_start3A_100] : memref<256xf32, #tpu.memory_space<vmem>> -> memref<128xf32, #tpu.memory_space<vmem>>
      %dma_start3A_102 = tpu.memref_slice %arg8[%multiple_of3A_89] : memref<262144xf32, #tpu.memory_space<hbm>> -> memref<128xf32, #tpu.memory_space<hbm>>
      %dma_start3A_103 = tpu.memref_slice %arg8[%multiple_of3A_89] : memref<262144xf32, #tpu.memory_space<hbm>> -> memref<128xf32, #tpu.memory_space<hbm>>
      %dma_start3A_104 = arith.constant 0 : i32
      %dma_start3A_105 = tpu.memref_slice %arg11[%dma_start3A_104] : memref<256xf32, #tpu.memory_space<vmem>> -> memref<128xf32, #tpu.memory_space<vmem>>
      tpu.enqueue_dma source(%dma_start3A_105 : memref<128xf32, #tpu.memory_space<vmem>>) target(%dma_start3A_103 : memref<128xf32, #tpu.memory_space<hbm>>) target_semaphore(%arg20 : memref<!tpu.dma_semaphore, #tpu.memory_space<semaphore_mem>>)
      %mul3A_106 = arith.constant 2 : i32
      %mul3A_107 = arith.muli %scan3A_57, %mul3A_106 : i32
      %add3A_108 = arith.constant 1 : i32
      %add3A_109 = arith.addi %mul3A_107, %add3A_108 : i32
      %mul3A_110 = arith.constant 128 : i32
      %mul3A_111 = arith.muli %add3A_109, %mul3A_110 : i32
      %add3A_112 = arith.addi %mul3A_2, %mul3A_111 : i32
      %multiple_of3A_113 = tpu.assume_multiple %add3A_112, 8 : i32
      %dma_wait3A_114 = arith.constant 128 : i32
      %dma_wait3A_115 = arith.constant 0 : i32
      %dma_wait3A_116 = tpu.memref_slice %arg9[%dma_wait3A_114, %dma_wait3A_115] : memref<256x64xf32, #tpu.memory_space<vmem>> -> memref<128x64xf32, #tpu.memory_space<vmem>>
      %dma_wait3A_117 = arith.constant 0 : i32
      %dma_wait3A_118 = tpu.memref_slice %arg2[%multiple_of3A_113, %dma_wait3A_117] : memref<262144x64xf32, #tpu.memory_space<hbm>> -> memref<128x64xf32, #tpu.memory_space<hbm>>
      %dma_wait3A_119 = arith.constant 128 : i32
      %dma_wait3A_120 = arith.constant 0 : i32
      %dma_wait3A_121 = tpu.memref_slice %arg9[%dma_wait3A_119, %dma_wait3A_120] : memref<256x64xf32, #tpu.memory_space<vmem>> -> memref<128x64xf32, #tpu.memory_space<vmem>>
      %dma_wait3A_122 = arith.constant 0 : i32
      %dma_wait3A_123 = tpu.memref_slice %arg2[%multiple_of3A_113, %dma_wait3A_122] : memref<262144x64xf32, #tpu.memory_space<hbm>> -> memref<128x64xf32, #tpu.memory_space<hbm>>
      tpu.wait_dma2 semaphore(%arg17 : memref<!tpu.dma_semaphore, #tpu.memory_space<semaphore_mem>>) src(%dma_wait3A_123 : memref<128x64xf32, #tpu.memory_space<hbm>>) dst(%dma_wait3A_121 : memref<128x64xf32, #tpu.memory_space<vmem>>)
      %add3A_124 = arith.constant 1 : i32
      %add3A_125 = arith.addi %add3A_109, %add3A_124 : i32
      %lt3A_126 = arith.constant 64 : i32
      %lt3A_127 = arith.cmpi slt, %add3A_125, %lt3A_126 : i32
      %convert_element_type3A_128 = arith.extui %lt3A_127 : i1 to i32
      %cond3A_129 = arith.constant 0 : i32
      %cond3A_130 = arith.cmpi ne, %convert_element_type3A_128, %cond3A_129 : i32
      scf.if %cond3A_130 {
        %add3A_159 = arith.constant 1 : i32
        %add3A_160 = arith.addi %add3A_109, %add3A_159 : i32
        %mul3A_161 = arith.constant 128 : i32
        %mul3A_162 = arith.muli %add3A_160, %mul3A_161 : i32
        %add3A_163 = arith.addi %mul3A_2, %mul3A_162 : i32
        %multiple_of3A_164 = tpu.assume_multiple %add3A_163, 8 : i32
        %dma_start3A_165 = arith.constant 0 : i32
        %dma_start3A_166 = arith.constant 0 : i32
        %dma_start3A_167 = tpu.memref_slice %arg9[%dma_start3A_165, %dma_start3A_166] : memref<256x64xf32, #tpu.memory_space<vmem>> -> memref<128x64xf32, #tpu.memory_space<vmem>>
        %dma_start3A_168 = arith.constant 0 : i32
        %dma_start3A_169 = tpu.memref_slice %arg2[%multiple_of3A_164, %dma_start3A_168] : memref<262144x64xf32, #tpu.memory_space<hbm>> -> memref<128x64xf32, #tpu.memory_space<hbm>>
        %dma_start3A_170 = arith.constant 0 : i32
        %dma_start3A_171 = arith.constant 0 : i32
        %dma_start3A_172 = tpu.memref_slice %arg9[%dma_start3A_170, %dma_start3A_171] : memref<256x64xf32, #tpu.memory_space<vmem>> -> memref<128x64xf32, #tpu.memory_space<vmem>>
        %dma_start3A_173 = arith.constant 0 : i32
        %dma_start3A_174 = tpu.memref_slice %arg2[%multiple_of3A_164, %dma_start3A_173] : memref<262144x64xf32, #tpu.memory_space<hbm>> -> memref<128x64xf32, #tpu.memory_space<hbm>>
        tpu.enqueue_dma source(%dma_start3A_174 : memref<128x64xf32, #tpu.memory_space<hbm>>) target(%dma_start3A_172 : memref<128x64xf32, #tpu.memory_space<vmem>>) target_semaphore(%arg16 : memref<!tpu.dma_semaphore, #tpu.memory_space<semaphore_mem>>)
      } else {
      }
      %gt3A_131 = arith.constant 0 : i32
      %gt3A_132 = arith.cmpi sgt, %scan3A_57, %gt3A_131 : i32
      %convert_element_type3A_133 = arith.extui %gt3A_132 : i1 to i32
      %cond3A_134 = arith.constant 0 : i32
      %cond3A_135 = arith.cmpi ne, %convert_element_type3A_133, %cond3A_134 : i32
      scf.if %cond3A_135 {
        %sub3A = arith.constant 2 : i32
        %sub3A_159 = arith.subi %add3A_109, %sub3A : i32
        %mul3A_160 = arith.constant 128 : i32
        %mul3A_161 = arith.muli %sub3A_159, %mul3A_160 : i32
        %add3A_162 = arith.addi %mul3A_2, %mul3A_161 : i32
        %multiple_of3A_163 = tpu.assume_multiple %add3A_162, 8 : i32
        %dma_wait3A_164 = arith.constant 128 : i32
        %dma_wait3A_165 = arith.constant 0 : i32
        %dma_wait3A_166 = tpu.memref_slice %arg10[%dma_wait3A_164, %dma_wait3A_165] : memref<256x64xf32, #tpu.memory_space<vmem>> -> memref<128x64xf32, #tpu.memory_space<vmem>>
        %dma_wait3A_167 = arith.constant 0 : i32
        %dma_wait3A_168 = tpu.memref_slice %arg7[%multiple_of3A_163, %dma_wait3A_167] : memref<262144x64xf32, #tpu.memory_space<hbm>> -> memref<128x64xf32, #tpu.memory_space<hbm>>
        %dma_wait3A_169 = arith.constant 0 : i32
        %dma_wait3A_170 = tpu.memref_slice %arg7[%multiple_of3A_163, %dma_wait3A_169] : memref<262144x64xf32, #tpu.memory_space<hbm>> -> memref<128x64xf32, #tpu.memory_space<hbm>>
        %dma_wait3A_171 = arith.constant 128 : i32
        %dma_wait3A_172 = arith.constant 0 : i32
        %dma_wait3A_173 = tpu.memref_slice %arg10[%dma_wait3A_171, %dma_wait3A_172] : memref<256x64xf32, #tpu.memory_space<vmem>> -> memref<128x64xf32, #tpu.memory_space<vmem>>
        tpu.wait_dma2 semaphore(%arg19 : memref<!tpu.dma_semaphore, #tpu.memory_space<semaphore_mem>>) src(%dma_wait3A_173 : memref<128x64xf32, #tpu.memory_space<vmem>>) dst(%dma_wait3A_170 : memref<128x64xf32, #tpu.memory_space<hbm>>)
        %dma_wait3A_174 = arith.constant 128 : i32
        %dma_wait3A_175 = tpu.memref_slice %arg11[%dma_wait3A_174] : memref<256xf32, #tpu.memory_space<vmem>> -> memref<128xf32, #tpu.memory_space<vmem>>
        %dma_wait3A_176 = tpu.memref_slice %arg8[%multiple_of3A_163] : memref<262144xf32, #tpu.memory_space<hbm>> -> memref<128xf32, #tpu.memory_space<hbm>>
        %dma_wait3A_177 = tpu.memref_slice %arg8[%multiple_of3A_163] : memref<262144xf32, #tpu.memory_space<hbm>> -> memref<128xf32, #tpu.memory_space<hbm>>
        %dma_wait3A_178 = arith.constant 128 : i32
        %dma_wait3A_179 = tpu.memref_slice %arg11[%dma_wait3A_178] : memref<256xf32, #tpu.memory_space<vmem>> -> memref<128xf32, #tpu.memory_space<vmem>>
        tpu.wait_dma2 semaphore(%arg21 : memref<!tpu.dma_semaphore, #tpu.memory_space<semaphore_mem>>) src(%dma_wait3A_179 : memref<128xf32, #tpu.memory_space<vmem>>) dst(%dma_wait3A_177 : memref<128xf32, #tpu.memory_space<hbm>>)
      } else {
      }
      %parallel_loop3A_136 = arith.constant 0 : i32
      %parallel_loop3A_137 = arith.constant 8 : i32
      %parallel_loop3A_138 = arith.constant 1 : i32
      scf.for %parallel_loop3A_159 = %parallel_loop3A_136 to %parallel_loop3A_137 step %parallel_loop3A_138  : i32 {
        %parallel_loop3A_160 = arith.constant 16 : i32
        %parallel_loop3A_161 = arith.muli %parallel_loop3A_159, %parallel_loop3A_160 : i32
        %parallel_loop3A_162 = arith.constant 128 : i32
        %parallel_loop3A_163 = arith.addi %parallel_loop3A_162, %parallel_loop3A_161 : i32
        %parallel_loop3A_164 = vector.broadcast %parallel_loop3A_163 : i32 to vector<16xi32>
        %parallel_loop3A_165 = arith.addi %parallel_loop3A_164, %iota3A : vector<16xi32>
        %parallel_loop3A_166 = arith.constant 0 : i32
        %parallel_loop3A_167 = arith.constant 16 : i32
        %parallel_loop3A_168 = arith.constant 1 : i32
        %parallel_loop3A_169:4 = scf.for %parallel_loop3A_351 = %parallel_loop3A_166 to %parallel_loop3A_167 step %parallel_loop3A_168 iter_args(%parallel_loop3A_352 = %broadcast_in_dim3A_3, %parallel_loop3A_353 = %broadcast_in_dim3A_3, %parallel_loop3A_354 = %broadcast_in_dim3A_3, %parallel_loop3A_355 = %broadcast_in_dim3A_3) -> (vector<16xf32>, vector<16xf32>, vector<16xf32>, vector<16xf32>)  : i32 {
          %parallel_loop3A_356 = arith.constant 4 : i32
          %parallel_loop3A_357 = arith.muli %parallel_loop3A_351, %parallel_loop3A_356 : i32
          %parallel_loop3A_358 = arith.constant 0 : i32
          %parallel_loop3A_359 = arith.addi %parallel_loop3A_357, %parallel_loop3A_358 : i32
          %parallel_loop3A_360 = vector.broadcast %parallel_loop3A_359 : i32 to vector<16xi32>
          %parallel_loop3A_361 = arith.addi %parallel_loop3A_360, %iota3A : vector<16xi32>
          %parallel_loop3A_362 = arith.constant 63 : i32
          %parallel_loop3A_363 = vector.broadcast %parallel_loop3A_362 : i32 to vector<16xi32>
          %parallel_loop3A_364 = arith.andi %parallel_loop3A_361, %parallel_loop3A_363 : vector<16xi32>
          %parallel_loop3A_365 = tpu.vector_load_idx %arg9[%parallel_loop3A_165, %parallel_loop3A_364] : memref<256x64xf32, #tpu.memory_space<vmem>>[vector<16xi32>, vector<16xi32>], vector<16xf32>,
          %parallel_loop3A_366 = math.absf %parallel_loop3A_365 : vector<16xf32>
          %parallel_loop3A_367 = arith.constant 6.81643772 : f32
          %parallel_loop3A_368 = vector.broadcast %parallel_loop3A_367 : f32 to vector<16xf32>
          %parallel_loop3A_369 = arith.mulf %parallel_loop3A_366, %parallel_loop3A_368 : vector<16xf32>
          %parallel_loop3A_370 = arith.constant 1.000000e+00 : f32
          %parallel_loop3A_371 = vector.broadcast %parallel_loop3A_370 : f32 to vector<16xf32>
          %parallel_loop3A_372 = arith.addf %parallel_loop3A_369, %parallel_loop3A_371 : vector<16xf32>
          %parallel_loop3A_373 = vector.bitcast %parallel_loop3A_372 : vector<16xf32> to vector<16xi32>
          %parallel_loop3A_374 = arith.constant 13 : i32
          %parallel_loop3A_375 = vector.broadcast %parallel_loop3A_374 : i32 to vector<16xi32>
          %parallel_loop3A_376 = arith.shrsi %parallel_loop3A_373, %parallel_loop3A_375 : vector<16xi32>
          %parallel_loop3A_377 = arith.constant 1023 : i32
          %parallel_loop3A_378 = vector.broadcast %parallel_loop3A_377 : i32 to vector<16xi32>
          %parallel_loop3A_379 = arith.andi %parallel_loop3A_376, %parallel_loop3A_378 : vector<16xi32>
          %parallel_loop3A_380 = arith.constant 23 : i32
          %parallel_loop3A_381 = vector.broadcast %parallel_loop3A_380 : i32 to vector<16xi32>
          %parallel_loop3A_382 = arith.shrsi %parallel_loop3A_373, %parallel_loop3A_381 : vector<16xi32>
          %parallel_loop3A_383 = arith.sitofp %parallel_loop3A_382 : vector<16xi32> to vector<16xf32>
          %parallel_loop3A_384 = arith.constant 3.80178404 : f32
          %parallel_loop3A_385 = vector.broadcast %parallel_loop3A_384 : f32 to vector<16xf32>
          %parallel_loop3A_386 = arith.mulf %parallel_loop3A_383, %parallel_loop3A_385 : vector<16xf32>
          %parallel_loop3A_387 = tpu.vector_load_idx %arg15[%parallel_loop3A_379] : memref<1024xf32, #tpu.memory_space<vmem>>[vector<16xi32>], vector<16xf32>,
          %parallel_loop3A_388 = arith.addf %parallel_loop3A_386, %parallel_loop3A_387 : vector<16xf32>
          %parallel_loop3A_389 = arith.fptosi %parallel_loop3A_388 : vector<16xf32> to vector<16xi32>
          %parallel_loop3A_390 = arith.constant 0 : i32
          %parallel_loop3A_391 = vector.broadcast %parallel_loop3A_390 : i32 to vector<16xi32>
          %parallel_loop3A_392 = arith.maxsi %parallel_loop3A_389, %parallel_loop3A_391 : vector<16xi32>
          %parallel_loop3A_393 = arith.constant 32 : i32
          %parallel_loop3A_394 = vector.broadcast %parallel_loop3A_393 : i32 to vector<16xi32>
          %parallel_loop3A_395 = arith.minsi %parallel_loop3A_392, %parallel_loop3A_394 : vector<16xi32>
          %parallel_loop3A_396 = vector.bitcast %parallel_loop3A_365 : vector<16xf32> to vector<16xi32>
          %parallel_loop3A_397 = arith.constant 31 : i32
          %parallel_loop3A_398 = vector.broadcast %parallel_loop3A_397 : i32 to vector<16xi32>
          %parallel_loop3A_399 = arith.shrsi %parallel_loop3A_396, %parallel_loop3A_398 : vector<16xi32>
          %parallel_loop3A_400 = arith.xori %parallel_loop3A_395, %parallel_loop3A_399 : vector<16xi32>
          %parallel_loop3A_401 = arith.constant 33 : i32
          %parallel_loop3A_402 = vector.broadcast %parallel_loop3A_401 : i32 to vector<16xi32>
          %parallel_loop3A_403 = arith.addi %parallel_loop3A_400, %parallel_loop3A_402 : vector<16xi32>
          %parallel_loop3A_404 = arith.constant 64 : i32
          %parallel_loop3A_405 = vector.broadcast %parallel_loop3A_404 : i32 to vector<16xi32>
          %parallel_loop3A_406 = arith.muli %parallel_loop3A_403, %parallel_loop3A_405 : vector<16xi32>
          %parallel_loop3A_407 = arith.addi %parallel_loop3A_406, %parallel_loop3A_364 : vector<16xi32>
          %parallel_loop3A_408 = tpu.vector_load_idx %arg12[%parallel_loop3A_407] : memref<4224xf32, #tpu.memory_space<vmem>>[vector<16xi32>], vector<16xf32>,
          %parallel_loop3A_409 = tpu.vector_load_idx %arg13[%parallel_loop3A_407] : memref<4224xf32, #tpu.memory_space<vmem>>[vector<16xi32>], vector<16xf32>,
          %parallel_loop3A_410 = tpu.vector_load_idx %arg14[%parallel_loop3A_407] : memref<4224xf32, #tpu.memory_space<vmem>>[vector<16xi32>], vector<16xf32>,
          %parallel_loop3A_411 = arith.mulf %parallel_loop3A_410, %parallel_loop3A_365 : vector<16xf32>
          %parallel_loop3A_412 = arith.addf %parallel_loop3A_409, %parallel_loop3A_411 : vector<16xf32>
          %parallel_loop3A_413 = arith.mulf %parallel_loop3A_365, %parallel_loop3A_412 : vector<16xf32>
          %parallel_loop3A_414 = arith.addf %parallel_loop3A_408, %parallel_loop3A_413 : vector<16xf32>
          %parallel_loop3A_415 = arith.addf %parallel_loop3A_412, %parallel_loop3A_411 : vector<16xf32>
          tpu.vector_store_idx %arg10[%parallel_loop3A_165, %parallel_loop3A_364], %parallel_loop3A_414 : memref<256x64xf32, #tpu.memory_space<vmem>>[vector<16xi32>, vector<16xi32>], vector<16xf32>,
          %parallel_loop3A_416 = arith.mulf %parallel_loop3A_352, %parallel_loop3A_415 : vector<16xf32>
          %parallel_loop3A_417 = arith.constant 4 : i32
          %parallel_loop3A_418 = arith.muli %parallel_loop3A_351, %parallel_loop3A_417 : i32
          %parallel_loop3A_419 = arith.constant 1 : i32
          %parallel_loop3A_420 = arith.addi %parallel_loop3A_418, %parallel_loop3A_419 : i32
          %parallel_loop3A_421 = vector.broadcast %parallel_loop3A_420 : i32 to vector<16xi32>
          %parallel_loop3A_422 = arith.addi %parallel_loop3A_421, %iota3A : vector<16xi32>
          %parallel_loop3A_423 = arith.constant 63 : i32
          %parallel_loop3A_424 = vector.broadcast %parallel_loop3A_423 : i32 to vector<16xi32>
          %parallel_loop3A_425 = arith.andi %parallel_loop3A_422, %parallel_loop3A_424 : vector<16xi32>
          %parallel_loop3A_426 = tpu.vector_load_idx %arg9[%parallel_loop3A_165, %parallel_loop3A_425] : memref<256x64xf32, #tpu.memory_space<vmem>>[vector<16xi32>, vector<16xi32>], vector<16xf32>,
          %parallel_loop3A_427 = math.absf %parallel_loop3A_426 : vector<16xf32>
          %parallel_loop3A_428 = arith.constant 6.81643772 : f32
          %parallel_loop3A_429 = vector.broadcast %parallel_loop3A_428 : f32 to vector<16xf32>
          %parallel_loop3A_430 = arith.mulf %parallel_loop3A_427, %parallel_loop3A_429 : vector<16xf32>
          %parallel_loop3A_431 = arith.constant 1.000000e+00 : f32
          %parallel_loop3A_432 = vector.broadcast %parallel_loop3A_431 : f32 to vector<16xf32>
          %parallel_loop3A_433 = arith.addf %parallel_loop3A_430, %parallel_loop3A_432 : vector<16xf32>
          %parallel_loop3A_434 = vector.bitcast %parallel_loop3A_433 : vector<16xf32> to vector<16xi32>
          %parallel_loop3A_435 = arith.constant 13 : i32
          %parallel_loop3A_436 = vector.broadcast %parallel_loop3A_435 : i32 to vector<16xi32>
          %parallel_loop3A_437 = arith.shrsi %parallel_loop3A_434, %parallel_loop3A_436 : vector<16xi32>
          %parallel_loop3A_438 = arith.constant 1023 : i32
          %parallel_loop3A_439 = vector.broadcast %parallel_loop3A_438 : i32 to vector<16xi32>
          %parallel_loop3A_440 = arith.andi %parallel_loop3A_437, %parallel_loop3A_439 : vector<16xi32>
          %parallel_loop3A_441 = arith.constant 23 : i32
          %parallel_loop3A_442 = vector.broadcast %parallel_loop3A_441 : i32 to vector<16xi32>
          %parallel_loop3A_443 = arith.shrsi %parallel_loop3A_434, %parallel_loop3A_442 : vector<16xi32>
          %parallel_loop3A_444 = arith.sitofp %parallel_loop3A_443 : vector<16xi32> to vector<16xf32>
          %parallel_loop3A_445 = arith.constant 3.80178404 : f32
          %parallel_loop3A_446 = vector.broadcast %parallel_loop3A_445 : f32 to vector<16xf32>
          %parallel_loop3A_447 = arith.mulf %parallel_loop3A_444, %parallel_loop3A_446 : vector<16xf32>
          %parallel_loop3A_448 = tpu.vector_load_idx %arg15[%parallel_loop3A_440] : memref<1024xf32, #tpu.memory_space<vmem>>[vector<16xi32>], vector<16xf32>,
          %parallel_loop3A_449 = arith.addf %parallel_loop3A_447, %parallel_loop3A_448 : vector<16xf32>
          %parallel_loop3A_450 = arith.fptosi %parallel_loop3A_449 : vector<16xf32> to vector<16xi32>
          %parallel_loop3A_451 = arith.constant 0 : i32
          %parallel_loop3A_452 = vector.broadcast %parallel_loop3A_451 : i32 to vector<16xi32>
          %parallel_loop3A_453 = arith.maxsi %parallel_loop3A_450, %parallel_loop3A_452 : vector<16xi32>
          %parallel_loop3A_454 = arith.constant 32 : i32
          %parallel_loop3A_455 = vector.broadcast %parallel_loop3A_454 : i32 to vector<16xi32>
          %parallel_loop3A_456 = arith.minsi %parallel_loop3A_453, %parallel_loop3A_455 : vector<16xi32>
          %parallel_loop3A_457 = vector.bitcast %parallel_loop3A_426 : vector<16xf32> to vector<16xi32>
          %parallel_loop3A_458 = arith.constant 31 : i32
          %parallel_loop3A_459 = vector.broadcast %parallel_loop3A_458 : i32 to vector<16xi32>
          %parallel_loop3A_460 = arith.shrsi %parallel_loop3A_457, %parallel_loop3A_459 : vector<16xi32>
          %parallel_loop3A_461 = arith.xori %parallel_loop3A_456, %parallel_loop3A_460 : vector<16xi32>
          %parallel_loop3A_462 = arith.constant 33 : i32
          %parallel_loop3A_463 = vector.broadcast %parallel_loop3A_462 : i32 to vector<16xi32>
          %parallel_loop3A_464 = arith.addi %parallel_loop3A_461, %parallel_loop3A_463 : vector<16xi32>
          %parallel_loop3A_465 = arith.constant 64 : i32
          %parallel_loop3A_466 = vector.broadcast %parallel_loop3A_465 : i32 to vector<16xi32>
          %parallel_loop3A_467 = arith.muli %parallel_loop3A_464, %parallel_loop3A_466 : vector<16xi32>
          %parallel_loop3A_468 = arith.addi %parallel_loop3A_467, %parallel_loop3A_425 : vector<16xi32>
          %parallel_loop3A_469 = tpu.vector_load_idx %arg12[%parallel_loop3A_468] : memref<4224xf32, #tpu.memory_space<vmem>>[vector<16xi32>], vector<16xf32>,
          %parallel_loop3A_470 = tpu.vector_load_idx %arg13[%parallel_loop3A_468] : memref<4224xf32, #tpu.memory_space<vmem>>[vector<16xi32>], vector<16xf32>,
          %parallel_loop3A_471 = tpu.vector_load_idx %arg14[%parallel_loop3A_468] : memref<4224xf32, #tpu.memory_space<vmem>>[vector<16xi32>], vector<16xf32>,
          %parallel_loop3A_472 = arith.mulf %parallel_loop3A_471, %parallel_loop3A_426 : vector<16xf32>
          %parallel_loop3A_473 = arith.addf %parallel_loop3A_470, %parallel_loop3A_472 : vector<16xf32>
          %parallel_loop3A_474 = arith.mulf %parallel_loop3A_426, %parallel_loop3A_473 : vector<16xf32>
          %parallel_loop3A_475 = arith.addf %parallel_loop3A_469, %parallel_loop3A_474 : vector<16xf32>
          %parallel_loop3A_476 = arith.addf %parallel_loop3A_473, %parallel_loop3A_472 : vector<16xf32>
          tpu.vector_store_idx %arg10[%parallel_loop3A_165, %parallel_loop3A_425], %parallel_loop3A_475 : memref<256x64xf32, #tpu.memory_space<vmem>>[vector<16xi32>, vector<16xi32>], vector<16xf32>,
          %parallel_loop3A_477 = arith.mulf %parallel_loop3A_353, %parallel_loop3A_476 : vector<16xf32>
          %parallel_loop3A_478 = arith.constant 4 : i32
          %parallel_loop3A_479 = arith.muli %parallel_loop3A_351, %parallel_loop3A_478 : i32
          %parallel_loop3A_480 = arith.constant 2 : i32
          %parallel_loop3A_481 = arith.addi %parallel_loop3A_479, %parallel_loop3A_480 : i32
          %parallel_loop3A_482 = vector.broadcast %parallel_loop3A_481 : i32 to vector<16xi32>
          %parallel_loop3A_483 = arith.addi %parallel_loop3A_482, %iota3A : vector<16xi32>
          %parallel_loop3A_484 = arith.constant 63 : i32
          %parallel_loop3A_485 = vector.broadcast %parallel_loop3A_484 : i32 to vector<16xi32>
          %parallel_loop3A_486 = arith.andi %parallel_loop3A_483, %parallel_loop3A_485 : vector<16xi32>
          %parallel_loop3A_487 = tpu.vector_load_idx %arg9[%parallel_loop3A_165, %parallel_loop3A_486] : memref<256x64xf32, #tpu.memory_space<vmem>>[vector<16xi32>, vector<16xi32>], vector<16xf32>,
          %parallel_loop3A_488 = math.absf %parallel_loop3A_487 : vector<16xf32>
          %parallel_loop3A_489 = arith.constant 6.81643772 : f32
          %parallel_loop3A_490 = vector.broadcast %parallel_loop3A_489 : f32 to vector<16xf32>
          %parallel_loop3A_491 = arith.mulf %parallel_loop3A_488, %parallel_loop3A_490 : vector<16xf32>
          %parallel_loop3A_492 = arith.constant 1.000000e+00 : f32
          %parallel_loop3A_493 = vector.broadcast %parallel_loop3A_492 : f32 to vector<16xf32>
          %parallel_loop3A_494 = arith.addf %parallel_loop3A_491, %parallel_loop3A_493 : vector<16xf32>
          %parallel_loop3A_495 = vector.bitcast %parallel_loop3A_494 : vector<16xf32> to vector<16xi32>
          %parallel_loop3A_496 = arith.constant 13 : i32
          %parallel_loop3A_497 = vector.broadcast %parallel_loop3A_496 : i32 to vector<16xi32>
          %parallel_loop3A_498 = arith.shrsi %parallel_loop3A_495, %parallel_loop3A_497 : vector<16xi32>
          %parallel_loop3A_499 = arith.constant 1023 : i32
          %parallel_loop3A_500 = vector.broadcast %parallel_loop3A_499 : i32 to vector<16xi32>
          %parallel_loop3A_501 = arith.andi %parallel_loop3A_498, %parallel_loop3A_500 : vector<16xi32>
          %parallel_loop3A_502 = arith.constant 23 : i32
          %parallel_loop3A_503 = vector.broadcast %parallel_loop3A_502 : i32 to vector<16xi32>
          %parallel_loop3A_504 = arith.shrsi %parallel_loop3A_495, %parallel_loop3A_503 : vector<16xi32>
          %parallel_loop3A_505 = arith.sitofp %parallel_loop3A_504 : vector<16xi32> to vector<16xf32>
          %parallel_loop3A_506 = arith.constant 3.80178404 : f32
          %parallel_loop3A_507 = vector.broadcast %parallel_loop3A_506 : f32 to vector<16xf32>
          %parallel_loop3A_508 = arith.mulf %parallel_loop3A_505, %parallel_loop3A_507 : vector<16xf32>
          %parallel_loop3A_509 = tpu.vector_load_idx %arg15[%parallel_loop3A_501] : memref<1024xf32, #tpu.memory_space<vmem>>[vector<16xi32>], vector<16xf32>,
          %parallel_loop3A_510 = arith.addf %parallel_loop3A_508, %parallel_loop3A_509 : vector<16xf32>
          %parallel_loop3A_511 = arith.fptosi %parallel_loop3A_510 : vector<16xf32> to vector<16xi32>
          %parallel_loop3A_512 = arith.constant 0 : i32
          %parallel_loop3A_513 = vector.broadcast %parallel_loop3A_512 : i32 to vector<16xi32>
          %parallel_loop3A_514 = arith.maxsi %parallel_loop3A_511, %parallel_loop3A_513 : vector<16xi32>
          %parallel_loop3A_515 = arith.constant 32 : i32
          %parallel_loop3A_516 = vector.broadcast %parallel_loop3A_515 : i32 to vector<16xi32>
          %parallel_loop3A_517 = arith.minsi %parallel_loop3A_514, %parallel_loop3A_516 : vector<16xi32>
          %parallel_loop3A_518 = vector.bitcast %parallel_loop3A_487 : vector<16xf32> to vector<16xi32>
          %parallel_loop3A_519 = arith.constant 31 : i32
          %parallel_loop3A_520 = vector.broadcast %parallel_loop3A_519 : i32 to vector<16xi32>
          %parallel_loop3A_521 = arith.shrsi %parallel_loop3A_518, %parallel_loop3A_520 : vector<16xi32>
          %parallel_loop3A_522 = arith.xori %parallel_loop3A_517, %parallel_loop3A_521 : vector<16xi32>
          %parallel_loop3A_523 = arith.constant 33 : i32
          %parallel_loop3A_524 = vector.broadcast %parallel_loop3A_523 : i32 to vector<16xi32>
          %parallel_loop3A_525 = arith.addi %parallel_loop3A_522, %parallel_loop3A_524 : vector<16xi32>
          %parallel_loop3A_526 = arith.constant 64 : i32
          %parallel_loop3A_527 = vector.broadcast %parallel_loop3A_526 : i32 to vector<16xi32>
          %parallel_loop3A_528 = arith.muli %parallel_loop3A_525, %parallel_loop3A_527 : vector<16xi32>
          %parallel_loop3A_529 = arith.addi %parallel_loop3A_528, %parallel_loop3A_486 : vector<16xi32>
          %parallel_loop3A_530 = tpu.vector_load_idx %arg12[%parallel_loop3A_529] : memref<4224xf32, #tpu.memory_space<vmem>>[vector<16xi32>], vector<16xf32>,
          %parallel_loop3A_531 = tpu.vector_load_idx %arg13[%parallel_loop3A_529] : memref<4224xf32, #tpu.memory_space<vmem>>[vector<16xi32>], vector<16xf32>,
          %parallel_loop3A_532 = tpu.vector_load_idx %arg14[%parallel_loop3A_529] : memref<4224xf32, #tpu.memory_space<vmem>>[vector<16xi32>], vector<16xf32>,
          %parallel_loop3A_533 = arith.mulf %parallel_loop3A_532, %parallel_loop3A_487 : vector<16xf32>
          %parallel_loop3A_534 = arith.addf %parallel_loop3A_531, %parallel_loop3A_533 : vector<16xf32>
          %parallel_loop3A_535 = arith.mulf %parallel_loop3A_487, %parallel_loop3A_534 : vector<16xf32>
          %parallel_loop3A_536 = arith.addf %parallel_loop3A_530, %parallel_loop3A_535 : vector<16xf32>
          %parallel_loop3A_537 = arith.addf %parallel_loop3A_534, %parallel_loop3A_533 : vector<16xf32>
          tpu.vector_store_idx %arg10[%parallel_loop3A_165, %parallel_loop3A_486], %parallel_loop3A_536 : memref<256x64xf32, #tpu.memory_space<vmem>>[vector<16xi32>, vector<16xi32>], vector<16xf32>,
          %parallel_loop3A_538 = arith.mulf %parallel_loop3A_354, %parallel_loop3A_537 : vector<16xf32>
          %parallel_loop3A_539 = arith.constant 4 : i32
          %parallel_loop3A_540 = arith.muli %parallel_loop3A_351, %parallel_loop3A_539 : i32
          %parallel_loop3A_541 = arith.constant 3 : i32
          %parallel_loop3A_542 = arith.addi %parallel_loop3A_540, %parallel_loop3A_541 : i32
          %parallel_loop3A_543 = vector.broadcast %parallel_loop3A_542 : i32 to vector<16xi32>
          %parallel_loop3A_544 = arith.addi %parallel_loop3A_543, %iota3A : vector<16xi32>
          %parallel_loop3A_545 = arith.constant 63 : i32
          %parallel_loop3A_546 = vector.broadcast %parallel_loop3A_545 : i32 to vector<16xi32>
          %parallel_loop3A_547 = arith.andi %parallel_loop3A_544, %parallel_loop3A_546 : vector<16xi32>
          %parallel_loop3A_548 = tpu.vector_load_idx %arg9[%parallel_loop3A_165, %parallel_loop3A_547] : memref<256x64xf32, #tpu.memory_space<vmem>>[vector<16xi32>, vector<16xi32>], vector<16xf32>,
          %parallel_loop3A_549 = math.absf %parallel_loop3A_548 : vector<16xf32>
          %parallel_loop3A_550 = arith.constant 6.81643772 : f32
          %parallel_loop3A_551 = vector.broadcast %parallel_loop3A_550 : f32 to vector<16xf32>
          %parallel_loop3A_552 = arith.mulf %parallel_loop3A_549, %parallel_loop3A_551 : vector<16xf32>
          %parallel_loop3A_553 = arith.constant 1.000000e+00 : f32
          %parallel_loop3A_554 = vector.broadcast %parallel_loop3A_553 : f32 to vector<16xf32>
          %parallel_loop3A_555 = arith.addf %parallel_loop3A_552, %parallel_loop3A_554 : vector<16xf32>
          %parallel_loop3A_556 = vector.bitcast %parallel_loop3A_555 : vector<16xf32> to vector<16xi32>
          %parallel_loop3A_557 = arith.constant 13 : i32
          %parallel_loop3A_558 = vector.broadcast %parallel_loop3A_557 : i32 to vector<16xi32>
          %parallel_loop3A_559 = arith.shrsi %parallel_loop3A_556, %parallel_loop3A_558 : vector<16xi32>
          %parallel_loop3A_560 = arith.constant 1023 : i32
          %parallel_loop3A_561 = vector.broadcast %parallel_loop3A_560 : i32 to vector<16xi32>
          %parallel_loop3A_562 = arith.andi %parallel_loop3A_559, %parallel_loop3A_561 : vector<16xi32>
          %parallel_loop3A_563 = arith.constant 23 : i32
          %parallel_loop3A_564 = vector.broadcast %parallel_loop3A_563 : i32 to vector<16xi32>
          %parallel_loop3A_565 = arith.shrsi %parallel_loop3A_556, %parallel_loop3A_564 : vector<16xi32>
          %parallel_loop3A_566 = arith.sitofp %parallel_loop3A_565 : vector<16xi32> to vector<16xf32>
          %parallel_loop3A_567 = arith.constant 3.80178404 : f32
          %parallel_loop3A_568 = vector.broadcast %parallel_loop3A_567 : f32 to vector<16xf32>
          %parallel_loop3A_569 = arith.mulf %parallel_loop3A_566, %parallel_loop3A_568 : vector<16xf32>
          %parallel_loop3A_570 = tpu.vector_load_idx %arg15[%parallel_loop3A_562] : memref<1024xf32, #tpu.memory_space<vmem>>[vector<16xi32>], vector<16xf32>,
          %parallel_loop3A_571 = arith.addf %parallel_loop3A_569, %parallel_loop3A_570 : vector<16xf32>
          %parallel_loop3A_572 = arith.fptosi %parallel_loop3A_571 : vector<16xf32> to vector<16xi32>
          %parallel_loop3A_573 = arith.constant 0 : i32
          %parallel_loop3A_574 = vector.broadcast %parallel_loop3A_573 : i32 to vector<16xi32>
          %parallel_loop3A_575 = arith.maxsi %parallel_loop3A_572, %parallel_loop3A_574 : vector<16xi32>
          %parallel_loop3A_576 = arith.constant 32 : i32
          %parallel_loop3A_577 = vector.broadcast %parallel_loop3A_576 : i32 to vector<16xi32>
          %parallel_loop3A_578 = arith.minsi %parallel_loop3A_575, %parallel_loop3A_577 : vector<16xi32>
          %parallel_loop3A_579 = vector.bitcast %parallel_loop3A_548 : vector<16xf32> to vector<16xi32>
          %parallel_loop3A_580 = arith.constant 31 : i32
          %parallel_loop3A_581 = vector.broadcast %parallel_loop3A_580 : i32 to vector<16xi32>
          %parallel_loop3A_582 = arith.shrsi %parallel_loop3A_579, %parallel_loop3A_581 : vector<16xi32>
          %parallel_loop3A_583 = arith.xori %parallel_loop3A_578, %parallel_loop3A_582 : vector<16xi32>
          %parallel_loop3A_584 = arith.constant 33 : i32
          %parallel_loop3A_585 = vector.broadcast %parallel_loop3A_584 : i32 to vector<16xi32>
          %parallel_loop3A_586 = arith.addi %parallel_loop3A_583, %parallel_loop3A_585 : vector<16xi32>
          %parallel_loop3A_587 = arith.constant 64 : i32
          %parallel_loop3A_588 = vector.broadcast %parallel_loop3A_587 : i32 to vector<16xi32>
          %parallel_loop3A_589 = arith.muli %parallel_loop3A_586, %parallel_loop3A_588 : vector<16xi32>
          %parallel_loop3A_590 = arith.addi %parallel_loop3A_589, %parallel_loop3A_547 : vector<16xi32>
          %parallel_loop3A_591 = tpu.vector_load_idx %arg12[%parallel_loop3A_590] : memref<4224xf32, #tpu.memory_space<vmem>>[vector<16xi32>], vector<16xf32>,
          %parallel_loop3A_592 = tpu.vector_load_idx %arg13[%parallel_loop3A_590] : memref<4224xf32, #tpu.memory_space<vmem>>[vector<16xi32>], vector<16xf32>,
          %parallel_loop3A_593 = tpu.vector_load_idx %arg14[%parallel_loop3A_590] : memref<4224xf32, #tpu.memory_space<vmem>>[vector<16xi32>], vector<16xf32>,
          %parallel_loop3A_594 = arith.mulf %parallel_loop3A_593, %parallel_loop3A_548 : vector<16xf32>
          %parallel_loop3A_595 = arith.addf %parallel_loop3A_592, %parallel_loop3A_594 : vector<16xf32>
          %parallel_loop3A_596 = arith.mulf %parallel_loop3A_548, %parallel_loop3A_595 : vector<16xf32>
          %parallel_loop3A_597 = arith.addf %parallel_loop3A_591, %parallel_loop3A_596 : vector<16xf32>
          %parallel_loop3A_598 = arith.addf %parallel_loop3A_595, %parallel_loop3A_594 : vector<16xf32>
          tpu.vector_store_idx %arg10[%parallel_loop3A_165, %parallel_loop3A_547], %parallel_loop3A_597 : memref<256x64xf32, #tpu.memory_space<vmem>>[vector<16xi32>, vector<16xi32>], vector<16xf32>,
          %parallel_loop3A_599 = arith.mulf %parallel_loop3A_355, %parallel_loop3A_598 : vector<16xf32>
          scf.yield %parallel_loop3A_416, %parallel_loop3A_477, %parallel_loop3A_538, %parallel_loop3A_599 : vector<16xf32>, vector<16xf32>, vector<16xf32>, vector<16xf32>
        } {sc.loop_unroll_factor = 2 : i64, sc.parallel_access}
        %parallel_loop3A_170 = vector.bitcast %parallel_loop3A_169#0 : vector<16xf32> to vector<16xi32>
        %parallel_loop3A_171 = arith.constant 23 : i32
        %parallel_loop3A_172 = vector.broadcast %parallel_loop3A_171 : i32 to vector<16xi32>
        %parallel_loop3A_173 = arith.shrsi %parallel_loop3A_170, %parallel_loop3A_172 : vector<16xi32>
        %parallel_loop3A_174 = arith.sitofp %parallel_loop3A_173 : vector<16xi32> to vector<16xf32>
        %parallel_loop3A_175 = arith.constant 8388607 : i32
        %parallel_loop3A_176 = vector.broadcast %parallel_loop3A_175 : i32 to vector<16xi32>
        %parallel_loop3A_177 = arith.andi %parallel_loop3A_170, %parallel_loop3A_176 : vector<16xi32>
        %parallel_loop3A_178 = arith.constant 1065353216 : i32
        %parallel_loop3A_179 = vector.broadcast %parallel_loop3A_178 : i32 to vector<16xi32>
        %parallel_loop3A_180 = arith.ori %parallel_loop3A_177, %parallel_loop3A_179 : vector<16xi32>
        %parallel_loop3A_181 = vector.bitcast %parallel_loop3A_180 : vector<16xi32> to vector<16xf32>
        %parallel_loop3A_182 = arith.mulf %parallel_loop3A_181, %parallel_loop3A_181 : vector<16xf32>
        %parallel_loop3A_183 = arith.constant 4.22119713 : f32
        %parallel_loop3A_184 = vector.broadcast %parallel_loop3A_183 : f32 to vector<16xf32>
        %parallel_loop3A_185 = arith.mulf %parallel_loop3A_184, %parallel_loop3A_181 : vector<16xf32>
        %parallel_loop3A_186 = arith.constant -90.1331176 : f32
        %parallel_loop3A_187 = vector.broadcast %parallel_loop3A_186 : f32 to vector<16xf32>
        %parallel_loop3A_188 = arith.addf %parallel_loop3A_185, %parallel_loop3A_187 : vector<16xf32>
        %parallel_loop3A_189 = arith.constant 2.25236273 : f32
        %parallel_loop3A_190 = vector.broadcast %parallel_loop3A_189 : f32 to vector<16xf32>
        %parallel_loop3A_191 = arith.mulf %parallel_loop3A_190, %parallel_loop3A_181 : vector<16xf32>
        %parallel_loop3A_192 = arith.constant -3.67486978 : f32
        %parallel_loop3A_193 = vector.broadcast %parallel_loop3A_192 : f32 to vector<16xf32>
        %parallel_loop3A_194 = arith.addf %parallel_loop3A_191, %parallel_loop3A_193 : vector<16xf32>
        %parallel_loop3A_195 = arith.constant 0.187176123 : f32
        %parallel_loop3A_196 = vector.broadcast %parallel_loop3A_195 : f32 to vector<16xf32>
        %parallel_loop3A_197 = arith.mulf %parallel_loop3A_196, %parallel_loop3A_181 : vector<16xf32>
        %parallel_loop3A_198 = arith.constant -0.865023493 : f32
        %parallel_loop3A_199 = vector.broadcast %parallel_loop3A_198 : f32 to vector<16xf32>
        %parallel_loop3A_200 = arith.addf %parallel_loop3A_197, %parallel_loop3A_199 : vector<16xf32>
        %parallel_loop3A_201 = arith.constant -0.0174141172 : f32
        %parallel_loop3A_202 = vector.broadcast %parallel_loop3A_201 : f32 to vector<16xf32>
        %parallel_loop3A_203 = arith.mulf %parallel_loop3A_202, %parallel_loop3A_182 : vector<16xf32>
        %parallel_loop3A_204 = arith.addf %parallel_loop3A_203, %parallel_loop3A_200 : vector<16xf32>
        %parallel_loop3A_205 = arith.mulf %parallel_loop3A_204, %parallel_loop3A_182 : vector<16xf32>
        %parallel_loop3A_206 = arith.addf %parallel_loop3A_205, %parallel_loop3A_194 : vector<16xf32>
        %parallel_loop3A_207 = arith.mulf %parallel_loop3A_206, %parallel_loop3A_182 : vector<16xf32>
        %parallel_loop3A_208 = arith.addf %parallel_loop3A_207, %parallel_loop3A_188 : vector<16xf32>
        %parallel_loop3A_209 = arith.constant 0.693147182 : f32
        %parallel_loop3A_210 = vector.broadcast %parallel_loop3A_209 : f32 to vector<16xf32>
        %parallel_loop3A_211 = arith.mulf %parallel_loop3A_174, %parallel_loop3A_210 : vector<16xf32>
        %parallel_loop3A_212 = arith.addf %parallel_loop3A_208, %parallel_loop3A_211 : vector<16xf32>
        %parallel_loop3A_213 = vector.bitcast %parallel_loop3A_169#1 : vector<16xf32> to vector<16xi32>
        %parallel_loop3A_214 = arith.constant 23 : i32
        %parallel_loop3A_215 = vector.broadcast %parallel_loop3A_214 : i32 to vector<16xi32>
        %parallel_loop3A_216 = arith.shrsi %parallel_loop3A_213, %parallel_loop3A_215 : vector<16xi32>
        %parallel_loop3A_217 = arith.sitofp %parallel_loop3A_216 : vector<16xi32> to vector<16xf32>
        %parallel_loop3A_218 = arith.constant 8388607 : i32
        %parallel_loop3A_219 = vector.broadcast %parallel_loop3A_218 : i32 to vector<16xi32>
        %parallel_loop3A_220 = arith.andi %parallel_loop3A_213, %parallel_loop3A_219 : vector<16xi32>
        %parallel_loop3A_221 = arith.constant 1065353216 : i32
        %parallel_loop3A_222 = vector.broadcast %parallel_loop3A_221 : i32 to vector<16xi32>
        %parallel_loop3A_223 = arith.ori %parallel_loop3A_220, %parallel_loop3A_222 : vector<16xi32>
        %parallel_loop3A_224 = vector.bitcast %parallel_loop3A_223 : vector<16xi32> to vector<16xf32>
        %parallel_loop3A_225 = arith.mulf %parallel_loop3A_224, %parallel_loop3A_224 : vector<16xf32>
        %parallel_loop3A_226 = arith.constant 4.22119713 : f32
        %parallel_loop3A_227 = vector.broadcast %parallel_loop3A_226 : f32 to vector<16xf32>
        %parallel_loop3A_228 = arith.mulf %parallel_loop3A_227, %parallel_loop3A_224 : vector<16xf32>
        %parallel_loop3A_229 = arith.constant -90.1331176 : f32
        %parallel_loop3A_230 = vector.broadcast %parallel_loop3A_229 : f32 to vector<16xf32>
        %parallel_loop3A_231 = arith.addf %parallel_loop3A_228, %parallel_loop3A_230 : vector<16xf32>
        %parallel_loop3A_232 = arith.constant 2.25236273 : f32
        %parallel_loop3A_233 = vector.broadcast %parallel_loop3A_232 : f32 to vector<16xf32>
        %parallel_loop3A_234 = arith.mulf %parallel_loop3A_233, %parallel_loop3A_224 : vector<16xf32>
        %parallel_loop3A_235 = arith.constant -3.67486978 : f32
        %parallel_loop3A_236 = vector.broadcast %parallel_loop3A_235 : f32 to vector<16xf32>
        %parallel_loop3A_237 = arith.addf %parallel_loop3A_234, %parallel_loop3A_236 : vector<16xf32>
        %parallel_loop3A_238 = arith.constant 0.187176123 : f32
        %parallel_loop3A_239 = vector.broadcast %parallel_loop3A_238 : f32 to vector<16xf32>
        %parallel_loop3A_240 = arith.mulf %parallel_loop3A_239, %parallel_loop3A_224 : vector<16xf32>
        %parallel_loop3A_241 = arith.constant -0.865023493 : f32
        %parallel_loop3A_242 = vector.broadcast %parallel_loop3A_241 : f32 to vector<16xf32>
        %parallel_loop3A_243 = arith.addf %parallel_loop3A_240, %parallel_loop3A_242 : vector<16xf32>
        %parallel_loop3A_244 = arith.constant -0.0174141172 : f32
        %parallel_loop3A_245 = vector.broadcast %parallel_loop3A_244 : f32 to vector<16xf32>
        %parallel_loop3A_246 = arith.mulf %parallel_loop3A_245, %parallel_loop3A_225 : vector<16xf32>
        %parallel_loop3A_247 = arith.addf %parallel_loop3A_246, %parallel_loop3A_243 : vector<16xf32>
        %parallel_loop3A_248 = arith.mulf %parallel_loop3A_247, %parallel_loop3A_225 : vector<16xf32>
        %parallel_loop3A_249 = arith.addf %parallel_loop3A_248, %parallel_loop3A_237 : vector<16xf32>
        %parallel_loop3A_250 = arith.mulf %parallel_loop3A_249, %parallel_loop3A_225 : vector<16xf32>
        %parallel_loop3A_251 = arith.addf %parallel_loop3A_250, %parallel_loop3A_231 : vector<16xf32>
        %parallel_loop3A_252 = arith.constant 0.693147182 : f32
        %parallel_loop3A_253 = vector.broadcast %parallel_loop3A_252 : f32 to vector<16xf32>
        %parallel_loop3A_254 = arith.mulf %parallel_loop3A_217, %parallel_loop3A_253 : vector<16xf32>
        %parallel_loop3A_255 = arith.addf %parallel_loop3A_251, %parallel_loop3A_254 : vector<16xf32>
        %parallel_loop3A_256 = arith.addf %parallel_loop3A_212, %parallel_loop3A_255 : vector<16xf32>
        %parallel_loop3A_257 = vector.bitcast %parallel_loop3A_169#2 : vector<16xf32> to vector<16xi32>
        %parallel_loop3A_258 = arith.constant 23 : i32
        %parallel_loop3A_259 = vector.broadcast %parallel_loop3A_258 : i32 to vector<16xi32>
        %parallel_loop3A_260 = arith.shrsi %parallel_loop3A_257, %parallel_loop3A_259 : vector<16xi32>
        %parallel_loop3A_261 = arith.sitofp %parallel_loop3A_260 : vector<16xi32> to vector<16xf32>
        %parallel_loop3A_262 = arith.constant 8388607 : i32
        %parallel_loop3A_263 = vector.broadcast %parallel_loop3A_262 : i32 to vector<16xi32>
        %parallel_loop3A_264 = arith.andi %parallel_loop3A_257, %parallel_loop3A_263 : vector<16xi32>
        %parallel_loop3A_265 = arith.constant 1065353216 : i32
        %parallel_loop3A_266 = vector.broadcast %parallel_loop3A_265 : i32 to vector<16xi32>
        %parallel_loop3A_267 = arith.ori %parallel_loop3A_264, %parallel_loop3A_266 : vector<16xi32>
        %parallel_loop3A_268 = vector.bitcast %parallel_loop3A_267 : vector<16xi32> to vector<16xf32>
        %parallel_loop3A_269 = arith.mulf %parallel_loop3A_268, %parallel_loop3A_268 : vector<16xf32>
        %parallel_loop3A_270 = arith.constant 4.22119713 : f32
        %parallel_loop3A_271 = vector.broadcast %parallel_loop3A_270 : f32 to vector<16xf32>
        %parallel_loop3A_272 = arith.mulf %parallel_loop3A_271, %parallel_loop3A_268 : vector<16xf32>
        %parallel_loop3A_273 = arith.constant -90.1331176 : f32
        %parallel_loop3A_274 = vector.broadcast %parallel_loop3A_273 : f32 to vector<16xf32>
        %parallel_loop3A_275 = arith.addf %parallel_loop3A_272, %parallel_loop3A_274 : vector<16xf32>
        %parallel_loop3A_276 = arith.constant 2.25236273 : f32
        %parallel_loop3A_277 = vector.broadcast %parallel_loop3A_276 : f32 to vector<16xf32>
        %parallel_loop3A_278 = arith.mulf %parallel_loop3A_277, %parallel_loop3A_268 : vector<16xf32>
        %parallel_loop3A_279 = arith.constant -3.67486978 : f32
        %parallel_loop3A_280 = vector.broadcast %parallel_loop3A_279 : f32 to vector<16xf32>
        %parallel_loop3A_281 = arith.addf %parallel_loop3A_278, %parallel_loop3A_280 : vector<16xf32>
        %parallel_loop3A_282 = arith.constant 0.187176123 : f32
        %parallel_loop3A_283 = vector.broadcast %parallel_loop3A_282 : f32 to vector<16xf32>
        %parallel_loop3A_284 = arith.mulf %parallel_loop3A_283, %parallel_loop3A_268 : vector<16xf32>
        %parallel_loop3A_285 = arith.constant -0.865023493 : f32
        %parallel_loop3A_286 = vector.broadcast %parallel_loop3A_285 : f32 to vector<16xf32>
        %parallel_loop3A_287 = arith.addf %parallel_loop3A_284, %parallel_loop3A_286 : vector<16xf32>
        %parallel_loop3A_288 = arith.constant -0.0174141172 : f32
        %parallel_loop3A_289 = vector.broadcast %parallel_loop3A_288 : f32 to vector<16xf32>
        %parallel_loop3A_290 = arith.mulf %parallel_loop3A_289, %parallel_loop3A_269 : vector<16xf32>
        %parallel_loop3A_291 = arith.addf %parallel_loop3A_290, %parallel_loop3A_287 : vector<16xf32>
        %parallel_loop3A_292 = arith.mulf %parallel_loop3A_291, %parallel_loop3A_269 : vector<16xf32>
        %parallel_loop3A_293 = arith.addf %parallel_loop3A_292, %parallel_loop3A_281 : vector<16xf32>
        %parallel_loop3A_294 = arith.mulf %parallel_loop3A_293, %parallel_loop3A_269 : vector<16xf32>
        %parallel_loop3A_295 = arith.addf %parallel_loop3A_294, %parallel_loop3A_275 : vector<16xf32>
        %parallel_loop3A_296 = arith.constant 0.693147182 : f32
        %parallel_loop3A_297 = vector.broadcast %parallel_loop3A_296 : f32 to vector<16xf32>
        %parallel_loop3A_298 = arith.mulf %parallel_loop3A_261, %parallel_loop3A_297 : vector<16xf32>
        %parallel_loop3A_299 = arith.addf %parallel_loop3A_295, %parallel_loop3A_298 : vector<16xf32>
        %parallel_loop3A_300 = arith.addf %parallel_loop3A_256, %parallel_loop3A_299 : vector<16xf32>
        %parallel_loop3A_301 = vector.bitcast %parallel_loop3A_169#3 : vector<16xf32> to vector<16xi32>
        %parallel_loop3A_302 = arith.constant 23 : i32
        %parallel_loop3A_303 = vector.broadcast %parallel_loop3A_302 : i32 to vector<16xi32>
        %parallel_loop3A_304 = arith.shrsi %parallel_loop3A_301, %parallel_loop3A_303 : vector<16xi32>
        %parallel_loop3A_305 = arith.sitofp %parallel_loop3A_304 : vector<16xi32> to vector<16xf32>
        %parallel_loop3A_306 = arith.constant 8388607 : i32
        %parallel_loop3A_307 = vector.broadcast %parallel_loop3A_306 : i32 to vector<16xi32>
        %parallel_loop3A_308 = arith.andi %parallel_loop3A_301, %parallel_loop3A_307 : vector<16xi32>
        %parallel_loop3A_309 = arith.constant 1065353216 : i32
        %parallel_loop3A_310 = vector.broadcast %parallel_loop3A_309 : i32 to vector<16xi32>
        %parallel_loop3A_311 = arith.ori %parallel_loop3A_308, %parallel_loop3A_310 : vector<16xi32>
        %parallel_loop3A_312 = vector.bitcast %parallel_loop3A_311 : vector<16xi32> to vector<16xf32>
        %parallel_loop3A_313 = arith.mulf %parallel_loop3A_312, %parallel_loop3A_312 : vector<16xf32>
        %parallel_loop3A_314 = arith.constant 4.22119713 : f32
        %parallel_loop3A_315 = vector.broadcast %parallel_loop3A_314 : f32 to vector<16xf32>
        %parallel_loop3A_316 = arith.mulf %parallel_loop3A_315, %parallel_loop3A_312 : vector<16xf32>
        %parallel_loop3A_317 = arith.constant -90.1331176 : f32
        %parallel_loop3A_318 = vector.broadcast %parallel_loop3A_317 : f32 to vector<16xf32>
        %parallel_loop3A_319 = arith.addf %parallel_loop3A_316, %parallel_loop3A_318 : vector<16xf32>
        %parallel_loop3A_320 = arith.constant 2.25236273 : f32
        %parallel_loop3A_321 = vector.broadcast %parallel_loop3A_320 : f32 to vector<16xf32>
        %parallel_loop3A_322 = arith.mulf %parallel_loop3A_321, %parallel_loop3A_312 : vector<16xf32>
        %parallel_loop3A_323 = arith.constant -3.67486978 : f32
        %parallel_loop3A_324 = vector.broadcast %parallel_loop3A_323 : f32 to vector<16xf32>
        %parallel_loop3A_325 = arith.addf %parallel_loop3A_322, %parallel_loop3A_324 : vector<16xf32>
        %parallel_loop3A_326 = arith.constant 0.187176123 : f32
        %parallel_loop3A_327 = vector.broadcast %parallel_loop3A_326 : f32 to vector<16xf32>
        %parallel_loop3A_328 = arith.mulf %parallel_loop3A_327, %parallel_loop3A_312 : vector<16xf32>
        %parallel_loop3A_329 = arith.constant -0.865023493 : f32
        %parallel_loop3A_330 = vector.broadcast %parallel_loop3A_329 : f32 to vector<16xf32>
        %parallel_loop3A_331 = arith.addf %parallel_loop3A_328, %parallel_loop3A_330 : vector<16xf32>
        %parallel_loop3A_332 = arith.constant -0.0174141172 : f32
        %parallel_loop3A_333 = vector.broadcast %parallel_loop3A_332 : f32 to vector<16xf32>
        %parallel_loop3A_334 = arith.mulf %parallel_loop3A_333, %parallel_loop3A_313 : vector<16xf32>
        %parallel_loop3A_335 = arith.addf %parallel_loop3A_334, %parallel_loop3A_331 : vector<16xf32>
        %parallel_loop3A_336 = arith.mulf %parallel_loop3A_335, %parallel_loop3A_313 : vector<16xf32>
        %parallel_loop3A_337 = arith.addf %parallel_loop3A_336, %parallel_loop3A_325 : vector<16xf32>
        %parallel_loop3A_338 = arith.mulf %parallel_loop3A_337, %parallel_loop3A_313 : vector<16xf32>
        %parallel_loop3A_339 = arith.addf %parallel_loop3A_338, %parallel_loop3A_319 : vector<16xf32>
        %parallel_loop3A_340 = arith.constant 0.693147182 : f32
        %parallel_loop3A_341 = vector.broadcast %parallel_loop3A_340 : f32 to vector<16xf32>
        %parallel_loop3A_342 = arith.mulf %parallel_loop3A_305, %parallel_loop3A_341 : vector<16xf32>
        %parallel_loop3A_343 = arith.addf %parallel_loop3A_339, %parallel_loop3A_342 : vector<16xf32>
        %parallel_loop3A_344 = arith.addf %parallel_loop3A_300, %parallel_loop3A_343 : vector<16xf32>
        %parallel_loop3A_345 = arith.constant 16 : i32
        %parallel_loop3A_346 = arith.muli %parallel_loop3A_159, %parallel_loop3A_345 : i32
        %parallel_loop3A_347 = arith.constant 128 : i32
        %parallel_loop3A_348 = arith.addi %parallel_loop3A_347, %parallel_loop3A_346 : i32
        %parallel_loop3A_349 = arith.index_cast %parallel_loop3A_348 : i32 to index
        %parallel_loop3A_350 = tpu.vector_load %arg11[%parallel_loop3A_349] {strides = array<i32>} : memref<256xf32, #tpu.memory_space<vmem>>, vector<16xf32>,
        tpu.vector_store %arg11[%parallel_loop3A_349], %parallel_loop3A_344 {strides = array<i32>} : memref<256xf32, #tpu.memory_space<vmem>>, vector<16xf32>,
      } {sc.loop_unroll_factor = 1 : i64, sc.parallel_access}
      %mul3A_139 = arith.constant 128 : i32
      %mul3A_140 = arith.muli %add3A_109, %mul3A_139 : i32
      %add3A_141 = arith.addi %mul3A_2, %mul3A_140 : i32
      %multiple_of3A_142 = tpu.assume_multiple %add3A_141, 8 : i32
      %dma_start3A_143 = arith.constant 128 : i32
      %dma_start3A_144 = arith.constant 0 : i32
      %dma_start3A_145 = tpu.memref_slice %arg10[%dma_start3A_143, %dma_start3A_144] : memref<256x64xf32, #tpu.memory_space<vmem>> -> memref<128x64xf32, #tpu.memory_space<vmem>>
      %dma_start3A_146 = arith.constant 0 : i32
      %dma_start3A_147 = tpu.memref_slice %arg7[%multiple_of3A_142, %dma_start3A_146] : memref<262144x64xf32, #tpu.memory_space<hbm>> -> memref<128x64xf32, #tpu.memory_space<hbm>>
      %dma_start3A_148 = arith.constant 0 : i32
      %dma_start3A_149 = tpu.memref_slice %arg7[%multiple_of3A_142, %dma_start3A_148] : memref<262144x64xf32, #tpu.memory_space<hbm>> -> memref<128x64xf32, #tpu.memory_space<hbm>>
      %dma_start3A_150 = arith.constant 128 : i32
      %dma_start3A_151 = arith.constant 0 : i32
      %dma_start3A_152 = tpu.memref_slice %arg10[%dma_start3A_150, %dma_start3A_151] : memref<256x64xf32, #tpu.memory_space<vmem>> -> memref<128x64xf32, #tpu.memory_space<vmem>>
      tpu.enqueue_dma source(%dma_start3A_152 : memref<128x64xf32, #tpu.memory_space<vmem>>) target(%dma_start3A_149 : memref<128x64xf32, #tpu.memory_space<hbm>>) target_semaphore(%arg19 : memref<!tpu.dma_semaphore, #tpu.memory_space<semaphore_mem>>)
      %dma_start3A_153 = arith.constant 128 : i32
      %dma_start3A_154 = tpu.memref_slice %arg11[%dma_start3A_153] : memref<256xf32, #tpu.memory_space<vmem>> -> memref<128xf32, #tpu.memory_space<vmem>>
      %dma_start3A_155 = tpu.memref_slice %arg8[%multiple_of3A_142] : memref<262144xf32, #tpu.memory_space<hbm>> -> memref<128xf32, #tpu.memory_space<hbm>>
      %dma_start3A_156 = tpu.memref_slice %arg8[%multiple_of3A_142] : memref<262144xf32, #tpu.memory_space<hbm>> -> memref<128xf32, #tpu.memory_space<hbm>>
      %dma_start3A_157 = arith.constant 128 : i32
      %dma_start3A_158 = tpu.memref_slice %arg11[%dma_start3A_157] : memref<256xf32, #tpu.memory_space<vmem>> -> memref<128xf32, #tpu.memory_space<vmem>>
      tpu.enqueue_dma source(%dma_start3A_158 : memref<128xf32, #tpu.memory_space<vmem>>) target(%dma_start3A_156 : memref<128xf32, #tpu.memory_space<hbm>>) target_semaphore(%arg21 : memref<!tpu.dma_semaphore, #tpu.memory_space<semaphore_mem>>)
    }
    %scan3A_19 = arith.constant 32 : i32
    %add3A_20 = arith.constant 7936 : i32
    %add3A_21 = arith.addi %mul3A_2, %add3A_20 : i32
    %multiple_of3A_22 = tpu.assume_multiple %add3A_21, 8 : i32
    %dma_wait3A = arith.constant 0 : i32
    %dma_wait3A_23 = arith.constant 0 : i32
    %dma_wait3A_24 = tpu.memref_slice %arg10[%dma_wait3A, %dma_wait3A_23] : memref<256x64xf32, #tpu.memory_space<vmem>> -> memref<128x64xf32, #tpu.memory_space<vmem>>
    %dma_wait3A_25 = arith.constant 0 : i32
    %dma_wait3A_26 = tpu.memref_slice %arg7[%multiple_of3A_22, %dma_wait3A_25] : memref<262144x64xf32, #tpu.memory_space<hbm>> -> memref<128x64xf32, #tpu.memory_space<hbm>>
    %dma_wait3A_27 = arith.constant 0 : i32
    %dma_wait3A_28 = tpu.memref_slice %arg7[%multiple_of3A_22, %dma_wait3A_27] : memref<262144x64xf32, #tpu.memory_space<hbm>> -> memref<128x64xf32, #tpu.memory_space<hbm>>
    %dma_wait3A_29 = arith.constant 0 : i32
    %dma_wait3A_30 = arith.constant 0 : i32
    %dma_wait3A_31 = tpu.memref_slice %arg10[%dma_wait3A_29, %dma_wait3A_30] : memref<256x64xf32, #tpu.memory_space<vmem>> -> memref<128x64xf32, #tpu.memory_space<vmem>>
    tpu.wait_dma2 semaphore(%arg18 : memref<!tpu.dma_semaphore, #tpu.memory_space<semaphore_mem>>) src(%dma_wait3A_31 : memref<128x64xf32, #tpu.memory_space<vmem>>) dst(%dma_wait3A_28 : memref<128x64xf32, #tpu.memory_space<hbm>>)
    %dma_wait3A_32 = arith.constant 0 : i32
    %dma_wait3A_33 = tpu.memref_slice %arg11[%dma_wait3A_32] : memref<256xf32, #tpu.memory_space<vmem>> -> memref<128xf32, #tpu.memory_space<vmem>>
    %dma_wait3A_34 = tpu.memref_slice %arg8[%multiple_of3A_22] : memref<262144xf32, #tpu.memory_space<hbm>> -> memref<128xf32, #tpu.memory_space<hbm>>
    %dma_wait3A_35 = tpu.memref_slice %arg8[%multiple_of3A_22] : memref<262144xf32, #tpu.memory_space<hbm>> -> memref<128xf32, #tpu.memory_space<hbm>>
    %dma_wait3A_36 = arith.constant 0 : i32
    %dma_wait3A_37 = tpu.memref_slice %arg11[%dma_wait3A_36] : memref<256xf32, #tpu.memory_space<vmem>> -> memref<128xf32, #tpu.memory_space<vmem>>
    tpu.wait_dma2 semaphore(%arg20 : memref<!tpu.dma_semaphore, #tpu.memory_space<semaphore_mem>>) src(%dma_wait3A_37 : memref<128xf32, #tpu.memory_space<vmem>>) dst(%dma_wait3A_35 : memref<128xf32, #tpu.memory_space<hbm>>)
    %add3A_38 = arith.constant 8064 : i32
    %add3A_39 = arith.addi %mul3A_2, %add3A_38 : i32
    %multiple_of3A_40 = tpu.assume_multiple %add3A_39, 8 : i32
    %dma_wait3A_41 = arith.constant 128 : i32
    %dma_wait3A_42 = arith.constant 0 : i32
    %dma_wait3A_43 = tpu.memref_slice %arg10[%dma_wait3A_41, %dma_wait3A_42] : memref<256x64xf32, #tpu.memory_space<vmem>> -> memref<128x64xf32, #tpu.memory_space<vmem>>
    %dma_wait3A_44 = arith.constant 0 : i32
    %dma_wait3A_45 = tpu.memref_slice %arg7[%multiple_of3A_40, %dma_wait3A_44] : memref<262144x64xf32, #tpu.memory_space<hbm>> -> memref<128x64xf32, #tpu.memory_space<hbm>>
    %dma_wait3A_46 = arith.constant 0 : i32
    %dma_wait3A_47 = tpu.memref_slice %arg7[%multiple_of3A_40, %dma_wait3A_46] : memref<262144x64xf32, #tpu.memory_space<hbm>> -> memref<128x64xf32, #tpu.memory_space<hbm>>
    %dma_wait3A_48 = arith.constant 128 : i32
    %dma_wait3A_49 = arith.constant 0 : i32
    %dma_wait3A_50 = tpu.memref_slice %arg10[%dma_wait3A_48, %dma_wait3A_49] : memref<256x64xf32, #tpu.memory_space<vmem>> -> memref<128x64xf32, #tpu.memory_space<vmem>>
    tpu.wait_dma2 semaphore(%arg19 : memref<!tpu.dma_semaphore, #tpu.memory_space<semaphore_mem>>) src(%dma_wait3A_50 : memref<128x64xf32, #tpu.memory_space<vmem>>) dst(%dma_wait3A_47 : memref<128x64xf32, #tpu.memory_space<hbm>>)
    %dma_wait3A_51 = arith.constant 128 : i32
    %dma_wait3A_52 = tpu.memref_slice %arg11[%dma_wait3A_51] : memref<256xf32, #tpu.memory_space<vmem>> -> memref<128xf32, #tpu.memory_space<vmem>>
    %dma_wait3A_53 = tpu.memref_slice %arg8[%multiple_of3A_40] : memref<262144xf32, #tpu.memory_space<hbm>> -> memref<128xf32, #tpu.memory_space<hbm>>
    %dma_wait3A_54 = tpu.memref_slice %arg8[%multiple_of3A_40] : memref<262144xf32, #tpu.memory_space<hbm>> -> memref<128xf32, #tpu.memory_space<hbm>>
    %dma_wait3A_55 = arith.constant 128 : i32
    %dma_wait3A_56 = tpu.memref_slice %arg11[%dma_wait3A_55] : memref<256xf32, #tpu.memory_space<vmem>> -> memref<128xf32, #tpu.memory_space<vmem>>
    tpu.wait_dma2 semaphore(%arg21 : memref<!tpu.dma_semaphore, #tpu.memory_space<semaphore_mem>>) src(%dma_wait3A_56 : memref<128xf32, #tpu.memory_space<vmem>>) dst(%dma_wait3A_54 : memref<128xf32, #tpu.memory_space<hbm>>)
    return
  }
}

</mosaic_0001>

<sc_bundles>
// kernel: kernel.3.cloned.1.call-start
scs
__scs_entry_jumppad:
0x0: {  	(pc) =	sbr.rel $0x88, $3  }
0x1: {  	(tag) =	ssettag $0x0;
	lr =	simm.s32 $0x1  }
0x2: {  	[smem:$0x3F9F] =	sst lr;
	_ =	strace $0xD0000000  }
0x3: {  	_ = 	snop  }
0x4: {  	_ = 	snop  }
0x5: {  	_ = 	snop  }
0x6: {  	_ = 	snop  }
0x7: {  	_ = 	snop  }
__scs_overlays_trampoline_lowered:
0x8: {  	[smem:$0x3FAE] =	sst s0  }
0x9: {  	[smem:$0x3FAF] =	sst s1  }
0xa: {  	[smem:$0x3FB0] =	sst s2  }
0xb: {  	[smem:$0x3FB1] =	sst s3  }
0xc: {  	[smem:$0x3FB2] =	sst s4  }
0xd: {  	[smem:$0x3FB3] =	sst s5  }
0xe: {  	[smem:$0x3FB4] =	sst s6  }
0xf: {  	[smem:$0x3FB5] =	sst s7  }
0x10: {  	[smem:$0x3FB6] =	sst s8  }
0x11: {  	[smem:$0x3FB7] =	sst s9;
	s0 =	simm.s32 @!p0 $0x0  }
0x12: {  	s1 =	sld [smem:$0x3F9D];
	s0 =	simm.s32 @p0 $0x1  }
0x13: {  	[smem:$0x3FB8] =	sst s0;
	s0 =	simm.s32 @!p1 $0x0  }
0x14: {  	s2 =	sld [smem:$0x3F9C];
	s0 =	simm.s32 @p1 $0x1  }
0x15: {  	[smem:$0x3FB9] =	sst s0;
	s0 =	simm.s32 @!p2 $0x0  }
0x16: {  	s3 =	sld [smem:$0x3FDB];
	s0 =	simm.s32 @p2 $0x1  }
0x17: {  	s4 =	simm.s32 $0x1BF5;
	[smem:$0x3FBB] =	sst s0  }
0x18: {  	s0 =	sld [smem:$0x3F9E];
	_ =	swait.ge [sflag:s4], $0x0  }
0x19: {  	s7 =	sld [smem:$0x3F9F]  }
0x1a: {  	s8 =	sadd.s32 $0xFFFFE003, lr  }
0x1b: {  	s9 =	sadd.s32 $0xFFFFFEF7, lr;
	s5 =	simm.s32 $0xFFFFFFFF;
	p2 =	slt.u32 s8, $0xFFFFF086  }
0x1c: {  	p1 =	slt.u32 s9, $0xF7A;
	s5 =	simm.s32 @!p2 $0x0  }
0x1d: {  	s5 =	simm.s32 @p1 $0x1;
	p0 =	seq.s32 s7, s2  }
0x1e: {  	s7 =	smul.u32 @!p0 $0xF7A, s2;
	p2 =	seq.s32 @!p0 s5, $0x0  }
0x1f: {  	s9 =	smul.u32 $0xF7A, s1;
	s8 =	simm.s32 @!p0 $0x1BF5;
	p2 =	por !p2, p0  }
0x20: {  	[sflag:s8] =	ssyncset.s32 @!p0 $0xFFFFF086;
	s6 =	sadd.s32 @!p0 s3, s7;
	s7 =	simm.s32 @!p0 $0x108  }
0x21: {  	s3 =	sadd.s32 s3, s9;
	s6 =	sadd.s32 @!p0 $0x88, s6;
	s7 =	simm.s32 @p2 $0x1082  }
0x22: {  	[simem:s7], [sflag:s8] =	dma.local @!p0 [hbm:s6], $0xF7A  }
0x23: {  	s9 =	sor.u32 $0xD0000000, s2;
	s6 =	simm.s32 $0x108;
	_ =	swait.ge @!p0 [sflag:s8], $0x0  }
0x24: {  	s3 =	sadd.s32 $0x88, s3;
	s6 =	simm.s32 @!p1 $0x1082;
	[sflag:s4] =	ssyncset.s32 $0xFFFFF086  }
0x25: {  	[simem:s6], [sflag:s4] =	dma.local [hbm:s3], $0xF7A  }
0x26: {  	[smem:$0x3F9F] =	sst s1;
	(tag) =	ssettag s2;
	_ =	strace s9  }
0x27: {  	s1 =	sld [smem:$0x3FAF]  }
0x28: {  	s2 =	sld [smem:$0x3FB0]  }
0x29: {  	s4 =	sld [smem:$0x3FB2]  }
0x2a: {  	p0 =	seq.s32 s5, $0x0;
	s5 =	sld [smem:$0x3FB3]  }
0x2b: {  	s6 =	sld [smem:$0x3FB4]  }
0x2c: {  	s7 =	sld [smem:$0x3FB5]  }
0x2d: {  	s3 =	simm.s32 $0x108;
	s8 =	sld [smem:$0x3FB6]  }
0x2e: {  	s3 =	simm.s32 @!p0 $0x1082;
	s9 =	sld [smem:$0x3FB7]  }
0x2f: {  	lr =	sadd.s32 s0, s3;
	s0 =	sld [smem:$0x3FAE]  }
0x30: {  	s3 =	sld [smem:$0x3FB1]  }
0x31: {  	[smem:$0x3FBA] =	sst s10  }
0x32: {  	s10 =	sld [smem:$0x3FB8];
	_ =	sdelay $0x3  }
0x33: {  	p0 =	seq.s32 s10, $0x1;
	s10 =	sld [smem:$0x3FBA];
	_ =	sdelay $0x3  }
0x34: {  	[smem:$0x3FBA] =	sst s10  }
0x35: {  	s10 =	sld [smem:$0x3FB9];
	_ =	sdelay $0x3  }
0x36: {  	p1 =	seq.s32 s10, $0x1;
	s10 =	sld [smem:$0x3FBA];
	_ =	sdelay $0x3  }
0x37: {  	[smem:$0x3FBA] =	sst s10  }
0x38: {  	s10 =	sld [smem:$0x3FBB]  }
0x39: {  	_ = 	snop;
	(pc) =	sbr.ind lr, $3  }
0x3a: {  	_ = 	snop  }
0x3b: {  	_ = 	snop  }
0x3c: {  	p2 =	seq.s32 s10, $0x1;
	s10 =	sld [smem:$0x3FBA]  }
0x3d: {  	_ =	shalt  }
0x3e: {  	_ =	shalt  }
0x3f: {  	_ =	shalt  }
0x40: {  	_ =	shalt  }
0x41: {  	_ =	shalt  }
0x42: {  	_ =	shalt  }
0x43: {  	_ =	shalt  }
0x44: {  	_ =	shalt  }
0x45: {  	_ =	shalt  }
0x46: {  	_ =	shalt  }
0x47: {  	_ =	shalt  }
0x48: {  	_ =	shalt  }
0x49: {  	_ =	shalt  }
0x4a: {  	_ =	shalt  }
0x4b: {  	_ =	shalt  }
0x4c: {  	_ =	shalt  }
0x4d: {  	_ =	shalt  }
0x4e: {  	_ =	shalt  }
0x4f: {  	_ =	shalt  }
0x50: {  	_ =	shalt  }
0x51: {  	_ =	shalt  }
0x52: {  	_ =	shalt  }
0x53: {  	_ =	shalt  }
0x54: {  	_ =	shalt  }
0x55: {  	_ =	shalt  }
0x56: {  	_ =	shalt  }
0x57: {  	_ =	shalt  }
0x58: {  	_ =	shalt  }
0x59: {  	_ =	shalt  }
0x5a: {  	_ =	shalt  }
0x5b: {  	_ =	shalt  }
0x5c: {  	_ =	shalt  }
0x5d: {  	_ =	shalt  }
0x5e: {  	_ =	shalt  }
0x5f: {  	_ =	shalt  }
0x60: {  	_ =	shalt  }
0x61: {  	_ =	shalt  }
0x62: {  	_ =	shalt  }
0x63: {  	_ =	shalt  }
0x64: {  	_ =	shalt  }
0x65: {  	_ =	shalt  }
0x66: {  	_ =	shalt  }
0x67: {  	_ =	shalt  }
0x68: {  	_ =	shalt  }
0x69: {  	_ =	shalt  }
0x6a: {  	_ =	shalt  }
0x6b: {  	_ =	shalt  }
0x6c: {  	_ =	shalt  }
0x6d: {  	_ =	shalt  }
0x6e: {  	_ =	shalt  }
0x6f: {  	_ =	shalt  }
0x70: {  	_ =	shalt  }
0x71: {  	_ =	shalt  }
0x72: {  	_ =	shalt  }
0x73: {  	_ =	shalt  }
0x74: {  	_ =	shalt  }
0x75: {  	_ =	shalt  }
0x76: {  	_ =	shalt  }
0x77: {  	_ =	shalt  }
0x78: {  	_ =	shalt  }
0x79: {  	_ =	shalt  }
0x7a: {  	_ =	shalt  }
0x7b: {  	_ =	shalt  }
0x7c: {  	_ =	shalt  }
0x7d: {  	_ =	shalt  }
0x7e: {  	_ =	shalt  }
0x7f: {  	_ =	shalt  }
0x80: {  	_ =	shalt  }
0x81: {  	_ =	shalt  }
0x82: {  	_ =	shalt  }
0x83: {  	_ =	shalt  }
0x84: {  	_ =	shalt  }
0x85: {  	_ =	shalt  }
0x86: {  	_ =	shalt  }
0x87: {  	_ =	shalt  }
.Lfunc_end0:
.L_simem_size_0:
called_computation_lowered:
.L_overlay_start_0:
0x88: {  	s2 =	sld [smem:$0x3FD9]  }
0x89: {  	s3 =	sld [smem:$0x3FFE];
	_ =	sdelay $0x1  }
0x8a: {  	s1 =	srdreg.scid  }
0x8b: {  	s0 =	sand.u32 $0x1, s1  }
0x8c: {  	s14 =	sshll.u32 s0, $0xA;
	s2 =	sadd.s32 s3, s2  }
0x8d: {  	s2 =	sadd.s32 s2, s14  }
0x8e: {  	[smem:$0x3FC6] =	sst s2  }
0x8f: {  	_ = 	snop  }
0x90: {  	s2 =	sld [smem:$0x3FD0];
	_ =	sdelay $0x2  }
0x91: {  	s15 =	simm.s32 $0xA;
	s4 =	simm.s32 $0x10  }
0x92: {  	[smem:s4], [sflag:s15] =	dma.local [hbm:s2], $0x1  }
0x93: {  	_ =	swait.eq [sflag:s15], $0x1  }
0x94: {  	[sflag:s15] =	ssyncset.done $0x0  }
0x95: {  	s16 =	sld [smem:$0x10];
	[sflag:s15] =	ssyncadd.s32 $0xFFFFFFFF  }
0x96: {  	s17 =	sld [smem:$0x11];
	(tm) =	ssettm $0x1  }
0x97: {  	s18 =	sld [smem:$0x3FFB];
	_ =	sdelay $0x3  }
0x98: {  	_ =	strace s18  }
0x99: {  	s4 =	sld [smem:$0x3FFC];
	_ =	sdelay $0x3  }
0x9a: {  	_ =	strace s4  }
0x9b: {  	s4 =	sld [smem:$0x3FFD];
	_ =	sdelay $0x3  }
0x9c: {  	_ =	strace s4  }
0x9d: {  	_ =	strace $0x8FFFFFFF  }
0x9e: {  	s19 =	sld [smem:$0x3FDB];
	_ =	sdelay $0x1  }
0x9f: {  	s5 =	simm.s32 $_scs_section_size  }
0xa0: {  	s6 =	simm.s32 $_size__tile_overlayer_lowered;
	s7 =	simm.s32 $_tile_overlayer_lowered  }
0xa1: {  	s22 =	simm.s32 $0x1BFF;
	s21 =	sshll.u32 s7, $0x1;
	s4 =	sadd.s32 s5, s19  }
0xa2: {  	s8 =	simm.s32 $0x0;
	s20 =	sshll.u32 s6, $0x1;
	s6 =	sadd.s32 s21, s4  }
0xa3: {  	[timem:s8], [sflag:s22] =	dma.local [hbm:s6], s20  }
0xa4: {  	_ =	swait.ge [sflag:s22], s20  }
0xa5: {  	s5 =	ssub.s32 $0x0, s20;
	[sflag:s22] =	ssyncset.done $0x0  }
0xa6: {  	[sflag:s22] =	ssyncadd.s32 s5;
	_ =	sdelay $0x1  }
0xa7: {  	s23 =	simm.s32 $0x1B8B  }
0xa8: {  	_ =	swait.ge [sflag:s23], $0x1  }
0xa9: {  	[sflag:s23] =	ssyncset.done $0x0  }
0xaa: {  	s25 =	simm.s32 $0x1B8E;
	s24 =	sld [smem:$0x3FFE];
	[sflag:s23] =	ssyncadd.s32 $0xFFFFFFFF  }
0xab: {  	s26 =	simm.s32 $execute0_lowered;
	[smem:$0x3FD2] =	sst s25  }
0xac: {  	s6 =	sshll.u32 s26, $0x1;
	_ =	strace $0x80000046;
	[dreg:$0x1] =	wrdreg $0xFFFFFFFF  }
0xad: {  	s28 =	simm.s32 $_size_execute0_lowered;
	s4 =	sadd.s32 s4, s6;
	[dreg:$0x0] =	wrdreg $0x0  }
0xae: {  	s6 =	sshll.u32 s28, $0x1;
	[dreg:$0x2] =	wrdreg s4  }
0xaf: {  	[dreg:$0x3] =	wrdreg s6  }
0xb0: {  	[dreg:$0x4] =	wrdreg $0xC0  }
0xb1: {  	_ =	task [dreg:s8], $0x5FFFF  }
0xb2: {  	[dreg:$0x1] =	wrdreg $0xFFFFFFFF  }
0xb3: {  	[dreg:$0x0] =	wrdreg $0x60  }
0xb4: {  	[dreg:$0x2] =	wrdreg s24  }
0xb5: {  	[dreg:$0x3] =	wrdreg s16  }
0xb6: {  	[dreg:$0x4] =	wrdreg s17  }
0xb7: {  	[dreg:$0x5] =	wrdreg $0x9  }
0xb8: {  	_ =	task.clear_ibuf [dreg:s8], $0x6FFFF;
	_ =	strace $0x90000046  }
0xb9: {  	s29 =	simm.s32 $0x9;
	_ =	strace $0x80000048  }
0xba: {  	_ =	swait.ge [sflag:s29], $0x1  }
0xbb: {  	[sflag:s29] =	ssyncadd.s32 $0xFFFFFFFF  }
0xbc: {  	_ =	strace $0x90000048  }
0xbd: {  	_ =	sfence  }
0xbe: {  	s30 =	sld [smem:$0x0];
	_ =	sdelay $0x2  }
0xbf: {  	s31 =	sshll.u32 s1, $0xD;
	s1 =	sshrl.u32 s1, $0x2  }
0xc0: {  	s3 =	sand.u32 $0x4000, s31;
	s1 =	sadd.s32 s1, s30  }
0xc1: {  	s0 =	sor.u32 s3, s0;
	s1 =	sshll.u32 s1, $0x11  }
0xc2: {  	s0 =	sor.u32 s1, s0  }
0xc3: {  	s0 =	sadd.s32 $0x8F2B, s0  }
0xc4: {  	[sflag:s0] =	ssyncadd.remote.s32 $0x1  }
0xc5: {  	_ =	sfence.sel $0xFFFF  }
0xc6: {  	[dreg:$0x0] =	wrdreg $0xFFFFFFFF;
	(pc) =	sbr.abs _section_cstart, $3  }
0xc7: {  	[dreg:$0x1] =	wrdreg $0xFFFFFFFF  }
0xc8: {  	_ =	task.clear_ibuf [dreg:s8], $0x2FFFF;
	_ =	strace $0x9FFFFFFF  }
0xc9: {  	(tm) =	ssettm $0x7FFFFFFF  }
tec
execute0_lowered:
.L_overlay_start_1:
0x0: {  	(tag) =	ssettag $0x1  }
0x1: {  	s0 =	rddreg [dreg:$0x0]  }
0x2: {  	s1 =	srdreg.scid;
	s2 =	stileid.u32  }
0x3: {  	s3 =	rddreg [dreg:$0x2];
	s4 =	simm.s32 $0x0;
	s13 =	simm.s32 $0x10100  }
0x4: {  	s15 =	simm.s32 $0x11180;
	s16 =	simm.s32 $0x12200;
	s17 =	simm.s32 $0x13280  }
0x5: {  	s18 =	simm.s32 $0x1;
	s20 =	simm.s32 $0x8000;
	s22 =	simm.s32 $0x2  }
0x6: {  	s23 =	simm.s32 $0xC000;
	s24 =	simm.s32 $0x10080;
	s28 =	simm.s32 $0x4  }
0x7: {  	s29 =	simm.s32 $0x6;
	s1 =	sand.u32 $0x1, s1;
	s2 =	sshll.u32 s2, $0xE  }
0x8: {  	[smem:$0x7FF] =	sst s4;
	s6 =	sadd.s32 $0x800, s0;
	s30 =	sadd.s32 $0x400C00, s0  }
0x9: {  	s26 =	sadd.s32 $0x400, s0;
	s9 =	sadd.s32 $0x400E00, s0;
	s5 =	sshll.u32 s1, $0xD  }
0xa: {  	_ =	strace $0x80000047;
	s1 =	ssub.s32 $0x2, s1;
	s5 =	sor.u32 s5, s2  }
0xb: {  	v0 =	vlaneseq.u32;
	[dreg:$0x4] =	wrdreg s6;
	s31 =	sshrl.u32 s1, $0x1;
	s2 =	sshll.u32 s5, $0x4  }
0xc: {  	v0 =	vmul.u32 $0x80, v0;
	[dreg:$0x5] =	wrdreg s26;
	s2 =	sadd.s32 s2, s0;
	s0 =	ssub.s32 s1, s31  }
0xd: {  	[dreg:$0x6] =	wrdreg s30;
	s1 =	simm.s32 $0x0;
	s0 =	smax.u32 s0, $0x1  }
0xe: {  	[tilespmem:$0x1FFF0] =	vst v0;
	s10 =	sadd.s32 $0xC00, s2;
	s11 =	sadd.s32 $0x1C00, s2;
	[dreg:$0x7] =	wrdreg s0  }
.LBB2_1:
0xf: {  	[dreg:$0x8] =	wrdreg s1  }
0x10: {  	s0 =	rddreg [dreg:$0x1];
	s21 =	simm.s32 $0x7  }
0x11: {  	[tilespmem:s13], [sflag:$0x7] =	stream.linear.gather [hbm4b:s0+s4], $0x1080, $0x38;
	[tilespmem:$0x13680] =	vst v63  }
0x12: {  	_ =	swait.ge [sflag:s21], $0x1080  }
0x13: {  	[sflag:s21] =	ssyncset.done $0x0  }
0x14: {  	s25 =	rddreg [dreg:$0x4];
	[sflag:s21] =	ssyncadd.s32 $0xFFFFEF80  }
0x15: {  	[tilespmem:s15], [sflag:$0x7] =	stream.linear.gather [hbm4b:s25+s4], $0x1080, $0x38;
	[tilespmem:$0x13680] =	vst v63  }
0x16: {  	_ =	swait.ge [sflag:s21], $0x1080  }
0x17: {  	[sflag:s21] =	ssyncset.done $0x0  }
0x18: {  	s26 =	rddreg [dreg:$0x5];
	[sflag:s21] =	ssyncadd.s32 $0xFFFFEF80  }
0x19: {  	[tilespmem:s16], [sflag:$0x7] =	stream.linear.gather [hbm4b:s26+s4], $0x1080, $0x38;
	[tilespmem:$0x13680] =	vst v63  }
0x1a: {  	_ =	swait.ge [sflag:s21], $0x1080  }
0x1b: {  	[sflag:s21] =	ssyncset.done $0x0  }
0x1c: {  	s30 =	rddreg [dreg:$0x6];
	[sflag:s21] =	ssyncadd.s32 $0xFFFFEF80  }
0x1d: {  	[tilespmem:s17], [sflag:$0x7] =	stream.linear.gather [hbm4b:s30+s4], $0x400, $0x38;
	[tilespmem:$0x13680] =	vst v63  }
0x1e: {  	_ =	swait.ge [sflag:s21], $0x400  }
0x1f: {  	[sflag:s21] =	ssyncset.done $0x0  }
0x20: {  	s31 =	simm.s32 $0x0;
	[sflag:s21] =	ssyncadd.s32 $0xFFFFFC00  }
0x21: {  	[tilespmem:s4], [sflag:$0x1] =	stream.linear.gather [hbm4b:s10+s4], $0x4000, $0x38;
	[tilespmem:$0x13680] =	vst v63  }
.LBB2_2:
0x22: {  	_ =	swait.ge [sflag:s18], $0x4000;
	s1 =	sshllo.u32 s31, $0x1  }
0x23: {  	s2 =	simm.s32 $0x4000;
	[sflag:s18] =	ssyncset.done $0x0;
	s0 =	sshll.u32 s1, $0xB  }
0x24: {  	p0 =	seq.s32 s31, $0x0;
	[sflag:s18] =	ssyncadd.s32 $0xFFFFC000;
	s0 =	sadd.s32 s0, s10  }
0x25: {  	[tilespmem:s2], [sflag:$0x2] =	stream.linear.gather [hbm4b:s0+s4], $0x4000, $0x38;
	[tilespmem:$0x13680] =	vst v63  }
0x26: {  	s0 =	simm.s32 @!p0 $0x3  }
0x27: {  	_ =	swait.ge @!p0 [sflag:s0], $0x4000  }
0x28: {  	[sflag:s0] =	ssyncset.done @!p0 $0x0  }
0x29: {  	s2 =	simm.s32 @!p0 $0x5;
	[sflag:s0] =	ssyncadd.s32 @!p0 $0xFFFFC000  }
0x2a: {  	_ =	swait.ge @!p0 [sflag:s2], $0x80  }
0x2b: {  	s30 =	sshll.u32 s31, $0x8;
	s6 =	simm.s32 $0x0;
	[sflag:s2] =	ssyncset.done @!p0 $0x0  }
0x2c: {  	s0 =	sadd.s32 s5, s30;
	[sflag:s2] =	ssyncadd.s32 @!p0 $0xFFFFFF80;
	s2 =	simm.s32 $0x0  }
.LBB2_3:
0x2d: {  	v0 =	vld [tilespmem:$0x1FFF0];
	_ =	sdelay $0x1  }
0x2e: {  	s7 =	sshll.u32 s6, $0x4  }
0x2f: {  	v4 =	vlaneseq.u32;
	v1 =	vmov s7  }
0x30: {  	s8 =	simm.s32 $0x4;
	v3 =	vadd.s32 s2, v4;
	v1 =	vshll.u32 v1, $0x7  }
0x31: {  	v2 =	vor.u32 v0, v1;
	v1 =	vand.u32 $0x3F, v3;
	v3 =	vadd.s32 s8, v4  }
0x32: {  	v6 =	vor.u32 v2, v1;
	v3 =	vand.u32 $0x3F, v3  }
0x33: {  	v7 =	vor.u32 v2, v3;
	_ =	sdelay $0x3  }
0x34: {  	v8 =	vld.idx.msk [tilespmem:v6+s4+$0x0], $0xffff  }
0x35: {  	v9 =	vld.idx.msk [tilespmem:v7+s4+$0x0], $0xffff;
	_ =	sdelay $0x3  }
0x36: {  	v47 =	vand.u32 $0x7FFFFFFF, v8  }
0x37: {  	v4 =	vmul.f32 $6.816437720e+00, v47;
	v5 =	vand.u32 $0x7FFFFFFF, v9  }
0x38: {  	v5 =	vmul.f32 $6.816437720e+00, v5  }
0x39: {  	v4 =	vadd.f32 $1.000000000e+00, v4  }
0x3a: {  	v5 =	vadd.f32 $1.000000000e+00, v5  }
0x3b: {  	v10 =	vshrl.u32 v4, $0xD  }
0x3c: {  	v10 =	vand.u32 $0x3FF, v10;
	v11 =	vshrl.u32 v5, $0xD  }
0x3d: {  	v11 =	vand.u32 $0x3FF, v11;
	_ =	sdelay $0x3  }
0x3e: {  	v4 =	vshra.s32 v4, $0x17;
	v10 =	vld.idx.msk [tilespmem:v10+s17+$0x0], $0xffff  }
0x3f: {  	v4 =	vcvt.s32.f32 v4;
	v5 =	vshra.s32 v5, $0x17;
	v11 =	vld.idx.msk [tilespmem:v11+s17+$0x0], $0xffff  }
0x40: {  	v5 =	vcvt.s32.f32 v5  }
0x41: {  	v4 =	vmul.f32 $3.801784040e+00, v4  }
0x42: {  	v5 =	vmul.f32 $3.801784040e+00, v5  }
0x43: {  	v4 =	vadd.f32 v4, v10  }
0x44: {  	v5 =	vadd.f32 v5, v11  }
0x45: {  	v4 =	vtrunc.f32 v4  }
0x46: {  	v4 =	vcvt.f32.s32 v4;
	v5 =	vtrunc.f32 v5  }
0x47: {  	v5 =	vcvt.f32.s32 v5  }
0x48: {  	vm0 =	vgt.s32 v4, $0x0  }
0x49: {  	v4 =	vnsel vm0, $0x0, v4;
	vm15 =	vgt.s32 v5, $0x0  }
0x4a: {  	v10 =	vshra.s32 v8, $0x1F;
	v4 =	vmin.u32 v4, $0x20;
	v5 =	vnsel vm15, $0x0, v5  }
0x4b: {  	v4 =	vxor.u32 v10, v4;
	v5 =	vmin.u32 v5, $0x20;
	v10 =	vshra.s32 v9, $0x1F  }
0x4c: {  	v4 =	vshll.u32 v4, $0x6;
	v5 =	vxor.u32 v10, v5  }
0x4d: {  	v1 =	vor.u32 v1, v4;
	v48 =	vshll.u32 v5, $0x6  }
0x4e: {  	v1 =	vadd.s32 $0x840, v1;
	v3 =	vor.u32 v3, v48  }
0x4f: {  	v3 =	vadd.s32 $0x840, v3;
	_ =	sdelay $0x3  }
0x50: {  	v49 =	vld.idx.msk [tilespmem:v1+s16+$0x0], $0xffff  }
0x51: {  	v10 =	vld.idx.msk [tilespmem:v3+s16+$0x0], $0xffff  }
0x52: {  	v11 =	vld.idx.msk [tilespmem:v1+s15+$0x0], $0xffff  }
0x53: {  	v12 =	vld.idx.msk [tilespmem:v3+s15+$0x0], $0xffff;
	_ =	sdelay $0x1  }
0x54: {  	v5 =	vmul.f32 v49, v8  }
0x55: {  	s14 =	simm.s32 $0x1;
	v0 =	vlaneseq.u32;
	v1 =	vld.idx.msk [tilespmem:v1+s13+$0x0], $0xffff;
	v4 =	vmul.f32 v10, v9  }
0x56: {  	s12 =	simm.s32 $0x5;
	v3 =	vld.idx.msk [tilespmem:v3+s13+$0x0], $0xffff;
	v10 =	vadd.s32 s14, v0;
	v62 =	vadd.f32 v5, v11  }
0x57: {  	v13 =	vadd.s32 s12, v0;
	v14 =	vand.u32 $0x3F, v10;
	v10 =	vadd.f32 v4, v12  }
0x58: {  	v12 =	vand.u32 $0x3F, v13;
	v18 =	vor.u32 v2, v14;
	v8 =	vmul.f32 v62, v8  }
0x59: {  	v19 =	vor.u32 v2, v12;
	v9 =	vmul.f32 v10, v9  }
0x5a: {  	v1 =	vadd.f32 v8, v1  }
0x5b: {  	v3 =	vadd.f32 v9, v3  }
0x5c: {  	[tilespmem:v6+s20+$0x0] =	vst.idx.msk $0xffff, v1  }
0x5d: {  	v6 =	vld.idx.msk [tilespmem:v18+s4+$0x0], $0xffff;
	[tilespmem:v7+s20+$0x0] =	vst.idx.msk $0xffff, v3  }
0x5e: {  	v7 =	vld.idx.msk [tilespmem:v19+s4+$0x0], $0xffff  }
0x5f: {  	s21 =	simm.s32 $0xC;
	v11 =	vlaneseq.u32  }
0x60: {  	s19 =	simm.s32 $0x8;
	v9 =	vadd.s32 s21, v11  }
0x61: {  	v1 =	vadd.s32 s19, v11;
	v9 =	vand.u32 $0x3F, v9  }
0x62: {  	v1 =	vand.u32 $0x3F, v1;
	v16 =	vor.u32 v2, v9;
	v8 =	vand.u32 $0x7FFFFFFF, v6  }
0x63: {  	v3 =	vor.u32 v2, v1;
	v8 =	vmul.f32 $6.816437720e+00, v8;
	v13 =	vand.u32 $0x7FFFFFFF, v7  }
0x64: {  	v13 =	vmul.f32 $6.816437720e+00, v13  }
0x65: {  	v8 =	vadd.f32 $1.000000000e+00, v8  }
0x66: {  	v13 =	vadd.f32 $1.000000000e+00, v13  }
0x67: {  	v25 =	vld.idx.msk [tilespmem:v16+s4+$0x0], $0xffff;
	v15 =	vshrl.u32 v8, $0xD  }
0x68: {  	v17 =	vld.idx.msk [tilespmem:v3+s4+$0x0], $0xffff;
	v20 =	vshrl.u32 v13, $0xD;
	v15 =	vand.u32 $0x3FF, v15  }
0x69: {  	v20 =	vand.u32 $0x3FF, v20;
	_ =	sdelay $0x3  }
0x6a: {  	v8 =	vshra.s32 v8, $0x17;
	v22 =	vand.u32 $0x7FFFFFFF, v25;
	v21 =	vand.u32 $0x7FFFFFFF, v17;
	v15 =	vld.idx.msk [tilespmem:v15+s17+$0x0], $0xffff  }
0x6b: {  	v8 =	vcvt.s32.f32 v8;
	v13 =	vshra.s32 v13, $0x17;
	v21 =	vmul.f32 $6.816437720e+00, v21;
	v20 =	vld.idx.msk [tilespmem:v20+s17+$0x0], $0xffff  }
0x6c: {  	v22 =	vmul.f32 $6.816437720e+00, v22;
	v13 =	vcvt.s32.f32 v13  }
0x6d: {  	v8 =	vmul.f32 $3.801784040e+00, v8;
	v21 =	vadd.f32 $1.000000000e+00, v21  }
0x6e: {  	v22 =	vadd.f32 $1.000000000e+00, v22;
	v13 =	vmul.f32 $3.801784040e+00, v13  }
0x6f: {  	v23 =	vshrl.u32 v21, $0xD;
	v8 =	vadd.f32 v8, v15  }
0x70: {  	v15 =	vand.u32 $0x3FF, v23;
	v13 =	vadd.f32 v13, v20;
	v20 =	vshrl.u32 v22, $0xD  }
0x71: {  	v8 =	vtrunc.f32 v8;
	v20 =	vand.u32 $0x3FF, v20  }
0x72: {  	v8 =	vcvt.f32.s32 v8;
	v13 =	vtrunc.f32 v13  }
0x73: {  	v21 =	vshra.s32 v21, $0x17;
	v13 =	vcvt.f32.s32 v13  }
0x74: {  	v24 =	vshra.s32 v7, $0x1F;
	v21 =	vcvt.s32.f32 v21;
	vm4 =	vgt.s32 v8, $0x0  }
0x75: {  	v23 =	vshra.s32 v6, $0x1F;
	v15 =	vld.idx.msk [tilespmem:v15+s17+$0x0], $0xffff;
	v8 =	vnsel vm4, $0x0, v8;
	vm5 =	vgt.s32 v13, $0x0  }
0x76: {  	v22 =	vshra.s32 v22, $0x17;
	v8 =	vmin.u32 v8, $0x20;
	v13 =	vnsel vm5, $0x0, v13;
	v20 =	vld.idx.msk [tilespmem:v20+s17+$0x0], $0xffff  }
0x77: {  	v22 =	vcvt.s32.f32 v22;
	v8 =	vxor.u32 v23, v8;
	v13 =	vmin.u32 v13, $0x20  }
0x78: {  	v21 =	vmul.f32 $3.801784040e+00, v21;
	v8 =	vshll.u32 v8, $0x6;
	v13 =	vxor.u32 v24, v13  }
0x79: {  	v22 =	vmul.f32 $3.801784040e+00, v22;
	v8 =	vor.u32 v14, v8;
	v13 =	vshll.u32 v13, $0x6  }
0x7a: {  	v14 =	vadd.f32 v21, v15;
	v8 =	vadd.s32 $0x840, v8;
	v12 =	vor.u32 v12, v13  }
0x7b: {  	v15 =	vadd.s32 $0x840, v12;
	v12 =	vadd.f32 v22, v20  }
0x7c: {  	v13 =	vtrunc.f32 v14  }
0x7d: {  	v13 =	vcvt.f32.s32 v13;
	v12 =	vtrunc.f32 v12  }
0x7e: {  	v12 =	vcvt.f32.s32 v12  }
0x7f: {  	vm6 =	vgt.s32 v13, $0x0;
	v14 =	vld.idx.msk [tilespmem:v8+s16+$0x0], $0xffff  }
0x80: {  	v13 =	vnsel vm6, $0x0, v13;
	v22 =	vld.idx.msk [tilespmem:v8+s15+$0x0], $0xffff;
	vm7 =	vgt.s32 v12, $0x0  }
0x81: {  	v21 =	vshra.s32 v17, $0x1F;
	v20 =	vld.idx.msk [tilespmem:v15+s16+$0x0], $0xffff;
	v13 =	vmin.u32 v13, $0x20;
	v12 =	vnsel vm7, $0x0, v12  }
0x82: {  	v13 =	vxor.u32 v21, v13;
	v21 =	vshra.s32 v25, $0x1F;
	v12 =	vmin.u32 v12, $0x20  }
0x83: {  	v23 =	vld.idx.msk [tilespmem:v15+s15+$0x0], $0xffff;
	v13 =	vshll.u32 v13, $0x6;
	v21 =	vxor.u32 v21, v12  }
0x84: {  	s25 =	simm.s32 $0x2;
	v1 =	vor.u32 v1, v13;
	v12 =	vmul.f32 v14, v6;
	v13 =	vshll.u32 v21, $0x6  }
0x85: {  	v24 =	vadd.s32 s25, v11;
	v26 =	vld.idx.msk [tilespmem:v8+s13+$0x0], $0xffff;
	v21 =	vadd.s32 $0x840, v1;
	v1 =	vor.u32 v9, v13  }
0x86: {  	s26 =	simm.s32 $0x6;
	v13 =	vmul.f32 v20, v7;
	v14 =	vadd.f32 v12, v22;
	v28 =	vadd.s32 $0x840, v1  }
0x87: {  	v29 =	vand.u32 $0x3F, v24;
	v8 =	vadd.s32 s26, v11;
	v9 =	vld.idx.msk [tilespmem:v15+s13+$0x0], $0xffff  }
0x88: {  	v1 =	vor.u32 v2, v29;
	v15 =	vadd.f32 v13, v23;
	v6 =	vmul.f32 v14, v6  }
0x89: {  	v30 =	vand.u32 $0x3F, v8  }
0x8a: {  	v8 =	vor.u32 v2, v30;
	v7 =	vmul.f32 v15, v7;
	v20 =	vld.idx.msk [tilespmem:v21+s16+$0x0], $0xffff;
	v6 =	vadd.f32 v6, v26  }
0x8b: {  	v22 =	vld.idx.msk [tilespmem:v28+s16+$0x0], $0xffff  }
0x8c: {  	v51 =	vld.idx.msk [tilespmem:v21+s15+$0x0], $0xffff;
	v50 =	vadd.f32 v7, v9;
	[tilespmem:v18+s20+$0x0] =	vst.idx.msk $0xffff, v6  }
0x8d: {  	v18 =	vld.idx.msk [tilespmem:v1+s4+$0x0], $0xffff  }
0x8e: {  	v53 =	vld.idx.msk [tilespmem:v28+s15+$0x0], $0xffff;
	[tilespmem:v19+s20+$0x0] =	vst.idx.msk $0xffff, v50  }
0x8f: {  	v24 =	vld.idx.msk [tilespmem:v8+s4+$0x0], $0xffff;
	v0 =	vmul.f32 v20, v17  }
0x90: {  	s14 =	simm.s32 $0xD;
	v20 =	vmul.f32 v22, v25  }
0x91: {  	v27 =	vadd.s32 s14, v11;
	s19 =	simm.s32 $0x9;
	[tilespmem:$0x1FFD0] =	vst v0  }
0x92: {  	v27 =	vand.u32 $0x3F, v27;
	v23 =	vadd.s32 s19, v11;
	v32 =	vld.idx.msk [tilespmem:v21+s13+$0x0], $0xffff;
	v31 =	vand.u32 $0x7FFFFFFF, v18;
	[tilespmem:$0x1FFE0] =	vst v20  }
0x93: {  	v33 =	vand.u32 $0x3F, v23;
	v22 =	vadd.f32 v0, v51;
	v31 =	vmul.f32 $6.816437720e+00, v31;
	v28 =	vld.idx.msk [tilespmem:v28+s13+$0x0], $0xffff  }
0x94: {  	v7 =	vor.u32 v2, v33;
	v23 =	vadd.f32 v20, v53;
	v54 =	vand.u32 $0x7FFFFFFF, v24  }
0x95: {  	s30 =	simm.s32 $0x10;
	v17 =	vmul.f32 v22, v17;
	v34 =	vmul.f32 $6.816437720e+00, v54;
	v31 =	vadd.f32 $1.000000000e+00, v31  }
0x96: {  	v52 =	vadd.s32 s30, v11;
	v6 =	vor.u32 v2, v27;
	v35 =	vmul.f32 v23, v25  }
0x97: {  	v34 =	vadd.f32 $1.000000000e+00, v34;
	v17 =	vadd.f32 v17, v32;
	v25 =	vshrl.u32 v31, $0xD  }
0x98: {  	v9 =	vand.u32 $0x3F, v52;
	v55 =	vand.u32 $0x3FF, v25;
	v35 =	vadd.f32 v35, v28  }
0x99: {  	s12 =	simm.s32 $0x14;
	v19 =	vor.u32 v2, v9;
	v36 =	vshrl.u32 v34, $0xD;
	[tilespmem:v3+s20+$0x0] =	vst.idx.msk $0xffff, v17  }
0x9a: {  	v26 =	vadd.s32 s12, v11;
	v3 =	vand.u32 $0x3FF, v36;
	v37 =	vld.idx.msk [tilespmem:v7+s4+$0x0], $0xffff;
	[tilespmem:v16+s20+$0x0] =	vst.idx.msk $0xffff, v35  }
0x9b: {  	s25 =	simm.s32 $0x7;
	v26 =	vand.u32 $0x3F, v26;
	v36 =	vld.idx.msk [tilespmem:v6+s4+$0x0], $0xffff  }
0x9c: {  	v56 =	vadd.s32 s25, v11;
	v25 =	vor.u32 v2, v26  }
0x9d: {  	v5 =	vadd.f32 v62, v5;
	v48 =	vand.u32 $0x3F, v56;
	v17 =	vshra.s32 v31, $0x17;
	v16 =	vld.idx.msk [tilespmem:v55+s17+$0x0], $0xffff  }
0x9e: {  	v14 =	vadd.f32 v14, v12;
	v28 =	vld.idx.msk [tilespmem:v19+s4+$0x0], $0xffff;
	v34 =	vshra.s32 v34, $0x17;
	v17 =	vcvt.s32.f32 v17  }
0x9f: {  	v12 =	vadd.f32 v15, v13;
	v34 =	vcvt.s32.f32 v34;
	v3 =	vld.idx.msk [tilespmem:v3+s17+$0x0], $0xffff;
	v38 =	vand.u32 $0x7FFFFFFF, v37  }
0xa0: {  	v17 =	vmul.f32 $3.801784040e+00, v17;
	v38 =	vmul.f32 $6.816437720e+00, v38;
	v40 =	vand.u32 $0x7FFFFFFF, v36  }
0xa1: {  	v42 =	vshra.s32 v18, $0x1F;
	v60 =	vshra.s32 v24, $0x1F;
	v35 =	vld.idx.msk [tilespmem:v25+s4+$0x0], $0xffff;
	v40 =	vmul.f32 $6.816437720e+00, v40  }
0xa2: {  	s21 =	simm.s32 $0x3;
	v38 =	vadd.f32 $1.000000000e+00, v38;
	v16 =	vadd.f32 v17, v16;
	v17 =	vmul.f32 $3.801784040e+00, v34  }
0xa3: {  	v31 =	vadd.s32 s21, v11;
	v39 =	vand.u32 $0x7FFFFFFF, v28;
	v40 =	vadd.f32 $1.000000000e+00, v40  }
0xa4: {  	v59 =	vshrl.u32 v38, $0xD;
	v16 =	vtrunc.f32 v16;
	v3 =	vadd.f32 v17, v3  }
0xa5: {  	v57 =	vmul.f32 $6.816437720e+00, v39;
	v34 =	vand.u32 $0x3FF, v59;
	v16 =	vcvt.f32.s32 v16  }
0xa6: {  	v58 =	vand.u32 $0x7FFFFFFF, v35;
	v41 =	vshrl.u32 v40, $0xD;
	v3 =	vtrunc.f32 v3  }
0xa7: {  	v41 =	vand.u32 $0x3FF, v41;
	vm8 =	vgt.s32 v16, $0x0;
	v3 =	vcvt.f32.s32 v3  }
0xa8: {  	v39 =	vmul.f32 $6.816437720e+00, v58;
	v38 =	vshra.s32 v38, $0x17;
	v16 =	vnsel vm8, $0x0, v16  }
0xa9: {  	v17 =	vadd.f32 $1.000000000e+00, v57;
	vm9 =	vgt.s32 v3, $0x0;
	v16 =	vmin.u32 v16, $0x20  }
0xaa: {  	v38 =	vcvt.s32.f32 v38;
	v34 =	vld.idx.msk [tilespmem:v34+s17+$0x0], $0xffff;
	v3 =	vnsel vm9, $0x0, v3;
	v16 =	vxor.u32 v42, v16  }
0xab: {  	v40 =	vshra.s32 v40, $0x17;
	v3 =	vmin.u32 v3, $0x20;
	v16 =	vshll.u32 v16, $0x6  }
0xac: {  	v38 =	vmul.f32 $3.801784040e+00, v38;
	v41 =	vld.idx.msk [tilespmem:v41+s17+$0x0], $0xffff;
	v16 =	vor.u32 v29, v16;
	v3 =	vxor.u32 v60, v3  }
0xad: {  	v29 =	vcvt.s32.f32 v40;
	v61 =	vadd.s32 $0x840, v16;
	v3 =	vshll.u32 v3, $0x6  }
0xae: {  	v16 =	vadd.f32 $1.000000000e+00, v39;
	v3 =	vor.u32 v30, v3;
	v30 =	vshrl.u32 v17, $0xD  }
0xaf: {  	v29 =	vmul.f32 $3.801784040e+00, v29;
	v63 =	vadd.s32 $0x840, v3;
	v3 =	vadd.f32 v38, v34  }
0xb0: {  	v46 =	vand.u32 $0x3F, v31;
	v30 =	vand.u32 $0x3FF, v30;
	v31 =	vshrl.u32 v16, $0xD  }
0xb1: {  	v29 =	vadd.f32 v29, v41;
	v31 =	vand.u32 $0x3FF, v31;
	v3 =	vtrunc.f32 v3  }
0xb2: {  	v0 =	vor.u32 v2, v46;
	v17 =	vshra.s32 v17, $0x17;
	v52 =	vld.idx.msk [tilespmem:v61+s16+$0x0], $0xffff;
	v53 =	vcvt.f32.s32 v3  }
0xb3: {  	v56 =	vshra.s32 v37, $0x1F;
	v17 =	vcvt.s32.f32 v17;
	v3 =	vtrunc.f32 v29;
	v29 =	vld.idx.msk [tilespmem:v61+s15+$0x0], $0xffff  }
0xb4: {  	v16 =	vshra.s32 v16, $0x17;
	v54 =	vcvt.f32.s32 v3;
	v55 =	vld.idx.msk [tilespmem:v63+s16+$0x0], $0xffff;
	vm10 =	vgt.s32 v53, $0x0  }
0xb5: {  	v45 =	vshra.s32 v36, $0x1F;
	v16 =	vcvt.s32.f32 v16;
	v30 =	vld.idx.msk [tilespmem:v30+s17+$0x0], $0xffff;
	v38 =	vnsel vm10, $0x0, v53  }
0xb6: {  	v17 =	vmul.f32 $3.801784040e+00, v17;
	vm11 =	vgt.s32 v54, $0x0;
	v31 =	vld.idx.msk [tilespmem:v31+s17+$0x0], $0xffff;
	v38 =	vmin.u32 v38, $0x20  }
0xb7: {  	v57 =	vmul.f32 $3.801784040e+00, v16;
	v32 =	vnsel vm11, $0x0, v54;
	v38 =	vxor.u32 v56, v38  }
0xb8: {  	v43 =	vld.idx.msk [tilespmem:v63+s15+$0x0], $0xffff;
	v32 =	vmin.u32 v32, $0x20;
	v44 =	vmul.f32 v52, v18;
	v38 =	vshll.u32 v38, $0x6  }
0xb9: {  	v40 =	vld.idx.msk [tilespmem:v61+s13+$0x0], $0xffff;
	v32 =	vxor.u32 v45, v32;
	v16 =	vmul.f32 v55, v24;
	v33 =	vor.u32 v33, v38  }
0xba: {  	s30 =	simm.s32 $0xE;
	v45 =	vadd.f32 v44, v29;
	v30 =	vadd.f32 v17, v30;
	v32 =	vshll.u32 v32, $0x6  }
0xbb: {  	v29 =	vld.idx.msk [tilespmem:v63+s13+$0x0], $0xffff;
	v63 =	vadd.s32 s30, v11;
	v38 =	vadd.s32 $0x840, v33;
	v31 =	vadd.f32 v57, v31  }
0xbc: {  	v27 =	vor.u32 v27, v32;
	v56 =	vand.u32 $0x3F, v63;
	v18 =	vmul.f32 v45, v18  }
0xbd: {  	v17 =	vadd.f32 v16, v43;
	v30 =	vtrunc.f32 v30;
	v59 =	vadd.s32 $0x840, v27  }
0xbe: {  	v45 =	vadd.f32 v45, v44;
	v27 =	vcvt.f32.s32 v30;
	v18 =	vadd.f32 v18, v40  }
0xbf: {  	v30 =	vtrunc.f32 v31;
	v58 =	vmul.f32 v17, v24;
	v24 =	vor.u32 v2, v48  }
0xc0: {  	v39 =	vimm.f32 $1.000000000e+00;
	v42 =	vor.u32 v2, v56;
	v30 =	vcvt.f32.s32 v30;
	[tilespmem:v1+s20+$0x0] =	vst.idx.msk $0xffff, v18  }
0xc1: {  	s8 =	simm.s32 $0x18;
	v45 =	vmul.f32 v45, v39;
	vm12 =	vgt.s32 v27, $0x0;
	v29 =	vadd.f32 v58, v29;
	v60 =	vld.idx.msk [tilespmem:v38+s16+$0x0], $0xffff;
	[tilespmem:$0x1FF50] =	vst v0  }
0xc2: {  	v1 =	vadd.s32 s8, v11;
	v18 =	vnsel vm12, $0x0, v27;
	vm13 =	vgt.s32 v30, $0x0;
	v31 =	vld.idx.msk [tilespmem:v0+s4+$0x0], $0xffff  }
0xc3: {  	v27 =	vshra.s32 v28, $0x1F;
	v18 =	vmin.u32 v18, $0x20;
	v30 =	vnsel vm13, $0x0, v30;
	v61 =	vld.idx.msk [tilespmem:v59+s16+$0x0], $0xffff;
	[tilespmem:v8+s20+$0x0] =	vst.idx.msk $0xffff, v29  }
0xc4: {  	v8 =	vxor.u32 v27, v18;
	v27 =	vmin.u32 v30, $0x20;
	v29 =	vshra.s32 v35, $0x1F;
	v33 =	vld.idx.msk [tilespmem:v24+s4+$0x0], $0xffff  }
0xc5: {  	v18 =	vand.u32 $0x3F, v1;
	v1 =	vshll.u32 v8, $0x6;
	v8 =	vxor.u32 v29, v27;
	v29 =	vld.idx.msk [tilespmem:v38+s15+$0x0], $0xffff  }
0xc6: {  	v32 =	vor.u32 v2, v18;
	v1 =	vor.u32 v9, v1;
	v8 =	vshll.u32 v8, $0x6  }
0xc7: {  	s26 =	simm.s32 $0xA;
	v9 =	vld.idx.msk [tilespmem:v59+s15+$0x0], $0xffff;
	v1 =	vadd.s32 $0x840, v1;
	v8 =	vor.u32 v26, v8;
	v26 =	vmul.f32 v60, v37  }
0xc8: {  	v47 =	vadd.s32 $0x840, v8;
	v8 =	vadd.s32 s26, v11;
	s26 =	simm.s32 $0x11;
	v27 =	vand.u32 $0x7FFFFFFF, v31  }
0xc9: {  	v40 =	vld.idx.msk [tilespmem:v59+s13+$0x0], $0xffff;
	v52 =	vand.u32 $0x3F, v8;
	v55 =	vadd.s32 s26, v11;
	v30 =	vmul.f32 $6.816437720e+00, v27  }
0xca: {  	v38 =	vld.idx.msk [tilespmem:v38+s13+$0x0], $0xffff;
	v27 =	vmul.f32 v61, v36;
	v8 =	vand.u32 $0x7FFFFFFF, v33;
	v29 =	vadd.f32 v26, v29  }
0xcb: {  	s21 =	simm.s32 $0x15;
	v34 =	vld.idx.msk [tilespmem:v32+s4+$0x0], $0xffff;
	v43 =	vor.u32 v2, v52;
	v8 =	vmul.f32 $6.816437720e+00, v8;
	v49 =	vadd.f32 $1.000000000e+00, v30  }
0xcc: {  	v61 =	vadd.s32 s21, v11;
	v55 =	vand.u32 $0x3F, v55;
	v30 =	vadd.f32 v27, v9;
	v9 =	vld.idx.msk [tilespmem:v1+s16+$0x0], $0xffff  }
0xcd: {  	s25 =	simm.s32 $0x1C;
	v37 =	vmul.f32 v29, v37;
	v58 =	vld.idx.msk [tilespmem:v1+s15+$0x0], $0xffff;
	v8 =	vadd.f32 $1.000000000e+00, v8;
	v50 =	vshrl.u32 v49, $0xD  }
0xce: {  	v60 =	vld.idx.msk [tilespmem:v1+s13+$0x0], $0xffff;
	v1 =	vadd.s32 s25, v11;
	v26 =	vadd.f32 v29, v26;
	v57 =	vand.u32 $0x3FF, v50  }
0xcf: {  	v53 =	vld.idx.msk [tilespmem:v47+s16+$0x0], $0xffff;
	v36 =	vmul.f32 v30, v36;
	v37 =	vadd.f32 v37, v38;
	v54 =	vshrl.u32 v8, $0xD  }
0xd0: {  	s19 =	simm.s32 $0xF;
	v59 =	vld.idx.msk [tilespmem:v47+s15+$0x0], $0xffff;
	v41 =	vand.u32 $0x3F, v1;
	v1 =	vand.u32 $0x3F, v61;
	v38 =	vand.u32 $0x3FF, v54  }
0xd1: {  	s14 =	simm.s32 $0xB;
	v27 =	vadd.f32 v30, v27;
	v50 =	vadd.s32 s19, v11;
	v36 =	vadd.f32 v36, v40;
	[tilespmem:v7+s20+$0x0] =	vst.idx.msk $0xffff, v37  }
0xd2: {  	v54 =	vadd.s32 s14, v11;
	v40 =	vor.u32 v2, v55;
	v37 =	vor.u32 v2, v1;
	v51 =	vld.idx.msk [tilespmem:v43+s4+$0x0], $0xffff  }
0xd3: {  	v3 =	vmul.f32 v9, v28;
	v9 =	vshra.s32 v49, $0x17;
	v44 =	vand.u32 $0x3F, v54;
	[tilespmem:v6+s20+$0x0] =	vst.idx.msk $0xffff, v36;
	v57 =	vld.idx.msk [tilespmem:v57+s17+$0x0], $0xffff  }
0xd4: {  	v0 =	vmul.f32 v53, v35;
	v63 =	vcvt.s32.f32 v9;
	v6 =	vshra.s32 v8, $0x17;
	v53 =	vld.idx.msk [tilespmem:v42+s4+$0x0], $0xffff  }
0xd5: {  	v54 =	vand.u32 $0x3F, v50;
	v36 =	vor.u32 v2, v41;
	v49 =	vcvt.s32.f32 v6;
	v38 =	vld.idx.msk [tilespmem:v38+s17+$0x0], $0xffff;
	[tilespmem:$0x1FF60] =	vst v3  }
0xd6: {  	v7 =	vmul.f32 $3.801784040e+00, v63;
	v3 =	vadd.f32 v3, v58;
	[tilespmem:$0x1FF70] =	vst v0;
	v0 =	vadd.f32 v0, v59  }
0xd7: {  	v59 =	vand.u32 $0x7FFFFFFF, v34;
	v49 =	vmul.f32 $3.801784040e+00, v49;
	v47 =	vld.idx.msk [tilespmem:v47+s13+$0x0], $0xffff;
	v61 =	vand.u32 $0x7FFFFFFF, v51  }
0xd8: {  	v59 =	vmul.f32 $6.816437720e+00, v59;
	v28 =	vmul.f32 v3, v28;
	v57 =	vadd.f32 v7, v57  }
0xd9: {  	v63 =	vshra.s32 v31, $0x1F;
	v35 =	vmul.f32 v0, v35;
	v58 =	vmul.f32 $6.816437720e+00, v61  }
0xda: {  	v6 =	vand.u32 $0x7FFFFFFF, v53;
	v38 =	vadd.f32 v49, v38;
	v57 =	vtrunc.f32 v57  }
0xdb: {  	[tilespmem:$0x1FF80] =	vst v3;
	v28 =	vadd.f32 v28, v60;
	v58 =	vadd.f32 $1.000000000e+00, v58;
	v57 =	vcvt.f32.s32 v57  }
0xdc: {  	[tilespmem:$0x1FF90] =	vst v0;
	v7 =	vmul.f32 $6.816437720e+00, v6;
	v35 =	vadd.f32 v35, v47;
	v60 =	vtrunc.f32 v38  }
0xdd: {  	[tilespmem:v19+s20+$0x0] =	vst.idx.msk $0xffff, v28;
	v19 =	vshrl.u32 v58, $0xD;
	v28 =	vcvt.f32.s32 v60;
	vm14 =	vgt.s32 v57, $0x0  }
0xde: {  	v19 =	vand.u32 $0x3FF, v19;
	v60 =	vadd.f32 $1.000000000e+00, v7;
	v61 =	vnsel vm14, $0x0, v57  }
0xdf: {  	v47 =	vld.idx.msk [tilespmem:v40+s4+$0x0], $0xffff;
	[tilespmem:v25+s20+$0x0] =	vst.idx.msk $0xffff, v35;
	v7 =	vshra.s32 v33, $0x1F;
	vm15 =	vgt.s32 v28, $0x0;
	v25 =	vmin.u32 v61, $0x20  }
0xe0: {  	v38 =	vld.idx.msk [tilespmem:v36+s4+$0x0], $0xffff;
	v6 =	vshrl.u32 v60, $0xD;
	v28 =	vnsel vm15, $0x0, v28;
	v25 =	vxor.u32 v63, v25  }
0xe1: {  	v49 =	vld.idx.msk [tilespmem:v37+s4+$0x0], $0xffff;
	v35 =	vand.u32 $0x3FF, v6;
	v28 =	vmin.u32 v28, $0x20;
	v25 =	vshll.u32 v25, $0x6  }
0xe2: {  	v0 =	vor.u32 v2, v44;
	v6 =	vxor.u32 v7, v28;
	v25 =	vor.u32 v46, v25  }
0xe3: {  	v19 =	vld.idx.msk [tilespmem:v19+s17+$0x0], $0xffff;
	v28 =	vadd.s32 $0x840, v25;
	v25 =	vshll.u32 v6, $0x6;
	v6 =	vshra.s32 v58, $0x17  }
0xe4: {  	v3 =	vor.u32 v2, v54;
	v7 =	vand.u32 $0x7FFFFFFF, v47;
	v57 =	vcvt.s32.f32 v6  }
0xe5: {  	v59 =	vadd.f32 $1.000000000e+00, v59;
	v60 =	vshra.s32 v60, $0x17;
	v63 =	vmul.f32 $6.816437720e+00, v7  }
0xe6: {  	v61 =	vand.u32 $0x7FFFFFFF, v38;
	v7 =	vand.u32 $0x7FFFFFFF, v49;
	v58 =	vld.idx.msk [tilespmem:v35+s17+$0x0], $0xffff;
	v57 =	vmul.f32 $3.801784040e+00, v57  }
0xe7: {  	v25 =	vor.u32 v48, v25;
	v46 =	vadd.f32 $1.000000000e+00, v63;
	v48 =	vcvt.s32.f32 v60  }
0xe8: {  	v35 =	vadd.s32 $0x840, v25;
	v25 =	vmul.f32 $6.816437720e+00, v7;
	v19 =	vadd.f32 v57, v19  }
0xe9: {  	v60 =	vmul.f32 $6.816437720e+00, v61;
	v6 =	vadd.f32 v10, v4;
	v48 =	vmul.f32 $3.801784040e+00, v48  }
0xea: {  	v61 =	vshra.s32 v46, $0x17;
	v25 =	vadd.f32 $1.000000000e+00, v25;
	v63 =	vtrunc.f32 v19  }
0xeb: {  	v46 =	vshrl.u32 v46, $0xD;
	v57 =	vld.idx.msk [tilespmem:v28+s16+$0x0], $0xffff;
	v10 =	vadd.f32 v48, v58;
	v4 =	vcvt.f32.s32 v63  }
0xec: {  	v61 =	vcvt.s32.f32 v61;
	v46 =	vand.u32 $0x3FF, v46;
	v58 =	vshrl.u32 v25, $0xD  }
0xed: {  	v62 =	vld.idx.msk [tilespmem:v28+s15+$0x0], $0xffff;
	v48 =	vand.u32 $0x3FF, v58;
	v10 =	vtrunc.f32 v10;
	vm4 =	vgt.s32 v4, $0x0  }
0xee: {  	v25 =	vshra.s32 v25, $0x17;
	v13 =	vcvt.f32.s32 v10;
	v4 =	vnsel vm4, $0x0, v4  }
0xef: {  	v58 =	vshra.s32 v53, $0x1F;
	v63 =	vshra.s32 v51, $0x1F;
	v4 =	vmin.u32 v4, $0x20  }
0xf0: {  	v19 =	vld.idx.msk [tilespmem:v35+s16+$0x0], $0xffff;
	v15 =	vmul.f32 v57, v31;
	vm5 =	vgt.s32 v13, $0x0;
	v4 =	vxor.u32 v63, v4  }
0xf1: {  	v25 =	vcvt.s32.f32 v25;
	v46 =	vld.idx.msk [tilespmem:v46+s17+$0x0], $0xffff;
	v13 =	vnsel vm5, $0x0, v13;
	v4 =	vshll.u32 v4, $0x6  }
0xf2: {  	v10 =	vadd.f32 v15, v62;
	v62 =	vld.idx.msk [tilespmem:v48+s17+$0x0], $0xffff;
	v13 =	vmin.u32 v13, $0x20;
	v4 =	vor.u32 v52, v4  }
0xf3: {  	v7 =	vshra.s32 v47, $0x1F;
	v63 =	vld.idx.msk [tilespmem:v35+s15+$0x0], $0xffff;
	v13 =	vxor.u32 v58, v13;
	v4 =	vadd.s32 $0x840, v4  }
0xf4: {  	v25 =	vmul.f32 $3.801784040e+00, v25;
	v58 =	vmul.f32 $3.801784040e+00, v61;
	v13 =	vshll.u32 v13, $0x6  }
0xf5: {  	v19 =	vmul.f32 v19, v33;
	v61 =	vshrl.u32 v59, $0xD;
	v13 =	vor.u32 v56, v13  }
0xf6: {  	v59 =	vshra.s32 v59, $0x17;
	v46 =	vadd.f32 v58, v46;
	v13 =	vadd.s32 $0x840, v13  }
0xf7: {  	v52 =	vadd.f32 $1.000000000e+00, v60;
	v56 =	vand.u32 $0x3FF, v61;
	v25 =	vadd.f32 v25, v62  }
0xf8: {  	v59 =	vcvt.s32.f32 v59;
	v62 =	vtrunc.f32 v46;
	v57 =	vadd.f32 v19, v63;
	v46 =	vld.idx.msk [tilespmem:v4+s16+$0x0], $0xffff  }
0xf9: {  	v63 =	vshrl.u32 v52, $0xD;
	v48 =	vcvt.f32.s32 v62;
	v25 =	vtrunc.f32 v25  }
0xfa: {  	v58 =	vmul.f32 v5, v39;
	v5 =	vand.u32 $0x3FF, v63;
	v25 =	vcvt.f32.s32 v25;
	v60 =	vld.idx.msk [tilespmem:v4+s15+$0x0], $0xffff  }
0xfb: {  	v52 =	vshra.s32 v52, $0x17;
	v63 =	vshra.s32 v49, $0x1F;
	vm6 =	vgt.s32 v48, $0x0;
	v61 =	vld.idx.msk [tilespmem:v13+s16+$0x0], $0xffff  }
0xfc: {  	v50 =	vcvt.s32.f32 v52;
	v56 =	vld.idx.msk [tilespmem:v56+s17+$0x0], $0xffff;
	v48 =	vnsel vm6, $0x0, v48;
	vm7 =	vgt.s32 v25, $0x0  }
0xfd: {  	v62 =	vld.idx.msk [tilespmem:v13+s15+$0x0], $0xffff;
	v48 =	vmin.u32 v48, $0x20;
	v25 =	vnsel vm7, $0x0, v25;
	v46 =	vmul.f32 v46, v51  }
0xfe: {  	v52 =	vld.idx.msk [tilespmem:v4+s13+$0x0], $0xffff;
	v4 =	vmul.f32 $3.801784040e+00, v50;
	v48 =	vxor.u32 v7, v48;
	v25 =	vmin.u32 v25, $0x20  }
0xff: {  	v5 =	vld.idx.msk [tilespmem:v5+s17+$0x0], $0xffff;
	v7 =	vmul.f32 $3.801784040e+00, v59;
	v48 =	vshll.u32 v48, $0x6;
	v59 =	vadd.f32 v46, v60  }
0x100: {  	v25 =	vxor.u32 v63, v25;
	v48 =	vor.u32 v55, v48;
	v50 =	vmul.f32 v61, v53  }
0x101: {  	v13 =	vld.idx.msk [tilespmem:v13+s13+$0x0], $0xffff;
	v7 =	vadd.f32 v7, v56;
	v25 =	vshll.u32 v25, $0x6;
	v61 =	vmul.f32 v59, v51  }
0x102: {  	v48 =	vadd.s32 $0x840, v48;
	v1 =	vor.u32 v1, v25;
	v51 =	vadd.f32 v50, v62  }
0x103: {  	v1 =	vadd.s32 $0x840, v1;
	v55 =	vtrunc.f32 v7;
	v52 =	vadd.f32 v61, v52  }
0x104: {  	v25 =	vadd.f32 v4, v5;
	v55 =	vcvt.f32.s32 v55;
	v53 =	vmul.f32 v51, v53  }
0x105: {  	v15 =	vadd.f32 v10, v15;
	v58 =	vmul.f32 v6, v58;
	[tilespmem:v43+s20+$0x0] =	vst.idx.msk $0xffff, v52  }
0x106: {  	v25 =	vtrunc.f32 v25;
	vm8 =	vgt.s32 v55, $0x0;
	v13 =	vadd.f32 v53, v13;
	[tilespmem:$0x1FFA0] =	vst v0  }
0x107: {  	v43 =	vmul.f32 v14, v39;
	v52 =	vadd.f32 v17, v16;
	v16 =	vcvt.f32.s32 v25;
	v14 =	vld.idx.msk [tilespmem:v0+s4+$0x0], $0xffff  }
0x108: {  	v39 =	vmul.f32 v15, v39;
	v15 =	vnsel vm8, $0x0, v55;
	v17 =	vld.idx.msk [tilespmem:v48+s16+$0x0], $0xffff;
	[tilespmem:v42+s20+$0x0] =	vst.idx.msk $0xffff, v13  }
0x109: {  	v63 =	vshra.s32 v34, $0x1F;
	vm9 =	vgt.s32 v16, $0x0;
	v25 =	vld.idx.msk [tilespmem:v1+s16+$0x0], $0xffff;
	v13 =	vmin.u32 v15, $0x20;
	[tilespmem:$0x1FFB0] =	vst v3  }
0x10a: {  	v53 =	vadd.f32 v57, v19;
	v16 =	vnsel vm9, $0x0, v16;
	v13 =	vxor.u32 v63, v13;
	v15 =	vld.idx.msk [tilespmem:v3+s4+$0x0], $0xffff  }
0x10b: {  	s14 =	simm.s32 $0x16;
	v19 =	vshra.s32 v38, $0x1F;
	v16 =	vmin.u32 v16, $0x20;
	v42 =	vld.idx.msk [tilespmem:v48+s15+$0x0], $0xffff;
	v13 =	vshll.u32 v13, $0x6  }
0x10c: {  	v7 =	vadd.s32 s14, v11;
	v16 =	vxor.u32 v19, v16;
	v13 =	vor.u32 v18, v13  }
0x10d: {  	v16 =	vshll.u32 v16, $0x6;
	v60 =	vadd.s32 $0x840, v13;
	v4 =	vand.u32 $0x7FFFFFFF, v14  }
0x10e: {  	v5 =	vld.idx.msk [tilespmem:v1+s15+$0x0], $0xffff;
	v13 =	vor.u32 v41, v16;
	v16 =	vmul.f32 v17, v47;
	v18 =	vmul.f32 $6.816437720e+00, v4  }
0x10f: {  	v59 =	vadd.f32 v59, v46;
	v17 =	vmul.f32 v25, v49;
	v62 =	vadd.s32 $0x840, v13;
	v13 =	vld.idx.msk [tilespmem:v48+s13+$0x0], $0xffff  }
0x110: {  	s30 =	simm.s32 $0x12;
	v25 =	vand.u32 $0x7FFFFFFF, v15;
	v41 =	vadd.f32 $1.000000000e+00, v18;
	v18 =	vadd.f32 v16, v42  }
0x111: {  	v50 =	vadd.f32 v51, v50;
	v19 =	vadd.s32 s30, v11;
	v25 =	vmul.f32 $6.816437720e+00, v25  }
0x112: {  	v56 =	vand.u32 $0x3F, v19;
	v4 =	vld.idx.msk [tilespmem:v1+s13+$0x0], $0xffff;
	v48 =	vshrl.u32 v41, $0xD;
	v47 =	vmul.f32 v18, v47  }
0x113: {  	v19 =	vadd.f32 v17, v5;
	v61 =	vadd.f32 $1.000000000e+00, v25;
	v42 =	vand.u32 $0x3FF, v48  }
0x114: {  	v1 =	vand.u32 $0x3F, v7;
	v11 =	vld.idx.msk [tilespmem:v60+s16+$0x0], $0xffff;
	v48 =	vor.u32 v2, v56;
	v13 =	vadd.f32 v47, v13  }
0x115: {  	v5 =	vmul.f32 v19, v49;
	v25 =	vor.u32 v2, v1;
	v55 =	vld.idx.msk [tilespmem:v62+s16+$0x0], $0xffff;
	v6 =	vshrl.u32 v61, $0xD  }
0x116: {  	v20 =	vmul.f32 v12, v43;
	v12 =	vld.idx.msk [tilespmem:v60+s15+$0x0], $0xffff;
	[tilespmem:v40+s20+$0x0] =	vst.idx.msk $0xffff, v13;
	v13 =	vand.u32 $0x3FF, v6  }
0x117: {  	v21 =	vmul.f32 v52, v45;
	v52 =	vmul.f32 v57, v33;
	v7 =	vadd.f32 v5, v4;
	v57 =	vld.idx.msk [tilespmem:v62+s15+$0x0], $0xffff  }
0x118: {  	s19 =	simm.s32 $0x19;
	v0 =	vlaneseq.u32;
	v63 =	vmul.f32 v53, v39;
	v45 =	vshra.s32 v41, $0x17;
	v42 =	vld.idx.msk [tilespmem:v42+s17+$0x0], $0xffff  }
0x119: {  	s21 =	simm.s32 $0x1D;
	v47 =	vcvt.s32.f32 v45;
	[tilespmem:v37+s20+$0x0] =	vst.idx.msk $0xffff, v7;
	v40 =	vmul.f32 v10, v31;
	v10 =	vadd.s32 s19, v0;
	v41 =	vld.idx.msk [tilespmem:v48+s4+$0x0], $0xffff  }
0x11a: {  	v31 =	vadd.s32 s21, v0;
	v0 =	vmul.f32 v11, v34;
	v49 =	vld.idx.msk [tilespmem:v25+s4+$0x0], $0xffff;
	v3 =	vmul.f32 v55, v38  }
0x11b: {  	v20 =	vmul.f32 v26, v20;
	v39 =	vmul.f32 $3.801784040e+00, v47;
	v37 =	vand.u32 $0x3F, v31;
	v31 =	vld.idx.msk [tilespmem:v13+s17+$0x0], $0xffff  }
0x11c: {  	v13 =	vshra.s32 v61, $0x17;
	[tilespmem:$0x1FFC0] =	vst v0;
	v0 =	vadd.f32 v0, v12;
	v12 =	vmovc v3;
	v3 =	vadd.f32 v3, v57  }
0x11d: {  	v4 =	vlaneseq.u32;
	v45 =	vcvt.s32.f32 v13;
	v57 =	vld.idx.msk [tilespmem:v60+s13+$0x0], $0xffff;
	v39 =	vadd.f32 v39, v42  }
0x11e: {  	v61 =	vld.idx.msk [tilespmem:v62+s13+$0x0], $0xffff;
	v47 =	vand.u32 $0x7FFFFFFF, v41;
	v34 =	vmul.f32 v0, v34;
	v38 =	vmul.f32 v3, v38  }
0x11f: {  	v60 =	vand.u32 $0x7FFFFFFF, v49;
	v55 =	vmul.f32 $6.816437720e+00, v47;
	v42 =	vmul.f32 $3.801784040e+00, v45  }
0x120: {  	v5 =	vshra.s32 v14, $0x1F;
	v45 =	vmul.f32 $6.816437720e+00, v60;
	v39 =	vtrunc.f32 v39  }
0x121: {  	v39 =	vcvt.f32.s32 v39;
	v33 =	vadd.f32 $1.000000000e+00, v55;
	v31 =	vadd.f32 v42, v31  }
0x122: {  	v53 =	vand.u32 $0x3F, v10;
	v45 =	vadd.f32 $1.000000000e+00, v45;
	v43 =	vadd.f32 v34, v57  }
0x123: {  	v34 =	vor.u32 v2, v53;
	v38 =	vadd.f32 v38, v61;
	vm10 =	vgt.s32 v39, $0x0  }
0x124: {  	v62 =	vshrl.u32 v33, $0xD;
	v6 =	vshrl.u32 v45, $0xD;
	v31 =	vtrunc.f32 v31  }
0x125: {  	v33 =	vshra.s32 v33, $0x17;
	v61 =	vshra.s32 v45, $0x17;
	v42 =	vand.u32 $0x3FF, v62  }
0x126: {  	v39 =	vnsel vm10, $0x0, v39;
	v55 =	vand.u32 $0x3FF, v6;
	v7 =	vcvt.f32.s32 v31;
	[tilespmem:v32+s20+$0x0] =	vst.idx.msk $0xffff, v43  }
0x127: {  	s12 =	simm.s32 $0x20;
	v33 =	vcvt.s32.f32 v33;
	[tilespmem:v36+s20+$0x0] =	vst.idx.msk $0xffff, v38;
	v62 =	vshra.s32 v15, $0x1F;
	v39 =	vmin.u32 v39, $0x20  }
0x128: {  	s25 =	simm.s32 $0x24;
	v13 =	vmovc v0;
	v0 =	vld [tilespmem:$0x1FFD0];
	v39 =	vxor.u32 v5, v39;
	v5 =	vadd.s32 s12, v4;
	vm11 =	vgt.s32 v7, $0x0  }
0x129: {  	v31 =	vshll.u32 v39, $0x6;
	v6 =	vnsel vm11, $0x0, v7;
	v7 =	vadd.s32 s25, v4;
	v45 =	vld.idx.msk [tilespmem:v34+s4+$0x0], $0xffff  }
0x12a: {  	v44 =	vor.u32 v44, v31;
	v31 =	vor.u32 v2, v37;
	v39 =	vmin.u32 v6, $0x20;
	v60 =	vld.idx.msk [tilespmem:v42+s17+$0x0], $0xffff  }
0x12b: {  	v47 =	vand.u32 $0x3F, v7;
	v57 =	vadd.s32 $0x840, v44;
	v42 =	vand.u32 $0x3F, v5;
	v43 =	vld.idx.msk [tilespmem:v55+s17+$0x0], $0xffff  }
0x12c: {  	v5 =	vcvt.s32.f32 v61;
	v6 =	vxor.u32 v62, v39;
	v39 =	vor.u32 v2, v47  }
0x12d: {  	v20 =	vmul.f32 v27, v20;
	v33 =	vmul.f32 $3.801784040e+00, v33;
	v32 =	vshll.u32 v6, $0x6  }
0x12e: {  	v22 =	vadd.f32 v22, v0;
	v0 =	vld [tilespmem:$0x1FFE0];
	v55 =	vmul.f32 $3.801784040e+00, v5;
	v6 =	vand.u32 $0x7FFFFFFF, v45  }
0x12f: {  	v38 =	vor.u32 v2, v42;
	v32 =	vor.u32 v54, v32;
	v44 =	vld.idx.msk [tilespmem:v31+s4+$0x0], $0xffff;
	v29 =	vmul.f32 $6.816437720e+00, v6  }
0x130: {  	v32 =	vadd.s32 $0x840, v32;
	v33 =	vadd.f32 v33, v60;
	v7 =	vld.idx.msk [tilespmem:v57+s16+$0x0], $0xffff;
	v55 =	vadd.f32 v55, v43  }
0x131: {  	v22 =	vmul.f32 v22, v58;
	v58 =	vmul.f32 v59, v21;
	v46 =	vld.idx.msk [tilespmem:v39+s4+$0x0], $0xffff;
	v29 =	vadd.f32 $1.000000000e+00, v29  }
0x132: {  	v62 =	vshra.s32 v41, $0x1F;
	v5 =	vld.idx.msk [tilespmem:v57+s15+$0x0], $0xffff;
	v33 =	vtrunc.f32 v33;
	v27 =	vtrunc.f32 v55  }
0x133: {  	v33 =	vcvt.f32.s32 v33;
	v21 =	vshrl.u32 v29, $0xD;
	v29 =	vshra.s32 v29, $0x17  }
0x134: {  	v43 =	vld.idx.msk [tilespmem:v38+s4+$0x0], $0xffff;
	v27 =	vcvt.f32.s32 v27;
	v30 =	vand.u32 $0x7FFFFFFF, v44;
	v29 =	vcvt.s32.f32 v29  }
0x135: {  	v23 =	vadd.f32 v23, v0;
	v36 =	vmul.f32 v7, v14;
	v30 =	vmul.f32 $6.816437720e+00, v30  }
0x136: {  	v51 =	vld.idx.msk [tilespmem:v32+s16+$0x0], $0xffff;
	vm12 =	vgt.s32 v33, $0x0;
	v6 =	vand.u32 $0x7FFFFFFF, v46;
	vm13 =	vgt.s32 v27, $0x0  }
0x137: {  	v7 =	vnsel vm12, $0x0, v33;
	v33 =	vadd.f32 v36, v5;
	v30 =	vadd.f32 $1.000000000e+00, v30  }
0x138: {  	v5 =	vmin.u32 v7, $0x20;
	v7 =	vand.u32 $0x3FF, v21;
	v21 =	vmul.f32 v23, v22;
	v22 =	vld.idx.msk [tilespmem:v32+s15+$0x0], $0xffff  }
0x139: {  	v26 =	vand.u32 $0x7FFFFFFF, v43;
	v27 =	vnsel vm13, $0x0, v27;
	v23 =	vshrl.u32 v30, $0xD  }
0x13a: {  	v29 =	vmul.f32 $3.801784040e+00, v29;
	v26 =	vmul.f32 $6.816437720e+00, v26;
	v23 =	vand.u32 $0x3FF, v23  }
0x13b: {  	v27 =	vmin.u32 v27, $0x20;
	v51 =	vmul.f32 v51, v15;
	v36 =	vadd.f32 v33, v36  }
0x13c: {  	v54 =	vxor.u32 v62, v5;
	v5 =	vmul.f32 $6.816437720e+00, v6;
	v26 =	vadd.f32 $1.000000000e+00, v26  }
0x13d: {  	v54 =	vshll.u32 v54, $0x6;
	v59 =	vmul.f32 v36, v63;
	v36 =	vadd.f32 v51, v22;
	v22 =	vld.idx.msk [tilespmem:v7+s17+$0x0], $0xffff  }
0x13e: {  	v6 =	vshra.s32 v49, $0x1F;
	v30 =	vshra.s32 v30, $0x17;
	v54 =	vor.u32 v56, v54  }
0x13f: {  	v61 =	vadd.f32 $1.000000000e+00, v5;
	v62 =	vshrl.u32 v26, $0xD;
	v26 =	vshra.s32 v26, $0x17;
	v7 =	vld.idx.msk [tilespmem:v23+s17+$0x0], $0xffff  }
0x140: {  	v23 =	vxor.u32 v6, v27;
	v27 =	vcvt.s32.f32 v30;
	v30 =	vadd.s32 $0x840, v54  }
0x141: {  	v35 =	vld.idx.msk [tilespmem:v35+s13+$0x0], $0xffff;
	v63 =	vand.u32 $0x3FF, v62;
	v5 =	vshrl.u32 v61, $0xD;
	v26 =	vcvt.s32.f32 v26  }
0x142: {  	v23 =	vshll.u32 v23, $0x6;
	v27 =	vmul.f32 $3.801784040e+00, v27;
	v29 =	vadd.f32 v29, v22  }
0x143: {  	v51 =	vadd.f32 v36, v51;
	v6 =	vshra.s32 v61, $0x17;
	v1 =	vor.u32 v1, v23  }
0x144: {  	v61 =	vld.idx.msk [tilespmem:v28+s13+$0x0], $0xffff;
	v1 =	vadd.s32 $0x840, v1;
	v29 =	vtrunc.f32 v29;
	v27 =	vadd.f32 v27, v7  }
0x145: {  	v23 =	vmul.f32 v51, v59;
	v51 =	vand.u32 $0x3FF, v5;
	v55 =	vld.idx.msk [tilespmem:v30+s16+$0x0], $0xffff;
	v29 =	vcvt.f32.s32 v29  }
0x146: {  	v56 =	vadd.f32 v52, v35;
	v22 =	vmul.f32 v50, v58;
	v50 =	vld.idx.msk [tilespmem:v63+s17+$0x0], $0xffff;
	v27 =	vtrunc.f32 v27  }
0x147: {  	v26 =	vmul.f32 $3.801784040e+00, v26;
	v35 =	vld.idx.msk [tilespmem:v30+s15+$0x0], $0xffff;
	vm14 =	vgt.s32 v29, $0x0;
	v27 =	vcvt.f32.s32 v27  }
0x148: {  	v52 =	vcvt.s32.f32 v6;
	v7 =	vshra.s32 v45, $0x1F;
	v30 =	vld.idx.msk [tilespmem:v30+s13+$0x0], $0xffff;
	v29 =	vnsel vm14, $0x0, v29  }
0x149: {  	v40 =	vadd.f32 v40, v61;
	v54 =	vld.idx.msk [tilespmem:v1+s16+$0x0], $0xffff;
	v29 =	vmin.u32 v29, $0x20;
	vm15 =	vgt.s32 v27, $0x0  }
0x14a: {  	v51 =	vld.idx.msk [tilespmem:v51+s17+$0x0], $0xffff;
	v29 =	vxor.u32 v7, v29;
	v6 =	vnsel vm15, $0x0, v27;
	v27 =	vmul.f32 v55, v41  }
0x14b: {  	v5 =	vld.idx.msk [tilespmem:v1+s15+$0x0], $0xffff;
	v7 =	vshra.s32 v44, $0x1F;
	v29 =	vshll.u32 v29, $0x6;
	v60 =	vmin.u32 v6, $0x20  }
0x14c: {  	v53 =	vor.u32 v53, v29;
	v55 =	vxor.u32 v7, v60;
	v29 =	vadd.f32 v27, v35  }
0x14d: {  	v50 =	vadd.f32 v26, v50;
	v26 =	vmul.f32 $3.801784040e+00, v52;
	v28 =	vshll.u32 v55, $0x6  }
0x14e: {  	s30 =	simm.s32 $0x17;
	v55 =	vor.u32 v37, v28;
	v28 =	vmul.f32 v54, v49;
	v35 =	vmul.f32 v29, v41  }
0x14f: {  	v62 =	vld.idx.msk [tilespmem:v1+s13+$0x0], $0xffff;
	v1 =	vadd.s32 s30, v4;
	v51 =	vadd.f32 v26, v51;
	v52 =	vadd.s32 $0x840, v53  }
0x150: {  	s26 =	simm.s32 $0x13;
	v50 =	vtrunc.f32 v50;
	v63 =	vadd.f32 v35, v30;
	v30 =	vadd.f32 v28, v5  }
0x151: {  	v26 =	vadd.s32 s26, v4;
	v53 =	vcvt.f32.s32 v50;
	v51 =	vtrunc.f32 v51  }
0x152: {  	[tilespmem:v24+s20+$0x0] =	vst.idx.msk $0xffff, v56;
	v24 =	vld.idx.msk [tilespmem:v57+s13+$0x0], $0xffff;
	v41 =	vand.u32 $0x3F, v26;
	v51 =	vcvt.f32.s32 v51;
	v49 =	vmul.f32 v30, v49  }
0x153: {  	v11 =	vmovc v3;
	v37 =	vld.idx.msk [tilespmem:v32+s13+$0x0], $0xffff;
	v32 =	vor.u32 v2, v41;
	v35 =	vand.u32 $0x3F, v1;
	v1 =	vadd.s32 $0x840, v55  }
0x154: {  	s14 =	simm.s32 $0x1A;
	s25 =	simm.s32 $0x8;
	s26 =	simm.s32 $0x28;
	v26 =	vor.u32 v2, v35;
	[tilespmem:v48+s20+$0x0] =	vst.idx.msk $0xffff, v63;
	v50 =	vadd.f32 v49, v62;
	v49 =	vld.idx.msk [tilespmem:v52+s16+$0x0], $0xffff  }
.LBB2_4:
0x155: {  	v0 =	vld [tilespmem:$0x1FF50];
	_ =	sdelay $0x2  }
0x156: {  	v9 =	vlaneseq.u32;
	vm0 =	vgt.s32 v53, $0x0;
	v55 =	vld.idx.msk [tilespmem:v32+s4+$0x0], $0xffff  }
0x157: {  	v3 =	vld [tilespmem:$0x1FFA0];
	v62 =	vshra.s32 v43, $0x1F;
	v5 =	vshra.s32 v46, $0x1F;
	v36 =	vmul.f32 v36, v15  }
0x158: {  	v48 =	vadd.s32 s26, v9;
	v59 =	vnsel vm0, $0x0, v53;
	vm9 =	vgt.s32 v51, $0x0;
	v53 =	vld.idx.msk [tilespmem:v1+s16+$0x0], $0xffff;
	[tilespmem:v25+s20+$0x0] =	vst.idx.msk $0xffff, v50  }
0x159: {  	v25 =	vmin.u32 v59, $0x20;
	v63 =	vnsel vm9, $0x0, v51;
	v50 =	vld.idx.msk [tilespmem:v26+s4+$0x0], $0xffff;
	v48 =	vand.u32 $0x3F, v48  }
0x15a: {  	v7 =	vld.idx.msk [tilespmem:v1+s15+$0x0], $0xffff;
	v25 =	vxor.u32 v62, v25;
	v4 =	vmin.u32 v63, $0x20;
	v61 =	vor.u32 v2, v48  }
0x15b: {  	v54 =	vadd.s32 s14, v9;
	v25 =	vshll.u32 v25, $0x6;
	[tilespmem:v0+s20+$0x0] =	vst.idx.msk $0xffff, v40;
	v0 =	vmovc v32;
	v32 =	vxor.u32 v5, v4  }
0x15c: {  	v25 =	vor.u32 v42, v25;
	v42 =	vmovc v48;
	v48 =	vand.u32 $0x7FFFFFFF, v55;
	v6 =	vld.idx.msk [tilespmem:v52+s15+$0x0], $0xffff;
	v32 =	vshll.u32 v32, $0x6  }
0x15d: {  	s30 =	sadd.s32 $0x6, s8;
	v62 =	vadd.s32 $0x840, v25;
	v56 =	vmul.f32 v53, v44;
	v25 =	vor.u32 v47, v32  }
0x15e: {  	v60 =	vadd.s32 s30, v9;
	v63 =	vadd.s32 $0x840, v25;
	v25 =	vmul.f32 $6.816437720e+00, v48  }
0x15f: {  	v1 =	vld.idx.msk [tilespmem:v1+s13+$0x0], $0xffff;
	v57 =	vmul.f32 v49, v45;
	v3 =	vmovc v3;
	v53 =	vand.u32 $0x7FFFFFFF, v50;
	v59 =	vadd.f32 v56, v7  }
0x160: {  	v40 =	vmul.f32 v33, v14;
	v33 =	vadd.f32 v36, v37;
	[tilespmem:$0x1FFA0] =	vst v0;
	v47 =	vld.idx.msk [tilespmem:v52+s13+$0x0], $0xffff;
	v0 =	vadd.f32 $1.000000000e+00, v25  }
0x161: {  	[tilespmem:$0x1FF50] =	vst v3;
	v3 =	vld.idx.msk [tilespmem:v61+s4+$0x0], $0xffff;
	v32 =	vand.u32 $0x3F, v54;
	v25 =	vmul.f32 $6.816437720e+00, v53;
	v58 =	vadd.f32 v57, v6  }
0x162: {  	v15 =	vmovc v50;
	v50 =	vmul.f32 v59, v44;
	v36 =	vld.idx.msk [tilespmem:v62+s13+$0x0], $0xffff;
	v53 =	vand.u32 $0x3F, v60;
	v49 =	vshrl.u32 v0, $0xD  }
0x163: {  	v60 =	vld.idx.msk [tilespmem:v62+s16+$0x0], $0xffff;
	v4 =	vadd.f32 $1.000000000e+00, v25;
	v25 =	vor.u32 v2, v53;
	v54 =	vmul.f32 v58, v45  }
0x164: {  	s14 =	sadd.s32 $0x3, s8;
	s30 =	sadd.s32 $0x7, s8;
	s8 =	smov.u32 s12;
	v1 =	vadd.f32 v50, v1;
	v6 =	vld.idx.msk [tilespmem:v62+s15+$0x0], $0xffff;
	v45 =	vand.u32 $0x3FF, v49  }
0x165: {  	s19 =	sadd.s32 $0x1, s8;
	v48 =	vor.u32 v2, v32;
	v5 =	vld.idx.msk [tilespmem:v63+s16+$0x0], $0xffff;
	v51 =	vshrl.u32 v4, $0xD;
	v47 =	vadd.f32 v54, v47  }
0x166: {  	s12 =	sadd.s32 $0x4, s26;
	s21 =	sadd.s32 $0x5, s8;
	v14 =	vmovc v55;
	v55 =	vadd.s32 s14, v9;
	v52 =	vadd.s32 s19, v9;
	v7 =	vld.idx.msk [tilespmem:v63+s15+$0x0], $0xffff;
	[tilespmem:v31+s20+$0x0] =	vst.idx.msk $0xffff, v1;
	v8 =	vand.u32 $0x3FF, v51  }
0x167: {  	v62 =	vadd.s32 s21, v9;
	v54 =	vadd.s32 s30, v9;
	[tilespmem:v34+s20+$0x0] =	vst.idx.msk $0xffff, v47;
	v34 =	vadd.s32 s12, v9;
	v9 =	vld [tilespmem:$0x1FFB0]  }
0x168: {  	v50 =	vld.idx.msk [tilespmem:v25+s4+$0x0], $0xffff  }
0x169: {  	v28 =	vadd.f32 v30, v28;
	v0 =	vshra.s32 v0, $0x17;
	v37 =	vmul.f32 v60, v43;
	v1 =	vld.idx.msk [tilespmem:v45+s17+$0x0], $0xffff  }
0x16a: {  	v52 =	vand.u32 $0x3F, v52;
	v0 =	vcvt.s32.f32 v0;
	v49 =	vld.idx.msk [tilespmem:v48+s4+$0x0], $0xffff;
	v5 =	vmul.f32 v5, v46  }
0x16b: {  	v4 =	vshra.s32 v4, $0x17;
	v51 =	vand.u32 $0x3F, v62;
	v6 =	vadd.f32 v37, v6;
	v8 =	vld.idx.msk [tilespmem:v8+s17+$0x0], $0xffff  }
0x16c: {  	v0 =	vmul.f32 $3.801784040e+00, v0;
	v4 =	vcvt.s32.f32 v4;
	v7 =	vadd.f32 v5, v7  }
0x16d: {  	v47 =	vand.u32 $0x3F, v34;
	v34 =	vor.u32 v2, v52;
	v45 =	vmul.f32 v6, v43  }
0x16e: {  	v60 =	vmul.f32 v7, v46;
	v0 =	vadd.f32 v0, v1;
	v1 =	vmul.f32 $3.801784040e+00, v4  }
0x16f: {  	v43 =	vmovc v3;
	v46 =	vand.u32 $0x7FFFFFFF, v50;
	[tilespmem:v9+s20+$0x0] =	vst.idx.msk $0xffff, v33;
	v9 =	vmovc v26;
	v26 =	vand.u32 $0x7FFFFFFF, v3;
	v3 =	vand.u32 $0x7FFFFFFF, v49  }
0x170: {  	v0 =	vtrunc.f32 v0;
	v1 =	vadd.f32 v1, v8;
	v3 =	vmul.f32 $6.816437720e+00, v3  }
0x171: {  	v44 =	vld.idx.msk [tilespmem:v63+s13+$0x0], $0xffff;
	v63 =	vadd.f32 v45, v36;
	v36 =	vmul.f32 $6.816437720e+00, v46;
	v0 =	vcvt.f32.s32 v0  }
0x172: {  	v33 =	vor.u32 v2, v47;
	v8 =	vmul.f32 $6.816437720e+00, v26;
	v1 =	vtrunc.f32 v1  }
0x173: {  	v10 =	vld [tilespmem:$0x1FF80];
	v3 =	vadd.f32 $1.000000000e+00, v3;
	[tilespmem:v38+s20+$0x0] =	vst.idx.msk $0xffff, v63;
	v26 =	vadd.f32 $1.000000000e+00, v36;
	vm10 =	vgt.s32 v0, $0x0  }
0x174: {  	v31 =	vor.u32 v2, v51;
	v1 =	vcvt.f32.s32 v1;
	v45 =	vld.idx.msk [tilespmem:v34+s4+$0x0], $0xffff;
	v0 =	vnsel vm10, $0x0, v0  }
0x175: {  	[tilespmem:$0x1FFB0] =	vst v9;
	v9 =	vld [tilespmem:$0x1FF60];
	v62 =	vshrl.u32 v3, $0xD;
	v63 =	vshrl.u32 v26, $0xD;
	v0 =	vmin.u32 v0, $0x20  }
0x176: {  	vm11 =	vgt.s32 v1, $0x0;
	v60 =	vadd.f32 v60, v44;
	v4 =	vand.u32 $0x3FF, v62  }
0x177: {  	v46 =	vld.idx.msk [tilespmem:v33+s4+$0x0], $0xffff;
	v3 =	vshra.s32 v3, $0x17;
	v36 =	vand.u32 $0x3FF, v63;
	v1 =	vnsel vm11, $0x0, v1  }
0x178: {  	v1 =	vmin.u32 v1, $0x20;
	[tilespmem:v39+s20+$0x0] =	vst.idx.msk $0xffff, v60;
	v39 =	vmovc v33;
	v60 =	vshra.s32 v14, $0x1F;
	v33 =	vshra.s32 v15, $0x1F  }
0x179: {  	v38 =	vmovc v61;
	v44 =	vld.idx.msk [tilespmem:v31+s4+$0x0], $0xffff;
	v0 =	vxor.u32 v60, v0;
	v1 =	vxor.u32 v33, v1;
	v61 =	vand.u32 $0x7FFFFFFF, v45  }
0x17a: {  	v0 =	vshll.u32 v0, $0x6;
	v33 =	vmul.f32 $6.816437720e+00, v61;
	v61 =	vadd.f32 v10, v9;
	v10 =	vld [tilespmem:$0x1FFC0]  }
0x17b: {  	v40 =	vadd.f32 v40, v24;
	v3 =	vcvt.s32.f32 v3;
	v0 =	vor.u32 v41, v0;
	v4 =	vld.idx.msk [tilespmem:v4+s17+$0x0], $0xffff  }
0x17c: {  	v26 =	vshra.s32 v26, $0x17;
	v60 =	vand.u32 $0x7FFFFFFF, v46;
	v0 =	vadd.s32 $0x840, v0  }
0x17d: {  	v8 =	vadd.f32 $1.000000000e+00, v8;
	v26 =	vcvt.s32.f32 v26;
	v3 =	vmul.f32 $3.801784040e+00, v3  }
0x17e: {  	v1 =	vshll.u32 v1, $0x6;
	v9 =	vmovc v13;
	v36 =	vld.idx.msk [tilespmem:v36+s17+$0x0], $0xffff;
	v33 =	vadd.f32 $1.000000000e+00, v33;
	v62 =	vand.u32 $0x7FFFFFFF, v44  }
0x17f: {  	v1 =	vor.u32 v35, v1;
	v41 =	vmul.f32 $6.816437720e+00, v60;
	[tilespmem:$0x1FF80] =	vst v9;
	v9 =	vld [tilespmem:$0x1FF70];
	v35 =	vmul.f32 $6.816437720e+00, v62;
	v60 =	vmovc v10;
	v10 =	vmovc v37  }
0x180: {  	v1 =	vadd.s32 $0x840, v1;
	v63 =	vshra.s32 v33, $0x17;
	[tilespmem:$0x1FFC0] =	vst v10;
	v3 =	vadd.f32 v3, v4;
	v10 =	vld [tilespmem:$0x1FF90]  }
0x181: {  	v13 =	vmovc v6;
	v6 =	vshrl.u32 v33, $0xD;
	v4 =	vmul.f32 $3.801784040e+00, v26;
	v35 =	vadd.f32 $1.000000000e+00, v35;
	v62 =	vld.idx.msk [tilespmem:v0+s16+$0x0], $0xffff  }
0x182: {  	v63 =	vcvt.s32.f32 v63;
	v37 =	vmovc v12;
	v12 =	vmovc v5;
	v6 =	vand.u32 $0x3FF, v6;
	[tilespmem:$0x1FF60] =	vst v60;
	v26 =	vld.idx.msk [tilespmem:v0+s15+$0x0], $0xffff;
	v3 =	vtrunc.f32 v3  }
0x183: {  	v4 =	vadd.f32 v4, v36;
	v60 =	vmovc v11;
	v11 =	vmovc v7;
	v7 =	vadd.f32 v18, v16;
	v5 =	vshrl.u32 v35, $0xD  }
0x184: {  	[tilespmem:$0x1FF90] =	vst v60;
	v3 =	vcvt.f32.s32 v3;
	v60 =	vld.idx.msk [tilespmem:v0+s13+$0x0], $0xffff;
	v0 =	vadd.f32 v19, v17;
	v17 =	vmovc v56;
	v56 =	vshra.s32 v49, $0x1F  }
0x185: {  	v5 =	vand.u32 $0x3FF, v5;
	v4 =	vtrunc.f32 v4;
	v9 =	vadd.f32 v10, v9;
	v10 =	vld.idx.msk [tilespmem:v1+s16+$0x0], $0xffff  }
0x186: {  	[tilespmem:$0x1FF70] =	vst v37;
	v37 =	vld.idx.msk [tilespmem:v1+s13+$0x0], $0xffff;
	v7 =	vmul.f32 v7, v20;
	vm12 =	vgt.s32 v3, $0x0;
	v4 =	vcvt.f32.s32 v4  }
0x187: {  	v1 =	vld.idx.msk [tilespmem:v1+s15+$0x0], $0xffff;
	v36 =	vmul.f32 v62, v14;
	v3 =	vnsel vm12, $0x0, v3;
	v62 =	vshra.s32 v50, $0x1F  }
0x188: {  	v20 =	vmul.f32 v0, v7;
	vm13 =	vgt.s32 v4, $0x0;
	v3 =	vmin.u32 v3, $0x20  }
0x189: {  	v33 =	vadd.f32 v36, v26;
	v4 =	vnsel vm13, $0x0, v4;
	v26 =	vadd.f32 v29, v27  }
0x18a: {  	v3 =	vxor.u32 v56, v3;
	v56 =	vshra.s32 v8, $0x17;
	v10 =	vmul.f32 v10, v15  }
0x18b: {  	v4 =	vmin.u32 v4, $0x20;
	v27 =	vadd.f32 v33, v36;
	v22 =	vmul.f32 v26, v22  }
0x18c: {  	v6 =	vld.idx.msk [tilespmem:v6+s17+$0x0], $0xffff;
	v4 =	vxor.u32 v62, v4;
	v36 =	vadd.f32 v10, v1;
	v1 =	vmul.f32 v61, v21  }
0x18d: {  	v62 =	vadd.f32 $1.000000000e+00, v41;
	v41 =	vmul.f32 $3.801784040e+00, v63;
	v4 =	vshll.u32 v4, $0x6  }
0x18e: {  	v23 =	vmul.f32 v27, v23;
	v21 =	vmul.f32 v9, v1;
	v1 =	vshll.u32 v3, $0x6  }
0x18f: {  	v0 =	vld.idx.msk [tilespmem:v5+s17+$0x0], $0xffff;
	v22 =	vmul.f32 v28, v22;
	v3 =	vshra.s32 v35, $0x17;
	v1 =	vor.u32 v32, v1  }
0x190: {  	v4 =	vor.u32 v53, v4;
	v3 =	vcvt.s32.f32 v3;
	v1 =	vadd.s32 $0x840, v1  }
0x191: {  	v6 =	vadd.f32 v41, v6;
	v41 =	vand.u32 $0x3F, v55;
	v4 =	vadd.s32 $0x840, v4  }
0x192: {  	v5 =	vshra.s32 v62, $0x17;
	v9 =	vshrl.u32 v8, $0xD;
	v3 =	vmul.f32 $3.801784040e+00, v3  }
0x193: {  	v10 =	vadd.f32 v36, v10;
	v6 =	vtrunc.f32 v6;
	v9 =	vand.u32 $0x3FF, v9  }
0x194: {  	v8 =	vshrl.u32 v62, $0xD;
	v6 =	vcvt.f32.s32 v6;
	v0 =	vadd.f32 v3, v0  }
0x195: {  	v16 =	vmovc v57;
	v27 =	vshra.s32 v45, $0x1F;
	v28 =	vshra.s32 v44, $0x1F;
	v57 =	vand.u32 $0x3FF, v8;
	v8 =	vld.idx.msk [tilespmem:v1+s16+$0x0], $0xffff  }
0x196: {  	v23 =	vmul.f32 v10, v23;
	vm14 =	vgt.s32 v6, $0x0;
	v26 =	vld.idx.msk [tilespmem:v4+s16+$0x0], $0xffff;
	v0 =	vtrunc.f32 v0  }
0x197: {  	v6 =	vnsel vm14, $0x0, v6;
	v3 =	vcvt.s32.f32 v56;
	v10 =	vld.idx.msk [tilespmem:v1+s15+$0x0], $0xffff;
	v0 =	vcvt.f32.s32 v0  }
0x198: {  	v5 =	vcvt.s32.f32 v5;
	v35 =	vand.u32 $0x3F, v54;
	v6 =	vmin.u32 v6, $0x20;
	v9 =	vld.idx.msk [tilespmem:v9+s17+$0x0], $0xffff  }
0x199: {  	v30 =	vld.idx.msk [tilespmem:v4+s15+$0x0], $0xffff;
	v6 =	vxor.u32 v27, v6;
	v3 =	vmul.f32 $3.801784040e+00, v3;
	vm15 =	vgt.s32 v0, $0x0  }
0x19a: {  	v19 =	vmovc v59;
	v7 =	vld.idx.msk [tilespmem:v57+s17+$0x0], $0xffff;
	v59 =	vshll.u32 v6, $0x6;
	v0 =	vnsel vm15, $0x0, v0;
	v27 =	vmul.f32 v8, v49  }
0x19b: {  	v18 =	vmovc v58;
	v58 =	vld.idx.msk [tilespmem:v1+s13+$0x0], $0xffff;
	v1 =	vmul.f32 $3.801784040e+00, v5;
	v5 =	vor.u32 v52, v59;
	v0 =	vmin.u32 v0, $0x20  }
0x19c: {  	s25 =	sadd.s32 $0x2, s25;
	v0 =	vxor.u32 v28, v0;
	v28 =	vmul.f32 v26, v50;
	v29 =	vadd.f32 v27, v10  }
0x19d: {  	p0 =	slt.u32 s25, $0xE;
	v4 =	vld.idx.msk [tilespmem:v4+s13+$0x0], $0xffff;
	v52 =	vadd.s32 $0x840, v5;
	v3 =	vadd.f32 v3, v9;
	v0 =	vshll.u32 v0, $0x6  }
.Ltmp0:
0x19e: {  	v0 =	vor.u32 v51, v0;
	v30 =	vadd.f32 v28, v30;
	v61 =	vmul.f32 v29, v49;
	(pc) =	sbr.rel @p0 .LBB2_4-.Ltmp0, $4  }
0x19f: {  	v32 =	vor.u32 v2, v41;
	v62 =	vadd.f32 v1, v7;
	v1 =	vadd.s32 $0x840, v0  }
0x1a0: {  	v0 =	vtrunc.f32 v3;
	v63 =	vmul.f32 v30, v50;
	v3 =	vadd.f32 v61, v58  }
0x1a1: {  	v26 =	vor.u32 v2, v35;
	v53 =	vcvt.f32.s32 v0;
	v0 =	vtrunc.f32 v62  }
0x1a2: {  	s14 =	sadd.s32 $0x2, s8;
	s12 =	smov.u32 s26;
	s26 =	sadd.s32 $0x8, s26;
	v24 =	vmov v60;
	v49 =	vld.idx.msk [tilespmem:v52+s16+$0x0], $0xffff;
	v51 =	vcvt.f32.s32 v0;
	v50 =	vadd.f32 v63, v4;
	[tilespmem:v48+s20+$0x0] =	vst.idx.msk $0xffff, v3  }
0x1a3: {  	vm0 =	vgt.s32 v53, $0x0  }
0x1a4: {  	v0 =	vnsel vm0, $0x0, v53  }
0x1a5: {  	v3 =	vshra.s32 v43, $0x1F;
	v0 =	vmin.u32 v0, $0x20  }
0x1a6: {  	v0 =	vxor.u32 v3, v0  }
0x1a7: {  	v0 =	vshll.u32 v0, $0x6  }
0x1a8: {  	v0 =	vor.u32 v42, v0  }
0x1a9: {  	vm15 =	vgt.s32 v51, $0x0;
	v0 =	vadd.s32 $0x840, v0  }
0x1aa: {  	v48 =	vnsel vm15, $0x0, v51  }
0x1ab: {  	v4 =	vshra.s32 v46, $0x1F;
	v3 =	vmin.u32 v48, $0x20  }
0x1ac: {  	v3 =	vxor.u32 v4, v3  }
0x1ad: {  	v3 =	vshll.u32 v3, $0x6  }
0x1ae: {  	v3 =	vor.u32 v47, v3;
	v51 =	vld.idx.msk [tilespmem:v0+s16+$0x0], $0xffff  }
0x1af: {  	v3 =	vadd.s32 $0x840, v3;
	_ =	sdelay $0x3  }
0x1b0: {  	v5 =	vld.idx.msk [tilespmem:v0+s15+$0x0], $0xffff;
	v8 =	vmul.f32 v51, v43  }
0x1b1: {  	v6 =	vld.idx.msk [tilespmem:v3+s16+$0x0], $0xffff  }
0x1b2: {  	[tilespmem:$0x1FEF0] =	vst v8  }
0x1b3: {  	v53 =	vld.idx.msk [tilespmem:v3+s15+$0x0], $0xffff  }
0x1b4: {  	s19 =	sadd.s32 $0x1, s12;
	v48 =	vlaneseq.u32;
	v0 =	vld.idx.msk [tilespmem:v0+s13+$0x0], $0xffff  }
0x1b5: {  	v7 =	vadd.s32 s19, v48;
	v8 =	vadd.f32 v8, v5  }
0x1b6: {  	v9 =	vmul.f32 v6, v46;
	v5 =	vand.u32 $0x3F, v7  }
0x1b7: {  	v7 =	vor.u32 v2, v5;
	[tilespmem:$0x1FF00] =	vst v8;
	v8 =	vmul.f32 v8, v43  }
0x1b8: {  	v55 =	vadd.f32 v9, v53  }
0x1b9: {  	[tilespmem:$0x1FF10] =	vst v9;
	v0 =	vadd.f32 v8, v0  }
0x1ba: {  	v3 =	vld.idx.msk [tilespmem:v3+s13+$0x0], $0xffff;
	[tilespmem:$0x1FF20] =	vst v55  }
0x1bb: {  	s25 =	sadd.s32 $0x5, s12;
	[tilespmem:v38+s20+$0x0] =	vst.idx.msk $0xffff, v0  }
0x1bc: {  	v54 =	vadd.s32 s25, v48;
	v8 =	vld.idx.msk [tilespmem:v7+s4+$0x0], $0xffff  }
0x1bd: {  	v4 =	vand.u32 $0x3F, v54  }
0x1be: {  	v56 =	vmul.f32 v55, v46;
	v0 =	vor.u32 v2, v4;
	_ =	sdelay $0x1  }
0x1bf: {  	v3 =	vadd.f32 v56, v3  }
0x1c0: {  	v57 =	vand.u32 $0x7FFFFFFF, v8  }
0x1c1: {  	[tilespmem:v39+s20+$0x0] =	vst.idx.msk $0xffff, v3;
	v6 =	vmul.f32 $6.816437720e+00, v57  }
0x1c2: {  	v3 =	vld.idx.msk [tilespmem:v0+s4+$0x0], $0xffff  }
0x1c3: {  	v6 =	vadd.f32 $1.000000000e+00, v6;
	_ =	sdelay $0x1  }
0x1c4: {  	v10 =	vshrl.u32 v6, $0xD  }
0x1c5: {  	v10 =	vand.u32 $0x3FF, v10  }
0x1c6: {  	v58 =	vand.u32 $0x7FFFFFFF, v3  }
0x1c7: {  	v9 =	vmul.f32 $6.816437720e+00, v58;
	_ =	sdelay $0x1  }
0x1c8: {  	v9 =	vadd.f32 $1.000000000e+00, v9  }
0x1c9: {  	v6 =	vshra.s32 v6, $0x17;
	v10 =	vld.idx.msk [tilespmem:v10+s17+$0x0], $0xffff  }
0x1ca: {  	v6 =	vcvt.s32.f32 v6;
	v59 =	vshrl.u32 v9, $0xD  }
0x1cb: {  	v38 =	vand.u32 $0x3FF, v59  }
0x1cc: {  	v6 =	vmul.f32 $3.801784040e+00, v6;
	_ =	sdelay $0x1  }
0x1cd: {  	v6 =	vadd.f32 v6, v10  }
0x1ce: {  	v60 =	vld.idx.msk [tilespmem:v52+s15+$0x0], $0xffff  }
0x1cf: {  	v9 =	vshra.s32 v9, $0x17;
	v38 =	vld.idx.msk [tilespmem:v38+s17+$0x0], $0xffff;
	v6 =	vtrunc.f32 v6  }
0x1d0: {  	v9 =	vcvt.s32.f32 v9;
	v6 =	vcvt.f32.s32 v6  }
0x1d1: {  	v43 =	vmul.f32 v49, v45  }
0x1d2: {  	v9 =	vmul.f32 $3.801784040e+00, v9;
	vm4 =	vgt.s32 v6, $0x0  }
0x1d3: {  	v46 =	vadd.f32 v43, v60;
	v6 =	vnsel vm4, $0x0, v6  }
0x1d4: {  	v63 =	vld.idx.msk [tilespmem:v52+s13+$0x0], $0xffff;
	v49 =	vshra.s32 v8, $0x1F;
	v9 =	vadd.f32 v9, v38;
	v6 =	vmin.u32 v6, $0x20  }
0x1d5: {  	v62 =	vadd.s32 s14, v48;
	v61 =	vld.idx.msk [tilespmem:v1+s16+$0x0], $0xffff;
	v57 =	vmul.f32 v46, v45;
	v6 =	vxor.u32 v49, v6  }
0x1d6: {  	v38 =	vand.u32 $0x3F, v62;
	v9 =	vtrunc.f32 v9;
	v6 =	vshll.u32 v6, $0x6  }
0x1d7: {  	v51 =	vld.idx.msk [tilespmem:v1+s15+$0x0], $0xffff;
	v55 =	vor.u32 v2, v38;
	v9 =	vcvt.f32.s32 v9;
	v5 =	vor.u32 v5, v6  }
0x1d8: {  	v5 =	vadd.s32 $0x840, v5  }
0x1d9: {  	v58 =	vadd.f32 v57, v63;
	vm5 =	vgt.s32 v9, $0x0  }
0x1da: {  	v45 =	vmul.f32 v61, v44;
	v9 =	vnsel vm5, $0x0, v9  }
0x1db: {  	s26 =	sadd.s32 $0x6, s8;
	v63 =	vshra.s32 v3, $0x1F;
	[tilespmem:v34+s20+$0x0] =	vst.idx.msk $0xffff, v58;
	v59 =	vld.idx.msk [tilespmem:v1+s13+$0x0], $0xffff;
	v9 =	vmin.u32 v9, $0x20  }
0x1dc: {  	v42 =	vadd.s32 s26, v48;
	v49 =	vadd.f32 v45, v51;
	v10 =	vld.idx.msk [tilespmem:v55+s4+$0x0], $0xffff;
	v47 =	vxor.u32 v63, v9  }
0x1dd: {  	v9 =	vand.u32 $0x3F, v42;
	v6 =	vshll.u32 v47, $0x6;
	v52 =	vld.idx.msk [tilespmem:v5+s16+$0x0], $0xffff  }
0x1de: {  	v51 =	vmul.f32 v49, v44;
	v60 =	vor.u32 v2, v9;
	v4 =	vor.u32 v4, v6  }
0x1df: {  	v4 =	vadd.s32 $0x840, v4  }
0x1e0: {  	v1 =	vadd.f32 v51, v59  }
0x1e1: {  	v54 =	vand.u32 $0x7FFFFFFF, v10;
	v53 =	vld.idx.msk [tilespmem:v5+s15+$0x0], $0xffff  }
0x1e2: {  	[tilespmem:v31+s20+$0x0] =	vst.idx.msk $0xffff, v1;
	v1 =	vmul.f32 $6.816437720e+00, v54;
	v58 =	vmul.f32 v52, v8  }
0x1e3: {  	v57 =	vld.idx.msk [tilespmem:v60+s4+$0x0], $0xffff  }
0x1e4: {  	v1 =	vadd.f32 $1.000000000e+00, v1;
	v56 =	vld.idx.msk [tilespmem:v4+s16+$0x0], $0xffff;
	[tilespmem:$0x1FF30] =	vst v58  }
0x1e5: {  	s30 =	sadd.s32 $0x2, s12;
	v5 =	vld.idx.msk [tilespmem:v5+s13+$0x0], $0xffff  }
0x1e6: {  	v47 =	vadd.s32 s30, v48;
	v44 =	vshrl.u32 v1, $0xD;
	v63 =	vadd.f32 v58, v53  }
0x1e7: {  	v39 =	vand.u32 $0x3F, v47;
	v34 =	vand.u32 $0x3FF, v44;
	v59 =	vld.idx.msk [tilespmem:v4+s15+$0x0], $0xffff  }
0x1e8: {  	[tilespmem:$0x1FF40] =	vst v63;
	v8 =	vmul.f32 v63, v8;
	v63 =	vor.u32 v2, v39;
	_ =	sdelay $0x1  }
0x1e9: {  	v51 =	vand.u32 $0x7FFFFFFF, v57;
	v47 =	vmul.f32 v56, v3;
	v5 =	vadd.f32 v8, v5  }
0x1ea: {  	s19 =	sadd.s32 $0x6, s12;
	v6 =	vmul.f32 $6.816437720e+00, v51;
	v4 =	vld.idx.msk [tilespmem:v4+s13+$0x0], $0xffff  }
0x1eb: {  	v52 =	vadd.s32 s19, v48;
	v53 =	vld.idx.msk [tilespmem:v34+s17+$0x0], $0xffff;
	v44 =	vadd.f32 v47, v59;
	[tilespmem:v7+s20+$0x0] =	vst.idx.msk $0xffff, v5  }
0x1ec: {  	v6 =	vadd.f32 $1.000000000e+00, v6;
	v8 =	vand.u32 $0x3F, v52;
	v34 =	vld.idx.msk [tilespmem:v63+s4+$0x0], $0xffff  }
0x1ed: {  	v61 =	vor.u32 v2, v8;
	v3 =	vmul.f32 v44, v3  }
0x1ee: {  	v1 =	vshra.s32 v1, $0x17;
	v54 =	vshrl.u32 v6, $0xD  }
0x1ef: {  	v1 =	vcvt.s32.f32 v1;
	v56 =	vand.u32 $0x3FF, v54;
	v3 =	vadd.f32 v3, v4;
	_ =	sdelay $0x1  }
0x1f0: {  	v58 =	vmul.f32 $3.801784040e+00, v1;
	[tilespmem:v0+s20+$0x0] =	vst.idx.msk $0xffff, v3;
	v59 =	vand.u32 $0x7FFFFFFF, v34  }
0x1f1: {  	v1 =	vld.idx.msk [tilespmem:v61+s4+$0x0], $0xffff;
	v4 =	vmul.f32 $6.816437720e+00, v59  }
0x1f2: {  	v3 =	vadd.f32 v58, v53  }
0x1f3: {  	v62 =	vshra.s32 v6, $0x17;
	v0 =	vld.idx.msk [tilespmem:v56+s17+$0x0], $0xffff;
	v4 =	vadd.f32 $1.000000000e+00, v4  }
0x1f4: {  	v5 =	vcvt.s32.f32 v62;
	v3 =	vtrunc.f32 v3  }
0x1f5: {  	v3 =	vcvt.f32.s32 v3;
	v42 =	vshrl.u32 v4, $0xD  }
0x1f6: {  	v5 =	vmul.f32 $3.801784040e+00, v5;
	v31 =	vand.u32 $0x7FFFFFFF, v1;
	v7 =	vand.u32 $0x3FF, v42  }
0x1f7: {  	vm6 =	vgt.s32 v3, $0x0;
	v6 =	vmul.f32 $6.816437720e+00, v31  }
0x1f8: {  	v0 =	vadd.f32 v5, v0;
	v3 =	vnsel vm6, $0x0, v3  }
0x1f9: {  	v51 =	vshra.s32 v10, $0x1F;
	v3 =	vmin.u32 v3, $0x20;
	v6 =	vadd.f32 $1.000000000e+00, v6  }
0x1fa: {  	v0 =	vtrunc.f32 v0;
	v4 =	vshra.s32 v4, $0x17;
	v3 =	vxor.u32 v51, v3;
	v51 =	vld.idx.msk [tilespmem:v32+s4+$0x0], $0xffff  }
0x1fb: {  	v0 =	vcvt.f32.s32 v0;
	v3 =	vshll.u32 v3, $0x6;
	v52 =	vshrl.u32 v6, $0xD;
	v7 =	vld.idx.msk [tilespmem:v7+s17+$0x0], $0xffff  }
0x1fc: {  	[tilespmem:v25+s20+$0x0] =	vst.idx.msk $0xffff, v50;
	v4 =	vcvt.s32.f32 v4;
	v3 =	vor.u32 v38, v3;
	v5 =	vand.u32 $0x3FF, v52  }
0x1fd: {  	vm7 =	vgt.s32 v0, $0x0;
	v3 =	vadd.s32 $0x840, v3;
	v52 =	vld.idx.msk [tilespmem:v26+s4+$0x0], $0xffff  }
0x1fe: {  	v4 =	vmul.f32 $3.801784040e+00, v4;
	v0 =	vnsel vm7, $0x0, v0  }
0x1ff: {  	v53 =	vshra.s32 v57, $0x1F;
	v6 =	vshra.s32 v6, $0x17;
	v0 =	vmin.u32 v0, $0x20  }
0x200: {  	v0 =	vxor.u32 v53, v0;
	v56 =	vand.u32 $0x7FFFFFFF, v51;
	v4 =	vadd.f32 v4, v7  }
0x201: {  	v6 =	vcvt.s32.f32 v6;
	v0 =	vshll.u32 v0, $0x6;
	v5 =	vld.idx.msk [tilespmem:v5+s17+$0x0], $0xffff;
	v7 =	vmul.f32 $6.816437720e+00, v56  }
0x202: {  	v0 =	vor.u32 v9, v0;
	v54 =	vld.idx.msk [tilespmem:v3+s16+$0x0], $0xffff;
	v59 =	vand.u32 $0x7FFFFFFF, v52;
	v4 =	vtrunc.f32 v4  }
0x203: {  	v62 =	vmul.f32 $6.816437720e+00, v59;
	v38 =	vadd.f32 $1.000000000e+00, v7;
	v4 =	vcvt.f32.s32 v4  }
0x204: {  	v50 =	vshra.s32 v34, $0x1F;
	v6 =	vmul.f32 $3.801784040e+00, v6;
	v58 =	vld.idx.msk [tilespmem:v3+s15+$0x0], $0xffff;
	v0 =	vadd.s32 $0x840, v0  }
0x205: {  	v7 =	vadd.f32 $1.000000000e+00, v62;
	v42 =	vshrl.u32 v38, $0xD;
	vm8 =	vgt.s32 v4, $0x0  }
0x206: {  	s21 =	sadd.s32 $0x3, s8;
	v5 =	vadd.f32 v6, v5;
	v9 =	vand.u32 $0x3FF, v42;
	v4 =	vnsel vm8, $0x0, v4  }
0x207: {  	v59 =	vadd.s32 s21, v48;
	v53 =	vmul.f32 v54, v10;
	v4 =	vmin.u32 v4, $0x20  }
0x208: {  	v3 =	vld.idx.msk [tilespmem:v3+s13+$0x0], $0xffff;
	v56 =	vshrl.u32 v7, $0xD;
	v5 =	vtrunc.f32 v5;
	v4 =	vxor.u32 v50, v4  }
0x209: {  	v54 =	vadd.f32 v53, v58;
	v58 =	vld.idx.msk [tilespmem:v0+s16+$0x0], $0xffff;
	v5 =	vcvt.f32.s32 v5;
	v4 =	vshll.u32 v4, $0x6  }
0x20a: {  	v62 =	vld.idx.msk [tilespmem:v0+s15+$0x0], $0xffff;
	v6 =	vshra.s32 v38, $0x17;
	v25 =	vand.u32 $0x3FF, v56;
	v4 =	vor.u32 v39, v4  }
0x20b: {  	v6 =	vcvt.s32.f32 v6;
	vm9 =	vgt.s32 v5, $0x0;
	v9 =	vld.idx.msk [tilespmem:v9+s17+$0x0], $0xffff;
	v4 =	vadd.s32 $0x840, v4  }
0x20c: {  	v10 =	vmul.f32 v54, v10;
	v39 =	vand.u32 $0x3F, v59;
	v5 =	vnsel vm9, $0x0, v5  }
0x20d: {  	v50 =	vshra.s32 v1, $0x1F;
	v5 =	vmin.u32 v5, $0x20;
	v42 =	vor.u32 v2, v39  }
0x20e: {  	v0 =	vld.idx.msk [tilespmem:v0+s13+$0x0], $0xffff;
	v6 =	vmul.f32 $3.801784040e+00, v6;
	v58 =	vmul.f32 v58, v57;
	v5 =	vxor.u32 v50, v5  }
0x20f: {  	v7 =	vshra.s32 v7, $0x17;
	v3 =	vadd.f32 v10, v3;
	v25 =	vld.idx.msk [tilespmem:v25+s17+$0x0], $0xffff;
	v5 =	vshll.u32 v5, $0x6  }
0x210: {  	s25 =	sadd.s32 $0x7, s8;
	v59 =	vadd.f32 v58, v62;
	v5 =	vor.u32 v8, v5;
	v6 =	vadd.f32 v6, v9;
	v10 =	vld.idx.msk [tilespmem:v4+s16+$0x0], $0xffff  }
0x211: {  	v7 =	vcvt.s32.f32 v7;
	v56 =	vadd.s32 s25, v48;
	[tilespmem:v55+s20+$0x0] =	vst.idx.msk $0xffff, v3;
	v5 =	vadd.s32 $0x840, v5;
	v62 =	vld.idx.msk [tilespmem:v4+s15+$0x0], $0xffff  }
0x212: {  	v38 =	vand.u32 $0x3F, v56;
	v9 =	vmul.f32 v59, v57;
	v56 =	vld.idx.msk [tilespmem:v42+s4+$0x0], $0xffff;
	v6 =	vtrunc.f32 v6  }
0x213: {  	v6 =	vcvt.f32.s32 v6  }
0x214: {  	v3 =	vmul.f32 $3.801784040e+00, v7;
	v50 =	vor.u32 v2, v38;
	v0 =	vadd.f32 v9, v0  }
0x215: {  	vm10 =	vgt.s32 v6, $0x0;
	v55 =	vmul.f32 v10, v34  }
0x216: {  	v3 =	vadd.f32 v3, v25;
	[tilespmem:v60+s20+$0x0] =	vst.idx.msk $0xffff, v0;
	v60 =	vshra.s32 v51, $0x1F;
	v8 =	vld.idx.msk [tilespmem:v5+s16+$0x0], $0xffff;
	v6 =	vnsel vm10, $0x0, v6  }
0x217: {  	v4 =	vld.idx.msk [tilespmem:v4+s13+$0x0], $0xffff;
	v31 =	vmin.u32 v6, $0x20;
	v57 =	vadd.f32 v55, v62;
	v62 =	vand.u32 $0x7FFFFFFF, v56  }
0x218: {  	v3 =	vtrunc.f32 v3;
	v9 =	vld.idx.msk [tilespmem:v5+s15+$0x0], $0xffff;
	v0 =	vxor.u32 v60, v31;
	v25 =	vmul.f32 $6.816437720e+00, v62  }
0x219: {  	v3 =	vcvt.f32.s32 v3;
	v62 =	vld.idx.msk [tilespmem:v50+s4+$0x0], $0xffff;
	v0 =	vshll.u32 v0, $0x6  }
0x21a: {  	s26 =	sadd.s32 $0x3, s12;
	v31 =	vmul.f32 v57, v34;
	v0 =	vor.u32 v41, v0;
	v6 =	vadd.f32 $1.000000000e+00, v25  }
0x21b: {  	v34 =	vadd.s32 s26, v48;
	v60 =	vmul.f32 v8, v1;
	v25 =	vadd.s32 $0x840, v0  }
0x21c: {  	v5 =	vld.idx.msk [tilespmem:v5+s13+$0x0], $0xffff;
	v4 =	vadd.f32 v31, v4;
	v31 =	vand.u32 $0x3F, v34;
	v41 =	vshrl.u32 v6, $0xD  }
0x21d: {  	v34 =	vadd.f32 v60, v9;
	v0 =	vand.u32 $0x3FF, v41;
	v41 =	vor.u32 v2, v31  }
0x21e: {  	vm11 =	vgt.s32 v3, $0x0;
	v7 =	vand.u32 $0x7FFFFFFF, v62  }
0x21f: {  	v3 =	vnsel vm11, $0x0, v3;
	v1 =	vmul.f32 v34, v1;
	v7 =	vmul.f32 $6.816437720e+00, v7  }
0x220: {  	s30 =	sadd.s32 $0x7, s12;
	v10 =	vmul.f32 v33, v14;
	[tilespmem:v63+s20+$0x0] =	vst.idx.msk $0xffff, v4;
	v63 =	vmul.f32 v36, v15;
	v36 =	vld.idx.msk [tilespmem:v25+s15+$0x0], $0xffff  }
0x221: {  	v48 =	vadd.s32 s30, v48;
	v1 =	vadd.f32 v1, v5;
	v4 =	vadd.f32 $1.000000000e+00, v7;
	v7 =	vld.idx.msk [tilespmem:v25+s16+$0x0], $0xffff  }
0x222: {  	v3 =	vmin.u32 v3, $0x20;
	v9 =	vand.u32 $0x3F, v48;
	v48 =	vshra.s32 v52, $0x1F;
	v14 =	vld.idx.msk [tilespmem:v41+s4+$0x0], $0xffff  }
0x223: {  	v3 =	vxor.u32 v48, v3;
	v2 =	vor.u32 v2, v9;
	[tilespmem:v61+s20+$0x0] =	vst.idx.msk $0xffff, v1;
	v0 =	vld.idx.msk [tilespmem:v0+s17+$0x0], $0xffff  }
0x224: {  	v3 =	vshll.u32 v3, $0x6;
	v1 =	vld [tilespmem:$0x1FF60]  }
0x225: {  	v16 =	vadd.f32 v18, v16;
	v17 =	vadd.f32 v19, v17;
	v3 =	vor.u32 v35, v3;
	v35 =	vld [tilespmem:$0x1FF80]  }
0x226: {  	v11 =	vadd.f32 v11, v12;
	v15 =	vadd.f32 v63, v37;
	v37 =	vld [tilespmem:$0x1FF70]  }
0x227: {  	v16 =	vmul.f32 v16, v20;
	v6 =	vshra.s32 v6, $0x17;
	v63 =	vadd.f32 v29, v27;
	v48 =	vld [tilespmem:$0x1FF90]  }
0x228: {  	v61 =	vcvt.s32.f32 v6;
	v33 =	vshrl.u32 v4, $0xD;
	v6 =	vld.idx.msk [tilespmem:v2+s4+$0x0], $0xffff;
	v4 =	vshra.s32 v4, $0x17  }
0x229: {  	v16 =	vmul.f32 v17, v16;
	v3 =	vadd.s32 $0x840, v3;
	v4 =	vcvt.s32.f32 v4  }
0x22a: {  	v19 =	vmul.f32 v63, v22;
	v5 =	vand.u32 $0x3FF, v33;
	v18 =	vmul.f32 $3.801784040e+00, v61  }
0x22b: {  	v7 =	vmul.f32 v7, v51;
	v4 =	vmul.f32 $3.801784040e+00, v4;
	v1 =	vadd.f32 v35, v1  }
0x22c: {  	v33 =	vadd.f32 v48, v37;
	v27 =	vand.u32 $0x7FFFFFFF, v14;
	v0 =	vadd.f32 v18, v0  }
0x22d: {  	v18 =	vadd.f32 v7, v36;
	v35 =	vand.u32 $0x7FFFFFFF, v6;
	v29 =	vmul.f32 $6.816437720e+00, v27  }
0x22e: {  	v37 =	vld.idx.msk [tilespmem:v3+s16+$0x0], $0xffff;
	v20 =	vmul.f32 $6.816437720e+00, v35;
	v35 =	vshra.s32 v56, $0x1F;
	v1 =	vmul.f32 v1, v21  }
0x22f: {  	v5 =	vld.idx.msk [tilespmem:v5+s17+$0x0], $0xffff;
	v7 =	vadd.f32 v18, v7;
	v0 =	vtrunc.f32 v0;
	v18 =	vmul.f32 v18, v51  }
0x230: {  	v48 =	vld.idx.msk [tilespmem:v3+s15+$0x0], $0xffff;
	v8 =	vadd.f32 $1.000000000e+00, v29;
	v0 =	vcvt.f32.s32 v0;
	v20 =	vadd.f32 $1.000000000e+00, v20  }
0x231: {  	v21 =	vadd.f32 v30, v28;
	v7 =	vmul.f32 v7, v23;
	v22 =	vmul.f32 v33, v1  }
0x232: {  	v36 =	vshrl.u32 v8, $0xD;
	vm12 =	vgt.s32 v0, $0x0;
	v61 =	vshrl.u32 v20, $0xD  }
0x233: {  	v8 =	vshra.s32 v8, $0x17;
	v27 =	vand.u32 $0x3FF, v36;
	v36 =	vmul.f32 v37, v52  }
0x234: {  	v4 =	vadd.f32 v4, v5;
	v0 =	vnsel vm12, $0x0, v0;
	v63 =	vand.u32 $0x3FF, v61  }
0x235: {  	v20 =	vshra.s32 v20, $0x17;
	v0 =	vmin.u32 v0, $0x20;
	v5 =	vadd.f32 v36, v48  }
0x236: {  	v8 =	vcvt.s32.f32 v8;
	v4 =	vtrunc.f32 v4;
	v0 =	vxor.u32 v35, v0  }
0x237: {  	v33 =	vcvt.f32.s32 v4;
	v0 =	vshll.u32 v0, $0x6;
	v4 =	vadd.f32 v5, v36;
	v36 =	vld [tilespmem:$0x1FFC0]  }
0x238: {  	v19 =	vmul.f32 v21, v19;
	v20 =	vcvt.s32.f32 v20;
	v0 =	vor.u32 v39, v0;
	v27 =	vld.idx.msk [tilespmem:v27+s17+$0x0], $0xffff  }
0x239: {  	v21 =	vadd.f32 v49, v45;
	v8 =	vmul.f32 $3.801784040e+00, v8;
	v1 =	vadd.s32 $0x840, v0;
	v48 =	vld.idx.msk [tilespmem:v63+s17+$0x0], $0xffff  }
0x23a: {  	v3 =	vld.idx.msk [tilespmem:v3+s13+$0x0], $0xffff;
	v20 =	vmul.f32 $3.801784040e+00, v20;
	v39 =	vshra.s32 v14, $0x1F;
	vm13 =	vgt.s32 v33, $0x0  }
0x23b: {  	v49 =	vld [tilespmem:$0x1FF00];
	v5 =	vmul.f32 v5, v52;
	v63 =	vshra.s32 v62, $0x1F;
	v37 =	vnsel vm13, $0x0, v33  }
0x23c: {  	v52 =	vld [tilespmem:$0x1FF30];
	v4 =	vmul.f32 v4, v7;
	v7 =	vadd.f32 v10, v24;
	v61 =	vmin.u32 v37, $0x20  }
0x23d: {  	v23 =	vxor.u32 v63, v61;
	v63 =	vadd.f32 v54, v53;
	v53 =	vld [tilespmem:$0x1FF40];
	v10 =	vadd.f32 v13, v36  }
0x23e: {  	v29 =	vshll.u32 v23, $0x6;
	v8 =	vadd.f32 v8, v27;
	v33 =	vld.idx.msk [tilespmem:v1+s16+$0x0], $0xffff;
	v0 =	vadd.f32 v20, v48  }
0x23f: {  	v17 =	vor.u32 v38, v29;
	v38 =	vadd.f32 v46, v43;
	v48 =	vld [tilespmem:$0x1FEF0];
	v10 =	vmul.f32 v10, v22  }
0x240: {  	v3 =	vadd.f32 v5, v3;
	v30 =	vtrunc.f32 v8;
	v0 =	vtrunc.f32 v0  }
0x241: {  	v46 =	vshra.s32 v6, $0x1F;
	v13 =	vmul.f32 v38, v16;
	v35 =	vcvt.f32.s32 v30  }
0x242: {  	v37 =	vld.idx.msk [tilespmem:v1+s15+$0x0], $0xffff;
	v8 =	vadd.s32 $0x840, v17;
	v0 =	vcvt.f32.s32 v0;
	v10 =	vmul.f32 v11, v10  }
0x243: {  	v24 =	vadd.f32 v53, v52;
	v13 =	vmul.f32 v21, v13;
	vm14 =	vgt.s32 v35, $0x0  }
0x244: {  	v17 =	vmul.f32 v33, v56;
	vm15 =	vgt.s32 v0, $0x0;
	v11 =	vadd.f32 v49, v48  }
0x245: {  	v1 =	vld.idx.msk [tilespmem:v1+s13+$0x0], $0xffff;
	v20 =	vnsel vm14, $0x0, v35;
	v0 =	vnsel vm15, $0x0, v0;
	v35 =	vadd.f32 v59, v58  }
0x246: {  	v30 =	vld [tilespmem:$0x1FF10];
	v58 =	vadd.f32 v44, v47;
	v13 =	vmul.f32 v24, v13;
	v20 =	vmin.u32 v20, $0x20  }
0x247: {  	v43 =	vld.idx.msk [tilespmem:v8+s16+$0x0], $0xffff;
	v0 =	vmin.u32 v0, $0x20;
	v12 =	vadd.f32 v17, v37;
	v20 =	vxor.u32 v39, v20  }
0x248: {  	v33 =	vld.idx.msk [tilespmem:v25+s13+$0x0], $0xffff;
	v10 =	vmul.f32 v11, v10;
	v37 =	vmul.f32 v63, v19;
	v20 =	vshll.u32 v20, $0x6  }
0x249: {  	v45 =	vld.idx.msk [tilespmem:v8+s15+$0x0], $0xffff;
	v0 =	vxor.u32 v46, v0;
	v13 =	vmul.f32 v58, v13;
	v20 =	vor.u32 v31, v20  }
0x24a: {  	v0 =	vshll.u32 v0, $0x6;
	v17 =	vadd.f32 v12, v17;
	v31 =	vld [tilespmem:$0x1FF20];
	v20 =	vadd.s32 $0x840, v20  }
0x24b: {  	v12 =	vmul.f32 v12, v56;
	v0 =	vor.u32 v9, v0;
	v29 =	vand.u32 $0x7FFFFF, v13  }
0x24c: {  	v13 =	vshra.s32 v13, $0x17;
	v0 =	vadd.s32 $0x840, v0;
	v61 =	vmul.f32 v43, v62  }
0x24d: {  	v63 =	vadd.f32 v34, v60;
	v11 =	vadd.f32 v18, v33;
	v13 =	vcvt.s32.f32 v13  }
0x24e: {  	v8 =	vld.idx.msk [tilespmem:v8+s13+$0x0], $0xffff;
	v4 =	vmul.f32 v17, v4;
	v1 =	vadd.f32 v12, v1;
	v22 =	vadd.f32 v61, v45  }
0x24f: {  	v13 =	vmul.f32 $6.931471820e-01, v13;
	v9 =	vadd.f32 v31, v30;
	v30 =	vor.u32 $0x3F800000, v29;
	v36 =	vld.idx.msk [tilespmem:v20+s16+$0x0], $0xffff  }
0x250: {  	v38 =	vadd.f32 v22, v61;
	v39 =	vld.idx.msk [tilespmem:v20+s15+$0x0], $0xffff;
	v18 =	vmul.f32 v22, v62;
	v31 =	vmul.f32 $1.871761230e-01, v30  }
0x251: {  	v45 =	vld.idx.msk [tilespmem:v0+s16+$0x0], $0xffff;
	v61 =	vadd.f32 v57, v55;
	v9 =	vmul.f32 v9, v10;
	v10 =	vmul.f32 v35, v37  }
0x252: {  	v52 =	vld [tilespmem:$0x1FF50];
	v35 =	vmul.f32 $4.221197130e+00, v30;
	v4 =	vmul.f32 v38, v4;
	v33 =	vadd.f32 $-8.650234930e-01, v31  }
0x253: {  	v49 =	vld.idx.msk [tilespmem:v0+s15+$0x0], $0xffff;
	v43 =	vand.u32 $0x7FFFFF, v9;
	v10 =	vmul.f32 v61, v10;
	v9 =	vshra.s32 v9, $0x17  }
0x254: {  	v46 =	vor.u32 $0x3F800000, v43;
	v9 =	vcvt.s32.f32 v9;
	v51 =	vmul.f32 v36, v14  }
0x255: {  	v8 =	vadd.f32 v18, v8;
	v48 =	vmul.f32 v46, v46;
	v21 =	vmul.f32 $1.871761230e-01, v46  }
0x256: {  	v16 =	vmul.f32 v45, v6;
	v59 =	vmul.f32 $2.252362730e+00, v46;
	v19 =	vadd.f32 v51, v39  }
0x257: {  	v10 =	vmul.f32 v63, v10;
	v21 =	vadd.f32 $-8.650234930e-01, v21;
	v54 =	vmul.f32 $1.741411720e-02, v48  }
0x258: {  	v17 =	vmul.f32 $4.221197130e+00, v46;
	v22 =	vadd.f32 v16, v49;
	v23 =	vadd.f32 v19, v51  }
0x259: {  	v62 =	vadd.f32 $-3.674869780e+00, v59;
	v36 =	vand.u32 $0x7FFFFF, v10;
	v21 =	vsub.f32 v21, v54  }
0x25a: {  	[tilespmem:v52+s20+$0x0] =	vst.idx.msk $0xffff, v40;
	v37 =	vor.u32 $0x3F800000, v36;
	v4 =	vmul.f32 v23, v4;
	v23 =	vmul.f32 v30, v30  }
0x25b: {  	v28 =	vld [tilespmem:$0x1FFB0];
	v16 =	vadd.f32 v22, v16;
	v24 =	vmul.f32 v37, v37;
	v21 =	vmul.f32 v21, v48  }
0x25c: {  	v17 =	vadd.f32 $-9.013311760e+01, v17;
	v38 =	vmul.f32 $1.871761230e-01, v37;
	v34 =	vmul.f32 $1.741411720e-02, v23  }
0x25d: {  	v46 =	vmul.f32 $2.252362730e+00, v37;
	v21 =	vadd.f32 v21, v62;
	v4 =	vmul.f32 v16, v4  }
0x25e: {  	v25 =	vadd.f32 $-8.650234930e-01, v38;
	v43 =	vmul.f32 $1.741411720e-02, v24;
	v16 =	vsub.f32 v33, v34  }
0x25f: {  	v5 =	vmul.f32 v21, v48;
	v21 =	vmul.f32 $2.252362730e+00, v30;
	v39 =	vand.u32 $0x7FFFFF, v4  }
0x260: {  	v49 =	vadd.f32 $-3.674869780e+00, v46;
	v27 =	vor.u32 $0x3F800000, v39;
	v16 =	vmul.f32 v16, v23  }
0x261: {  	v21 =	vadd.f32 $-3.674869780e+00, v21;
	v44 =	vmul.f32 v27, v27;
	v45 =	vmul.f32 $1.871761230e-01, v27  }
0x262: {  	v9 =	vmul.f32 $6.931471820e-01, v9;
	v25 =	vsub.f32 v25, v43;
	v5 =	vadd.f32 v5, v17  }
0x263: {  	[tilespmem:v28+s20+$0x0] =	vst.idx.msk $0xffff, v15;
	v16 =	vadd.f32 v16, v21;
	v47 =	vadd.f32 $-8.650234930e-01, v45;
	v48 =	vmul.f32 $1.741411720e-02, v44  }
0x264: {  	v56 =	vld [tilespmem:$0x1FFA0];
	v25 =	vmul.f32 v25, v24;
	v51 =	vmul.f32 $2.252362730e+00, v27;
	v5 =	vadd.f32 v5, v9  }
0x265: {  	v9 =	vadd.f32 $-9.013311760e+01, v35;
	v16 =	vmul.f32 v16, v23;
	v23 =	vsub.f32 v47, v48  }
0x266: {  	v10 =	vshra.s32 v10, $0x17;
	v17 =	vmul.f32 $4.221197130e+00, v37;
	v25 =	vadd.f32 v25, v49  }
0x267: {  	v9 =	vadd.f32 v16, v9;
	v16 =	vadd.f32 $-3.674869780e+00, v51;
	v23 =	vmul.f32 v23, v44  }
0x268: {  	v10 =	vcvt.s32.f32 v10;
	v53 =	vadd.f32 $-9.013311760e+01, v17;
	v54 =	vmul.f32 v25, v24  }
0x269: {  	v0 =	vld.idx.msk [tilespmem:v0+s13+$0x0], $0xffff;
	v4 =	vshra.s32 v4, $0x17;
	v55 =	vmul.f32 $4.221197130e+00, v27;
	v16 =	vadd.f32 v23, v16  }
0x26a: {  	v10 =	vmul.f32 $6.931471820e-01, v10;
	v4 =	vcvt.s32.f32 v4;
	v57 =	vadd.f32 v54, v53  }
0x26b: {  	v58 =	vld.idx.msk [tilespmem:v20+s13+$0x0], $0xffff;
	v9 =	vadd.f32 v9, v13;
	v13 =	vadd.f32 $-9.013311760e+01, v55;
	v59 =	vmul.f32 v16, v44  }
0x26c: {  	v6 =	vmul.f32 v22, v6;
	[tilespmem:v56+s20+$0x0] =	vst.idx.msk $0xffff, v7;
	v7 =	vadd.f32 v57, v10  }
0x26d: {  	s6 =	sadd.s32 $0x1, s6;
	[tilespmem:v26+s20+$0x0] =	vst.idx.msk $0xffff, v3;
	v4 =	vmul.f32 $6.931471820e-01, v4;
	v5 =	vadd.f32 v9, v5;
	v60 =	vadd.f32 v59, v13  }
0x26e: {  	p0 =	sne.s32 s6, $0x8;
	[tilespmem:v32+s20+$0x0] =	vst.idx.msk $0xffff, v11;
	v61 =	vmul.f32 v19, v14;
	v0 =	vadd.f32 v6, v0  }
.Ltmp1:
0x26f: {  	[tilespmem:v50+s20+$0x0] =	vst.idx.msk $0xffff, v8;
	v5 =	vadd.f32 v7, v5;
	v4 =	vadd.f32 v60, v4;
	(pc) =	sbr.rel @p0 .LBB2_3-.Ltmp1, $4  }
0x270: {  	[tilespmem:v42+s20+$0x0] =	vst.idx.msk $0xffff, v1;
	v62 =	vadd.f32 v61, v58  }
0x271: {  	[tilespmem:v2+s20+$0x0] =	vst.idx.msk $0xffff, v0;
	v63 =	vadd.f32 v4, v5  }
0x272: {  	[tilespmem:v41+s20+$0x0] =	vst.idx.msk $0xffff, v62  }
0x273: {  	[tilespmem:s7+$0x10000] =	vst v63  }
0x274: {  	s2 =	sshll.u32 s0, $0x4  }
0x275: {  	s25 =	sshrl.u32 s0, $0x3;
	s2 =	sadd.s32 s9, s2  }
0x276: {  	[hbm4b:s2+s4] =	stream.linear.scatter [tilespmem:s20], [sflag:$0x3], $0x4000, $0x38;
	[tilespmem:$0x13680] =	vst v63  }
0x277: {  	s26 =	simm.s32 $0x10000;
	s0 =	sadd.s32 s3, s25  }
0x278: {  	[hbm4b:s0+s4] =	stream.linear.scatter [tilespmem:s26], [sflag:$0x5], $0x80, $0x38;
	[tilespmem:$0x13680] =	vst v63  }
0x279: {  	p0 =	seq.s32 s31, $0x1F;
	_ =	swait.ge [sflag:s22], $0x4000  }
0x27a: {  	p1 =	seq.s32 @!p0 s31, $0x0;
	s0 =	sshll.u32 @!p0 s31, $0xC;
	[sflag:s22] =	ssyncset.done $0x0  }
0x27b: {  	s2 =	simm.s32 @!p0 $0x0;
	s0 =	sadd.s32 @!p0 s0, s11;
	[sflag:s22] =	ssyncadd.s32 $0xFFFFC000  }
0x27c: {  	[tilespmem:s2], [sflag:$0x1] =	stream.linear.gather @!p0 [hbm4b:s0+s2], $0x4000, $0x38;
	[tilespmem:$0x13680] =	vst v63  }
0x27d: {  	p0 =	por p0, !p1  }
0x27e: {  	_ =	swait.ge @p0 [sflag:s28], $0x4000  }
0x27f: {  	[sflag:s28] =	ssyncset.done @p0 $0x0  }
0x280: {  	[sflag:s28] =	ssyncadd.s32 @p0 $0xFFFFC000  }
0x281: {  	_ =	swait.ge @p0 [sflag:s29], $0x80  }
0x282: {  	s30 =	sshll.u32 s1, $0x7;
	s1 =	simm.s32 $0x0;
	[sflag:s29] =	ssyncset.done @p0 $0x0  }
0x283: {  	s0 =	sadd.s32 s5, s30;
	s2 =	simm.s32 $0x0;
	[sflag:s29] =	ssyncadd.s32 @p0 $0xFFFFFF80  }
.LBB2_7:
0x284: {  	v2 =	vld [tilespmem:$0x1FFF0]  }
0x285: {  	s6 =	sshll.u32 s2, $0x4  }
0x286: {  	s7 =	sor.u32 $0x80, s6  }
0x287: {  	v11 =	vlaneseq.u32;
	v0 =	vmov s7  }
0x288: {  	v1 =	vadd.s32 s1, v11;
	v0 =	vshll.u32 v0, $0x7  }
0x289: {  	s26 =	simm.s32 $0x4;
	v2 =	vor.u32 v2, v0;
	v0 =	vand.u32 $0x3F, v1  }
0x28a: {  	v1 =	vadd.s32 s26, v11;
	v3 =	vor.u32 v2, v0  }
0x28b: {  	v1 =	vand.u32 $0x3F, v1  }
0x28c: {  	v6 =	vor.u32 v2, v1;
	_ =	sdelay $0x2  }
0x28d: {  	v7 =	vld.idx.msk [tilespmem:v3+s4+$0x0], $0xffff;
	_ =	sdelay $0x1  }
0x28e: {  	v8 =	vld.idx.msk [tilespmem:v6+s4+$0x0], $0xffff;
	_ =	sdelay $0x2  }
0x28f: {  	v4 =	vand.u32 $0x7FFFFFFF, v7  }
0x290: {  	v4 =	vmul.f32 $6.816437720e+00, v4  }
0x291: {  	v5 =	vand.u32 $0x7FFFFFFF, v8  }
0x292: {  	v5 =	vmul.f32 $6.816437720e+00, v5;
	v4 =	vadd.f32 $1.000000000e+00, v4;
	_ =	sdelay $0x1  }
0x293: {  	v5 =	vadd.f32 $1.000000000e+00, v5;
	v9 =	vshrl.u32 v4, $0xD  }
0x294: {  	v9 =	vand.u32 $0x3FF, v9  }
0x295: {  	v10 =	vshrl.u32 v5, $0xD  }
0x296: {  	v10 =	vand.u32 $0x3FF, v10;
	_ =	sdelay $0x2  }
0x297: {  	v4 =	vshra.s32 v4, $0x17;
	v9 =	vld.idx.msk [tilespmem:v9+s17+$0x0], $0xffff  }
0x298: {  	v4 =	vcvt.s32.f32 v4  }
0x299: {  	v5 =	vshra.s32 v5, $0x17;
	v10 =	vld.idx.msk [tilespmem:v10+s17+$0x0], $0xffff  }
0x29a: {  	v5 =	vcvt.s32.f32 v5;
	v4 =	vmul.f32 $3.801784040e+00, v4;
	_ =	sdelay $0x1  }
0x29b: {  	v5 =	vmul.f32 $3.801784040e+00, v5;
	v4 =	vadd.f32 v4, v9;
	_ =	sdelay $0x1  }
0x29c: {  	v5 =	vadd.f32 v5, v10;
	v4 =	vtrunc.f32 v4  }
0x29d: {  	v4 =	vcvt.f32.s32 v4  }
0x29e: {  	v5 =	vtrunc.f32 v5  }
0x29f: {  	v5 =	vcvt.f32.s32 v5;
	vm0 =	vgt.s32 v4, $0x0  }
0x2a0: {  	v4 =	vnsel vm0, $0x0, v4  }
0x2a1: {  	v9 =	vshra.s32 v7, $0x1F;
	vm15 =	vgt.s32 v5, $0x0;
	v4 =	vmin.u32 v4, $0x20  }
0x2a2: {  	v5 =	vnsel vm15, $0x0, v5;
	v4 =	vxor.u32 v9, v4  }
0x2a3: {  	v5 =	vmin.u32 v5, $0x20;
	v9 =	vshra.s32 v8, $0x1F;
	v4 =	vshll.u32 v4, $0x6  }
0x2a4: {  	v5 =	vxor.u32 v9, v5;
	v0 =	vor.u32 v0, v4  }
0x2a5: {  	v49 =	vshll.u32 v5, $0x6;
	v0 =	vadd.s32 $0x840, v0  }
0x2a6: {  	v1 =	vor.u32 v1, v49  }
0x2a7: {  	v1 =	vadd.s32 $0x840, v1;
	_ =	sdelay $0x2  }
0x2a8: {  	v50 =	vld.idx.msk [tilespmem:v0+s16+$0x0], $0xffff  }
0x2a9: {  	v10 =	vld.idx.msk [tilespmem:v0+s15+$0x0], $0xffff  }
0x2aa: {  	v9 =	vld.idx.msk [tilespmem:v1+s16+$0x0], $0xffff;
	_ =	sdelay $0x1  }
0x2ab: {  	v12 =	vld.idx.msk [tilespmem:v1+s15+$0x0], $0xffff  }
0x2ac: {  	v5 =	vmul.f32 v50, v7  }
0x2ad: {  	s30 =	simm.s32 $0x1;
	v0 =	vld.idx.msk [tilespmem:v0+s13+$0x0], $0xffff  }
0x2ae: {  	s8 =	simm.s32 $0x5;
	v4 =	vmul.f32 v9, v8;
	v9 =	vadd.s32 s30, v11;
	v61 =	vadd.f32 v5, v10  }
0x2af: {  	v13 =	vadd.s32 s8, v11;
	v1 =	vld.idx.msk [tilespmem:v1+s13+$0x0], $0xffff;
	v9 =	vand.u32 $0x3F, v9  }
0x2b0: {  	v10 =	vadd.f32 v4, v12;
	v18 =	vor.u32 v2, v9;
	v7 =	vmul.f32 v61, v7  }
0x2b1: {  	v12 =	vand.u32 $0x3F, v13  }
0x2b2: {  	v19 =	vor.u32 v2, v12;
	v8 =	vmul.f32 v10, v8;
	v0 =	vadd.f32 v7, v0;
	_ =	sdelay $0x1  }
0x2b3: {  	v1 =	vadd.f32 v8, v1;
	[tilespmem:v3+s20+$0x0] =	vst.idx.msk $0xffff, v0  }
0x2b4: {  	v0 =	vld.idx.msk [tilespmem:v18+s4+$0x0], $0xffff  }
0x2b5: {  	[tilespmem:v6+s20+$0x0] =	vst.idx.msk $0xffff, v1  }
0x2b6: {  	v6 =	vld.idx.msk [tilespmem:v19+s4+$0x0], $0xffff  }
0x2b7: {  	s12 =	simm.s32 $0x8  }
0x2b8: {  	s14 =	simm.s32 $0xC;
	v1 =	vadd.s32 s12, v11  }
0x2b9: {  	v8 =	vadd.s32 s14, v11;
	v1 =	vand.u32 $0x3F, v1;
	v51 =	vand.u32 $0x7FFFFFFF, v0  }
0x2ba: {  	v8 =	vand.u32 $0x3F, v8;
	v3 =	vor.u32 v2, v1;
	v7 =	vmul.f32 $6.816437720e+00, v51  }
0x2bb: {  	v16 =	vor.u32 v2, v8;
	v13 =	vand.u32 $0x7FFFFFFF, v6  }
0x2bc: {  	v13 =	vmul.f32 $6.816437720e+00, v13;
	v7 =	vadd.f32 $1.000000000e+00, v7;
	_ =	sdelay $0x1  }
0x2bd: {  	v13 =	vadd.f32 $1.000000000e+00, v13;
	v14 =	vshrl.u32 v7, $0xD  }
0x2be: {  	v17 =	vld.idx.msk [tilespmem:v3+s4+$0x0], $0xffff;
	v14 =	vand.u32 $0x3FF, v14  }
0x2bf: {  	v25 =	vld.idx.msk [tilespmem:v16+s4+$0x0], $0xffff;
	v15 =	vshrl.u32 v13, $0xD  }
0x2c0: {  	v15 =	vand.u32 $0x3FF, v15;
	_ =	sdelay $0x2  }
0x2c1: {  	v7 =	vshra.s32 v7, $0x17;
	v20 =	vand.u32 $0x7FFFFFFF, v17;
	v14 =	vld.idx.msk [tilespmem:v14+s17+$0x0], $0xffff  }
0x2c2: {  	v21 =	vand.u32 $0x7FFFFFFF, v25;
	v7 =	vcvt.s32.f32 v7;
	v20 =	vmul.f32 $6.816437720e+00, v20  }
0x2c3: {  	v13 =	vshra.s32 v13, $0x17;
	v21 =	vmul.f32 $6.816437720e+00, v21;
	v15 =	vld.idx.msk [tilespmem:v15+s17+$0x0], $0xffff  }
0x2c4: {  	v13 =	vcvt.s32.f32 v13;
	v7 =	vmul.f32 $3.801784040e+00, v7;
	v20 =	vadd.f32 $1.000000000e+00, v20  }
0x2c5: {  	v21 =	vadd.f32 $1.000000000e+00, v21  }
0x2c6: {  	v13 =	vmul.f32 $3.801784040e+00, v13;
	v22 =	vshrl.u32 v20, $0xD;
	v7 =	vadd.f32 v7, v14  }
0x2c7: {  	v14 =	vand.u32 $0x3FF, v22  }
0x2c8: {  	v13 =	vadd.f32 v13, v15;
	v15 =	vshrl.u32 v21, $0xD;
	v7 =	vtrunc.f32 v7  }
0x2c9: {  	v15 =	vand.u32 $0x3FF, v15;
	v7 =	vcvt.f32.s32 v7  }
0x2ca: {  	v23 =	vshra.s32 v6, $0x1F;
	v13 =	vtrunc.f32 v13  }
0x2cb: {  	v20 =	vshra.s32 v20, $0x17;
	v13 =	vcvt.f32.s32 v13;
	vm4 =	vgt.s32 v7, $0x0  }
0x2cc: {  	v20 =	vcvt.s32.f32 v20;
	v22 =	vshra.s32 v0, $0x1F;
	v14 =	vld.idx.msk [tilespmem:v14+s17+$0x0], $0xffff;
	v7 =	vnsel vm4, $0x0, v7  }
0x2cd: {  	v21 =	vshra.s32 v21, $0x17;
	vm5 =	vgt.s32 v13, $0x0;
	v7 =	vmin.u32 v7, $0x20  }
0x2ce: {  	v21 =	vcvt.s32.f32 v21;
	v13 =	vnsel vm5, $0x0, v13;
	v15 =	vld.idx.msk [tilespmem:v15+s17+$0x0], $0xffff;
	v7 =	vxor.u32 v22, v7  }
0x2cf: {  	v20 =	vmul.f32 $3.801784040e+00, v20;
	v13 =	vmin.u32 v13, $0x20;
	v7 =	vshll.u32 v7, $0x6  }
0x2d0: {  	v21 =	vmul.f32 $3.801784040e+00, v21;
	v13 =	vxor.u32 v23, v13;
	v7 =	vor.u32 v9, v7  }
0x2d1: {  	v9 =	vshll.u32 v13, $0x6;
	v13 =	vadd.f32 v20, v14;
	v7 =	vadd.s32 $0x840, v7  }
0x2d2: {  	v9 =	vor.u32 v12, v9  }
0x2d3: {  	v9 =	vadd.s32 $0x840, v9;
	v12 =	vadd.f32 v21, v15;
	v13 =	vtrunc.f32 v13  }
0x2d4: {  	v13 =	vcvt.f32.s32 v13  }
0x2d5: {  	v12 =	vtrunc.f32 v12  }
0x2d6: {  	v12 =	vcvt.f32.s32 v12;
	vm6 =	vgt.s32 v13, $0x0;
	v14 =	vld.idx.msk [tilespmem:v7+s16+$0x0], $0xffff  }
0x2d7: {  	v13 =	vnsel vm6, $0x0, v13;
	v21 =	vld.idx.msk [tilespmem:v7+s15+$0x0], $0xffff  }
0x2d8: {  	v20 =	vshra.s32 v17, $0x1F;
	v15 =	vld.idx.msk [tilespmem:v9+s16+$0x0], $0xffff;
	vm7 =	vgt.s32 v12, $0x0;
	v13 =	vmin.u32 v13, $0x20  }
0x2d9: {  	v12 =	vnsel vm7, $0x0, v12;
	v13 =	vxor.u32 v20, v13  }
0x2da: {  	v22 =	vld.idx.msk [tilespmem:v9+s15+$0x0], $0xffff;
	v20 =	vshra.s32 v25, $0x1F;
	v12 =	vmin.u32 v12, $0x20;
	v13 =	vshll.u32 v13, $0x6  }
0x2db: {  	s19 =	simm.s32 $0x2;
	v20 =	vxor.u32 v20, v12;
	v1 =	vor.u32 v1, v13;
	v12 =	vmul.f32 v14, v0  }
0x2dc: {  	v23 =	vadd.s32 s19, v11;
	v7 =	vld.idx.msk [tilespmem:v7+s13+$0x0], $0xffff;
	v13 =	vshll.u32 v20, $0x6;
	v26 =	vadd.s32 $0x840, v1  }
0x2dd: {  	s21 =	simm.s32 $0x6;
	v1 =	vor.u32 v8, v13;
	v13 =	vmul.f32 v15, v6;
	v14 =	vadd.f32 v12, v21  }
0x2de: {  	v29 =	vand.u32 $0x3F, v23;
	v9 =	vld.idx.msk [tilespmem:v9+s13+$0x0], $0xffff;
	v8 =	vadd.s32 s21, v11;
	v28 =	vadd.s32 $0x840, v1  }
0x2df: {  	v1 =	vor.u32 v2, v29;
	v15 =	vadd.f32 v13, v22;
	v0 =	vmul.f32 v14, v0  }
0x2e0: {  	v30 =	vand.u32 $0x3F, v8  }
0x2e1: {  	v8 =	vor.u32 v2, v30;
	v6 =	vmul.f32 v15, v6;
	v0 =	vadd.f32 v0, v7  }
0x2e2: {  	v52 =	vld.idx.msk [tilespmem:v26+s16+$0x0], $0xffff  }
0x2e3: {  	v53 =	vld.idx.msk [tilespmem:v26+s15+$0x0], $0xffff;
	[tilespmem:v18+s20+$0x0] =	vst.idx.msk $0xffff, v0;
	v0 =	vadd.f32 v6, v9  }
0x2e4: {  	v18 =	vld.idx.msk [tilespmem:v1+s4+$0x0], $0xffff  }
0x2e5: {  	s25 =	simm.s32 $0x10;
	v21 =	vld.idx.msk [tilespmem:v28+s16+$0x0], $0xffff;
	[tilespmem:v19+s20+$0x0] =	vst.idx.msk $0xffff, v0  }
0x2e6: {  	s12 =	simm.s32 $0xD;
	v0 =	vadd.s32 s25, v11;
	v24 =	vld.idx.msk [tilespmem:v8+s4+$0x0], $0xffff  }
0x2e7: {  	s26 =	simm.s32 $0x14;
	v23 =	vadd.s32 s12, v11;
	v9 =	vand.u32 $0x3F, v0;
	v0 =	vld.idx.msk [tilespmem:v28+s15+$0x0], $0xffff  }
0x2e8: {  	v31 =	vadd.s32 s26, v11;
	s30 =	simm.s32 $0x9;
	v27 =	vand.u32 $0x3F, v23  }
0x2e9: {  	v22 =	vadd.s32 s30, v11;
	v20 =	vmul.f32 v52, v17;
	v54 =	vand.u32 $0x7FFFFFFF, v18  }
0x2ea: {  	v33 =	vand.u32 $0x3F, v22;
	v32 =	vld.idx.msk [tilespmem:v26+s13+$0x0], $0xffff;
	v21 =	vmul.f32 v21, v25;
	v7 =	vmul.f32 $6.816437720e+00, v54  }
0x2eb: {  	v26 =	vand.u32 $0x3F, v31;
	v28 =	vld.idx.msk [tilespmem:v28+s13+$0x0], $0xffff;
	v19 =	vor.u32 v2, v9;
	v22 =	vadd.f32 v20, v53  }
0x2ec: {  	v55 =	vand.u32 $0x7FFFFFFF, v24;
	v23 =	vadd.f32 v21, v0;
	v34 =	vadd.f32 $1.000000000e+00, v7  }
0x2ed: {  	v17 =	vmul.f32 v22, v17;
	v0 =	vmul.f32 $6.816437720e+00, v55;
	v7 =	vor.u32 v2, v33  }
0x2ee: {  	v6 =	vor.u32 v2, v27;
	v35 =	vmul.f32 v23, v25;
	v25 =	vshrl.u32 v34, $0xD  }
0x2ef: {  	v17 =	vadd.f32 v17, v32;
	v0 =	vadd.f32 $1.000000000e+00, v0;
	v31 =	vand.u32 $0x3FF, v25  }
0x2f0: {  	v56 =	vadd.f32 v35, v28  }
0x2f1: {  	[tilespmem:v3+s20+$0x0] =	vst.idx.msk $0xffff, v17;
	v28 =	vld.idx.msk [tilespmem:v19+s4+$0x0], $0xffff;
	v57 =	vshrl.u32 v0, $0xD  }
0x2f2: {  	v3 =	vand.u32 $0x3FF, v57;
	v37 =	vld.idx.msk [tilespmem:v7+s4+$0x0], $0xffff;
	[tilespmem:v16+s20+$0x0] =	vst.idx.msk $0xffff, v56  }
0x2f3: {  	s26 =	simm.s32 $0xF;
	v36 =	vld.idx.msk [tilespmem:v6+s4+$0x0], $0xffff  }
0x2f4: {  	v50 =	vadd.s32 s26, v11;
	s14 =	simm.s32 $0x7;
	v17 =	vshra.s32 v34, $0x17;
	v25 =	vor.u32 v2, v26;
	v16 =	vld.idx.msk [tilespmem:v31+s17+$0x0], $0xffff  }
0x2f5: {  	v5 =	vadd.f32 v61, v5;
	v58 =	vadd.s32 s14, v11;
	v17 =	vcvt.s32.f32 v17  }
0x2f6: {  	v48 =	vand.u32 $0x3F, v58;
	v41 =	vshra.s32 v18, $0x1F;
	v62 =	vshra.s32 v24, $0x1F  }
0x2f7: {  	v0 =	vshra.s32 v0, $0x17;
	v17 =	vmul.f32 $3.801784040e+00, v17;
	v3 =	vld.idx.msk [tilespmem:v3+s17+$0x0], $0xffff;
	v59 =	vand.u32 $0x7FFFFFFF, v37  }
0x2f8: {  	v0 =	vcvt.s32.f32 v0;
	v34 =	vmul.f32 $6.816437720e+00, v59;
	v39 =	vand.u32 $0x7FFFFFFF, v36  }
0x2f9: {  	v35 =	vld.idx.msk [tilespmem:v25+s4+$0x0], $0xffff;
	v38 =	vand.u32 $0x7FFFFFFF, v28;
	v39 =	vmul.f32 $6.816437720e+00, v39;
	v16 =	vadd.f32 v17, v16  }
0x2fa: {  	s12 =	simm.s32 $0x3;
	v0 =	vmul.f32 $3.801784040e+00, v0;
	v17 =	vmul.f32 $6.816437720e+00, v38;
	v34 =	vadd.f32 $1.000000000e+00, v34  }
0x2fb: {  	v31 =	vadd.s32 s12, v11;
	v39 =	vadd.f32 $1.000000000e+00, v39;
	v16 =	vtrunc.f32 v16  }
0x2fc: {  	v0 =	vadd.f32 v0, v3;
	v3 =	vadd.f32 $1.000000000e+00, v17;
	v17 =	vshrl.u32 v34, $0xD  }
0x2fd: {  	v46 =	vand.u32 $0x3F, v31;
	v16 =	vcvt.f32.s32 v16;
	v17 =	vand.u32 $0x3FF, v17  }
0x2fe: {  	v60 =	vand.u32 $0x7FFFFFFF, v35;
	v40 =	vshrl.u32 v39, $0xD;
	v0 =	vtrunc.f32 v0  }
0x2ff: {  	v40 =	vand.u32 $0x3FF, v40;
	vm8 =	vgt.s32 v16, $0x0;
	v0 =	vcvt.f32.s32 v0  }
0x300: {  	v38 =	vmul.f32 $6.816437720e+00, v60;
	v34 =	vshra.s32 v34, $0x17;
	v16 =	vnsel vm8, $0x0, v16  }
0x301: {  	v34 =	vcvt.s32.f32 v34;
	vm9 =	vgt.s32 v0, $0x0;
	v16 =	vmin.u32 v16, $0x20  }
0x302: {  	v39 =	vshra.s32 v39, $0x17;
	v0 =	vnsel vm9, $0x0, v0;
	v16 =	vxor.u32 v41, v16;
	v17 =	vld.idx.msk [tilespmem:v17+s17+$0x0], $0xffff  }
0x303: {  	v34 =	vmul.f32 $3.801784040e+00, v34;
	v0 =	vmin.u32 v0, $0x20;
	v16 =	vshll.u32 v16, $0x6  }
0x304: {  	v40 =	vld.idx.msk [tilespmem:v40+s17+$0x0], $0xffff;
	v16 =	vor.u32 v29, v16;
	v0 =	vxor.u32 v62, v0;
	v29 =	vcvt.s32.f32 v39  }
0x305: {  	v63 =	vadd.s32 $0x840, v16;
	v0 =	vshll.u32 v0, $0x6;
	v16 =	vadd.f32 $1.000000000e+00, v38  }
0x306: {  	v0 =	vor.u32 v30, v0;
	v30 =	vshrl.u32 v3, $0xD;
	v29 =	vmul.f32 $3.801784040e+00, v29  }
0x307: {  	v3 =	vshra.s32 v3, $0x17;
	v0 =	vadd.s32 $0x840, v0;
	v17 =	vadd.f32 v34, v17  }
0x308: {  	v30 =	vand.u32 $0x3FF, v30;
	v31 =	vshrl.u32 v16, $0xD;
	v45 =	vcvt.s32.f32 v3  }
0x309: {  	v29 =	vadd.f32 v29, v40;
	v31 =	vand.u32 $0x3FF, v31;
	v3 =	vtrunc.f32 v17  }
0x30a: {  	v14 =	vadd.f32 v14, v12;
	v12 =	vadd.f32 v15, v13;
	v17 =	vld.idx.msk [tilespmem:v63+s16+$0x0], $0xffff;
	v47 =	vcvt.f32.s32 v3  }
0x30b: {  	v20 =	vadd.f32 v22, v20;
	v53 =	vshra.s32 v37, $0x1F;
	v3 =	vtrunc.f32 v29;
	v29 =	vld.idx.msk [tilespmem:v63+s15+$0x0], $0xffff  }
0x30c: {  	v16 =	vshra.s32 v16, $0x17;
	v51 =	vcvt.f32.s32 v3;
	v52 =	vld.idx.msk [tilespmem:v0+s16+$0x0], $0xffff;
	vm10 =	vgt.s32 v47, $0x0  }
0x30d: {  	v43 =	vshra.s32 v36, $0x1F;
	v16 =	vcvt.s32.f32 v16;
	v30 =	vld.idx.msk [tilespmem:v30+s17+$0x0], $0xffff;
	v38 =	vnsel vm10, $0x0, v47  }
0x30e: {  	v34 =	vmul.f32 $3.801784040e+00, v45;
	vm11 =	vgt.s32 v51, $0x0;
	v31 =	vld.idx.msk [tilespmem:v31+s17+$0x0], $0xffff;
	v38 =	vmin.u32 v38, $0x20  }
0x30f: {  	v54 =	vmul.f32 $3.801784040e+00, v16;
	v42 =	vld.idx.msk [tilespmem:v0+s15+$0x0], $0xffff;
	v32 =	vnsel vm11, $0x0, v51;
	v38 =	vxor.u32 v53, v38  }
0x310: {  	v32 =	vmin.u32 v32, $0x20;
	v44 =	vmul.f32 v17, v18;
	v17 =	vshll.u32 v38, $0x6  }
0x311: {  	v55 =	vld.idx.msk [tilespmem:v63+s13+$0x0], $0xffff;
	v32 =	vxor.u32 v43, v32;
	v16 =	vmul.f32 v52, v24;
	v17 =	vor.u32 v33, v17  }
0x312: {  	v45 =	vadd.f32 v44, v29;
	v29 =	vadd.f32 v34, v30;
	v32 =	vshll.u32 v32, $0x6  }
0x313: {  	v0 =	vld.idx.msk [tilespmem:v0+s13+$0x0], $0xffff;
	v30 =	vadd.s32 $0x840, v17;
	v31 =	vadd.f32 v54, v31;
	v27 =	vor.u32 v27, v32  }
0x314: {  	v17 =	vadd.f32 v16, v42;
	v18 =	vmul.f32 v45, v18;
	v29 =	vtrunc.f32 v29  }
0x315: {  	v3 =	vor.u32 v2, v46;
	v57 =	vadd.s32 $0x840, v27;
	v27 =	vcvt.f32.s32 v29  }
0x316: {  	v29 =	vtrunc.f32 v31;
	v56 =	vmul.f32 v17, v24;
	v18 =	vadd.f32 v18, v55  }
0x317: {  	v21 =	vadd.f32 v23, v21;
	v24 =	vor.u32 v2, v48;
	v29 =	vcvt.f32.s32 v29  }
0x318: {  	s7 =	simm.s32 $0x18;
	v39 =	vimm.f32 $1.000000000e+00;
	vm12 =	vgt.s32 v27, $0x0;
	v0 =	vadd.f32 v56, v0;
	[tilespmem:v1+s20+$0x0] =	vst.idx.msk $0xffff, v18  }
0x319: {  	v58 =	vld.idx.msk [tilespmem:v30+s16+$0x0], $0xffff;
	v1 =	vadd.s32 s7, v11;
	v18 =	vnsel vm12, $0x0, v27;
	vm13 =	vgt.s32 v29, $0x0;
	[tilespmem:$0x1FE80] =	vst v3  }
0x31a: {  	v27 =	vshra.s32 v28, $0x1F;
	v18 =	vmin.u32 v18, $0x20;
	v29 =	vnsel vm13, $0x0, v29;
	v31 =	vld.idx.msk [tilespmem:v3+s4+$0x0], $0xffff  }
0x31b: {  	s21 =	simm.s32 $0xE;
	v59 =	vld.idx.msk [tilespmem:v57+s16+$0x0], $0xffff;
	[tilespmem:v8+s20+$0x0] =	vst.idx.msk $0xffff, v0;
	v0 =	vxor.u32 v27, v18;
	v8 =	vmin.u32 v29, $0x20;
	v27 =	vshra.s32 v35, $0x1F  }
0x31c: {  	s25 =	simm.s32 $0xB;
	v62 =	vadd.s32 s21, v11;
	v18 =	vand.u32 $0x3F, v1;
	v33 =	vld.idx.msk [tilespmem:v24+s4+$0x0], $0xffff;
	v1 =	vxor.u32 v27, v8  }
0x31d: {  	v53 =	vadd.s32 s25, v11;
	v0 =	vshll.u32 v0, $0x6;
	v8 =	vld.idx.msk [tilespmem:v30+s15+$0x0], $0xffff;
	v1 =	vshll.u32 v1, $0x6  }
0x31e: {  	s19 =	simm.s32 $0xA;
	v32 =	vor.u32 v2, v18;
	v0 =	vor.u32 v9, v0;
	v9 =	vld.idx.msk [tilespmem:v57+s15+$0x0], $0xffff;
	v1 =	vor.u32 v26, v1  }
0x31f: {  	v0 =	vadd.s32 $0x840, v0;
	v47 =	vadd.s32 $0x840, v1;
	v1 =	vadd.s32 s19, v11  }
0x320: {  	v26 =	vmul.f32 v58, v37;
	v27 =	vand.u32 $0x7FFFFFFF, v31;
	v52 =	vand.u32 $0x3F, v1  }
0x321: {  	v60 =	vld.idx.msk [tilespmem:v30+s13+$0x0], $0xffff;
	v30 =	vmul.f32 $6.816437720e+00, v27;
	v27 =	vmul.f32 v59, v36;
	v1 =	vand.u32 $0x7FFFFFFF, v33  }
0x322: {  	v56 =	vand.u32 $0x3F, v62;
	v38 =	vld.idx.msk [tilespmem:v57+s13+$0x0], $0xffff;
	v29 =	vadd.f32 v26, v8;
	v1 =	vmul.f32 $6.816437720e+00, v1  }
0x323: {  	v42 =	vor.u32 v2, v56;
	v34 =	vld.idx.msk [tilespmem:v32+s4+$0x0], $0xffff;
	v8 =	vadd.f32 $1.000000000e+00, v30;
	v30 =	vadd.f32 v27, v9  }
0x324: {  	s19 =	simm.s32 $0x11;
	v43 =	vor.u32 v2, v52;
	v9 =	vld.idx.msk [tilespmem:v0+s16+$0x0], $0xffff;
	v37 =	vmul.f32 v29, v37;
	v49 =	vadd.f32 $1.000000000e+00, v1  }
0x325: {  	v55 =	vadd.s32 s19, v11;
	v54 =	vld.idx.msk [tilespmem:v47+s16+$0x0], $0xffff;
	v63 =	vshrl.u32 v8, $0xD;
	v1 =	vmul.f32 v30, v36  }
0x326: {  	v57 =	vld.idx.msk [tilespmem:v0+s15+$0x0], $0xffff;
	v60 =	vadd.f32 v37, v60;
	v40 =	vand.u32 $0x3FF, v63;
	v62 =	vshrl.u32 v49, $0xD  }
0x327: {  	v0 =	vld.idx.msk [tilespmem:v0+s13+$0x0], $0xffff;
	v26 =	vadd.f32 v29, v26;
	v59 =	vand.u32 $0x3FF, v62;
	v63 =	vadd.f32 v1, v38  }
0x328: {  	s14 =	simm.s32 $0x1C;
	v55 =	vand.u32 $0x3F, v55;
	v58 =	vld.idx.msk [tilespmem:v47+s15+$0x0], $0xffff;
	v8 =	vshra.s32 v8, $0x17;
	v27 =	vadd.f32 v30, v27;
	[tilespmem:v7+s20+$0x0] =	vst.idx.msk $0xffff, v60  }
0x329: {  	s30 =	simm.s32 $0x15;
	v49 =	vshra.s32 v49, $0x17;
	v1 =	vadd.s32 s14, v11;
	v51 =	vld.idx.msk [tilespmem:v43+s4+$0x0], $0xffff;
	v62 =	vmul.f32 v9, v28;
	[tilespmem:v6+s20+$0x0] =	vst.idx.msk $0xffff, v63  }
0x32a: {  	v60 =	vadd.s32 s30, v11;
	v49 =	vcvt.s32.f32 v49;
	v3 =	vmul.f32 v54, v35;
	v54 =	vld.idx.msk [tilespmem:v42+s4+$0x0], $0xffff  }
0x32b: {  	v41 =	vand.u32 $0x3F, v1;
	v1 =	vand.u32 $0x3F, v60;
	v6 =	vadd.f32 v62, v57;
	v38 =	vld.idx.msk [tilespmem:v40+s17+$0x0], $0xffff  }
0x32c: {  	v63 =	vcvt.s32.f32 v8;
	v37 =	vor.u32 v2, v1;
	v36 =	vor.u32 v2, v41;
	v59 =	vld.idx.msk [tilespmem:v59+s17+$0x0], $0xffff;
	[tilespmem:$0x1FE90] =	vst v62  }
0x32d: {  	v49 =	vmul.f32 $3.801784040e+00, v49;
	v40 =	vor.u32 v2, v55;
	[tilespmem:$0x1FEA0] =	vst v3;
	v28 =	vmul.f32 v6, v28  }
0x32e: {  	v7 =	vmul.f32 $3.801784040e+00, v63;
	v3 =	vadd.f32 v3, v58;
	v47 =	vld.idx.msk [tilespmem:v47+s13+$0x0], $0xffff;
	v60 =	vand.u32 $0x7FFFFFFF, v51  }
0x32f: {  	v58 =	vand.u32 $0x7FFFFFFF, v34;
	v0 =	vadd.f32 v28, v0;
	v28 =	vmul.f32 $6.816437720e+00, v60  }
0x330: {  	[tilespmem:$0x1FEB0] =	vst v6;
	v58 =	vmul.f32 $6.816437720e+00, v58;
	v6 =	vand.u32 $0x7FFFFFFF, v54;
	v38 =	vadd.f32 v7, v38  }
0x331: {  	v35 =	vmul.f32 v3, v35;
	v57 =	vmul.f32 $6.816437720e+00, v6;
	v7 =	vadd.f32 $1.000000000e+00, v28  }
0x332: {  	v15 =	vshra.s32 v51, $0x1F;
	[tilespmem:$0x1FEC0] =	vst v3;
	v49 =	vadd.f32 v49, v59;
	v38 =	vtrunc.f32 v38  }
0x333: {  	[tilespmem:v19+s20+$0x0] =	vst.idx.msk $0xffff, v0;
	v35 =	vadd.f32 v35, v47;
	v0 =	vshrl.u32 v7, $0xD;
	v57 =	vadd.f32 $1.000000000e+00, v57  }
0x334: {  	v6 =	vshra.s32 v7, $0x17;
	v28 =	vcvt.f32.s32 v38;
	v60 =	vtrunc.f32 v49  }
0x335: {  	v47 =	vld.idx.msk [tilespmem:v40+s4+$0x0], $0xffff;
	v0 =	vand.u32 $0x3FF, v0;
	v19 =	vcvt.f32.s32 v60;
	v62 =	vshrl.u32 v57, $0xD  }
0x336: {  	v38 =	vld.idx.msk [tilespmem:v36+s4+$0x0], $0xffff;
	[tilespmem:v25+s20+$0x0] =	vst.idx.msk $0xffff, v35;
	vm14 =	vgt.s32 v28, $0x0;
	v35 =	vand.u32 $0x3FF, v62;
	v62 =	vshra.s32 v57, $0x17  }
0x337: {  	v49 =	vld.idx.msk [tilespmem:v37+s4+$0x0], $0xffff;
	v57 =	vadd.f32 $1.000000000e+00, v58;
	v28 =	vnsel vm14, $0x0, v28;
	vm15 =	vgt.s32 v19, $0x0  }
0x338: {  	v25 =	vmin.u32 v28, $0x20;
	v28 =	vshra.s32 v31, $0x1F;
	v19 =	vnsel vm15, $0x0, v19  }
0x339: {  	v25 =	vxor.u32 v28, v25;
	v19 =	vmin.u32 v19, $0x20;
	v28 =	vshra.s32 v33, $0x1F  }
0x33a: {  	v63 =	vand.u32 $0x7FFFFFFF, v47;
	v25 =	vshll.u32 v25, $0x6;
	v19 =	vxor.u32 v28, v19  }
0x33b: {  	v60 =	vand.u32 $0x7FFFFFFF, v38;
	v0 =	vld.idx.msk [tilespmem:v0+s17+$0x0], $0xffff;
	v25 =	vor.u32 v46, v25;
	v19 =	vshll.u32 v19, $0x6  }
0x33c: {  	v7 =	vand.u32 $0x7FFFFFFF, v49;
	v46 =	vcvt.s32.f32 v6;
	v28 =	vadd.s32 $0x840, v25  }
0x33d: {  	v59 =	vld.idx.msk [tilespmem:v35+s17+$0x0], $0xffff;
	v25 =	vmul.f32 $6.816437720e+00, v63;
	v19 =	vor.u32 v48, v19;
	v48 =	vcvt.s32.f32 v62  }
0x33e: {  	v35 =	vadd.s32 $0x840, v19;
	v19 =	vmul.f32 $6.816437720e+00, v7;
	v46 =	vmul.f32 $3.801784040e+00, v46  }
0x33f: {  	v58 =	vmul.f32 $6.816437720e+00, v60;
	v6 =	vadd.f32 v10, v4;
	v25 =	vadd.f32 $1.000000000e+00, v25  }
0x340: {  	v19 =	vadd.f32 $1.000000000e+00, v19;
	v0 =	vadd.f32 v46, v0;
	v46 =	vmul.f32 $3.801784040e+00, v48  }
0x341: {  	v7 =	vshra.s32 v57, $0x17;
	v60 =	vshra.s32 v25, $0x17;
	v25 =	vshrl.u32 v25, $0xD  }
0x342: {  	v0 =	vtrunc.f32 v0;
	v63 =	vadd.f32 v46, v59;
	v10 =	vshrl.u32 v19, $0xD  }
0x343: {  	v48 =	vld.idx.msk [tilespmem:v28+s16+$0x0], $0xffff;
	v19 =	vshra.s32 v19, $0x17;
	v46 =	vadd.f32 $1.000000000e+00, v58;
	v58 =	vmul.f32 v5, v39  }
0x344: {  	v25 =	vand.u32 $0x3FF, v25;
	v0 =	vcvt.f32.s32 v0;
	v19 =	vcvt.s32.f32 v19  }
0x345: {  	v59 =	vand.u32 $0x3FF, v10;
	v4 =	vtrunc.f32 v63;
	v58 =	vmul.f32 v6, v58  }
0x346: {  	v60 =	vcvt.s32.f32 v60;
	vm4 =	vgt.s32 v0, $0x0;
	v4 =	vcvt.f32.s32 v4  }
0x347: {  	v61 =	vld.idx.msk [tilespmem:v28+s15+$0x0], $0xffff;
	v19 =	vmul.f32 $3.801784040e+00, v19;
	v0 =	vnsel vm4, $0x0, v0;
	v20 =	vmul.f32 v20, v58  }
0x348: {  	v62 =	vld.idx.msk [tilespmem:v35+s16+$0x0], $0xffff;
	v13 =	vmul.f32 v48, v31;
	vm5 =	vgt.s32 v4, $0x0;
	v0 =	vmin.u32 v0, $0x20  }
0x349: {  	v48 =	vshra.s32 v54, $0x1F;
	v0 =	vxor.u32 v15, v0;
	v15 =	vld.idx.msk [tilespmem:v25+s17+$0x0], $0xffff;
	v4 =	vnsel vm5, $0x0, v4  }
0x34a: {  	v25 =	vadd.f32 v45, v44;
	v63 =	vld.idx.msk [tilespmem:v59+s17+$0x0], $0xffff;
	v59 =	vmul.f32 $3.801784040e+00, v60;
	v0 =	vshll.u32 v0, $0x6  }
0x34b: {  	v60 =	vshrl.u32 v57, $0xD;
	v4 =	vmin.u32 v4, $0x20;
	v0 =	vor.u32 v52, v0  }
0x34c: {  	v10 =	vadd.f32 v13, v61;
	v4 =	vxor.u32 v48, v4;
	v0 =	vadd.s32 $0x840, v0  }
0x34d: {  	v61 =	vmul.f32 v62, v33;
	v62 =	vand.u32 $0x3FF, v60;
	v4 =	vshll.u32 v4, $0x6  }
0x34e: {  	v44 =	vand.u32 $0x3F, v53;
	v53 =	vshra.s32 v47, $0x1F;
	v4 =	vor.u32 v56, v4  }
0x34f: {  	v21 =	vmul.f32 v21, v20;
	v52 =	vld.idx.msk [tilespmem:v35+s15+$0x0], $0xffff;
	v15 =	vadd.f32 v59, v15;
	v56 =	vadd.s32 $0x840, v4  }
0x350: {  	v3 =	vor.u32 v2, v44;
	v13 =	vadd.f32 v10, v13;
	v19 =	vadd.f32 v19, v63  }
0x351: {  	v63 =	vshrl.u32 v46, $0xD;
	v4 =	vshra.s32 v49, $0x1F;
	v15 =	vtrunc.f32 v15;
	v48 =	vld.idx.msk [tilespmem:v0+s16+$0x0], $0xffff  }
0x352: {  	v5 =	vand.u32 $0x3FF, v63;
	v60 =	vld.idx.msk [tilespmem:v62+s17+$0x0], $0xffff;
	v19 =	vtrunc.f32 v19;
	v15 =	vcvt.f32.s32 v15  }
0x353: {  	v13 =	vmul.f32 v13, v39;
	v62 =	vshra.s32 v46, $0x17;
	v57 =	vld.idx.msk [tilespmem:v0+s15+$0x0], $0xffff;
	v19 =	vcvt.f32.s32 v19  }
0x354: {  	v45 =	vadd.f32 v61, v52;
	v52 =	vcvt.s32.f32 v7;
	vm6 =	vgt.s32 v15, $0x0;
	v59 =	vld.idx.msk [tilespmem:v56+s16+$0x0], $0xffff  }
0x355: {  	v7 =	vcvt.s32.f32 v62;
	v0 =	vld.idx.msk [tilespmem:v0+s13+$0x0], $0xffff;
	vm7 =	vgt.s32 v19, $0x0;
	v15 =	vnsel vm6, $0x0, v15  }
0x356: {  	v63 =	vld.idx.msk [tilespmem:v56+s15+$0x0], $0xffff;
	v19 =	vnsel vm7, $0x0, v19;
	v15 =	vmin.u32 v15, $0x20;
	v46 =	vmul.f32 v48, v51  }
0x357: {  	v5 =	vld.idx.msk [tilespmem:v5+s17+$0x0], $0xffff;
	v19 =	vmin.u32 v19, $0x20;
	v15 =	vxor.u32 v53, v15;
	v53 =	vand.u32 $0x3F, v50  }
0x358: {  	v19 =	vxor.u32 v4, v19;
	v4 =	vmul.f32 $3.801784040e+00, v52;
	v52 =	vadd.f32 v46, v57  }
0x359: {  	v48 =	vmul.f32 $3.801784040e+00, v7;
	v15 =	vshll.u32 v15, $0x6;
	v50 =	vmul.f32 v59, v54  }
0x35a: {  	v56 =	vld.idx.msk [tilespmem:v56+s13+$0x0], $0xffff;
	v15 =	vor.u32 v55, v15;
	v7 =	vadd.f32 v4, v60;
	v57 =	vmul.f32 v52, v51  }
0x35b: {  	v59 =	vadd.s32 $0x840, v15;
	v15 =	vshll.u32 v19, $0x6;
	v51 =	vadd.f32 v50, v63  }
0x35c: {  	v1 =	vor.u32 v1, v15;
	v15 =	vadd.f32 v48, v5;
	v0 =	vadd.f32 v57, v0  }
0x35d: {  	v19 =	vtrunc.f32 v7;
	v1 =	vadd.s32 $0x840, v1;
	v57 =	vmul.f32 v51, v54  }
0x35e: {  	v60 =	vor.u32 v2, v53;
	v19 =	vcvt.f32.s32 v19;
	v15 =	vtrunc.f32 v15;
	[tilespmem:v43+s20+$0x0] =	vst.idx.msk $0xffff, v0  }
0x35f: {  	v15 =	vcvt.f32.s32 v15;
	v43 =	vadd.f32 v17, v16;
	v16 =	vadd.f32 v57, v56;
	[tilespmem:$0x1FED0] =	vst v3  }
0x360: {  	v55 =	vmul.f32 v25, v39;
	vm8 =	vgt.s32 v19, $0x0;
	v0 =	vmul.f32 v14, v39;
	v14 =	vld.idx.msk [tilespmem:v3+s4+$0x0], $0xffff  }
0x361: {  	v63 =	vshra.s32 v38, $0x1F;
	v19 =	vnsel vm8, $0x0, v19;
	vm9 =	vgt.s32 v15, $0x0;
	v17 =	vld.idx.msk [tilespmem:v59+s16+$0x0], $0xffff;
	[tilespmem:v42+s20+$0x0] =	vst.idx.msk $0xffff, v16  }
0x362: {  	s12 =	simm.s32 $0x12;
	v25 =	vld.idx.msk [tilespmem:v1+s16+$0x0], $0xffff;
	v16 =	vmin.u32 v19, $0x20;
	v19 =	vshra.s32 v34, $0x1F;
	v62 =	vnsel vm9, $0x0, v15;
	[tilespmem:$0x1FEE0] =	vst v60  }
0x363: {  	s14 =	simm.s32 $0x16;
	v5 =	vadd.s32 s12, v11;
	v16 =	vxor.u32 v19, v16;
	v19 =	vmin.u32 v62, $0x20;
	v15 =	vld.idx.msk [tilespmem:v60+s4+$0x0], $0xffff  }
0x364: {  	v7 =	vadd.s32 s14, v11;
	v42 =	vadd.f32 v45, v61;
	v48 =	vld.idx.msk [tilespmem:v59+s15+$0x0], $0xffff;
	v19 =	vxor.u32 v63, v19  }
0x365: {  	v16 =	vshll.u32 v16, $0x6;
	v54 =	vld.idx.msk [tilespmem:v1+s15+$0x0], $0xffff;
	v19 =	vshll.u32 v19, $0x6;
	v4 =	vand.u32 $0x7FFFFFFF, v14  }
0x366: {  	v16 =	vor.u32 v18, v16;
	v19 =	vor.u32 v41, v19;
	v18 =	vmul.f32 $6.816437720e+00, v4  }
0x367: {  	v57 =	vadd.s32 $0x840, v16;
	v16 =	vmul.f32 v17, v47;
	v61 =	vadd.s32 $0x840, v19  }
0x368: {  	v59 =	vld.idx.msk [tilespmem:v59+s13+$0x0], $0xffff;
	v17 =	vmul.f32 v25, v49;
	v19 =	vand.u32 $0x7FFFFFFF, v15;
	v41 =	vadd.f32 $1.000000000e+00, v18  }
0x369: {  	v56 =	vand.u32 $0x3F, v5;
	v18 =	vadd.f32 v16, v48;
	v4 =	vmul.f32 $6.816437720e+00, v19  }
0x36a: {  	v0 =	vmul.f32 v12, v0;
	v1 =	vld.idx.msk [tilespmem:v1+s13+$0x0], $0xffff;
	v19 =	vadd.f32 v17, v54;
	v25 =	vshrl.u32 v41, $0xD  }
0x36b: {  	v39 =	vadd.f32 $1.000000000e+00, v4;
	v5 =	vand.u32 $0x3FF, v25;
	v25 =	vmul.f32 v18, v47  }
0x36c: {  	v48 =	vor.u32 v2, v56;
	v54 =	vand.u32 $0x3F, v7;
	v11 =	vld.idx.msk [tilespmem:v57+s16+$0x0], $0xffff;
	v49 =	vmul.f32 v19, v49  }
0x36d: {  	v12 =	vld.idx.msk [tilespmem:v57+s15+$0x0], $0xffff;
	v6 =	vshrl.u32 v39, $0xD;
	v59 =	vadd.f32 v25, v59;
	v25 =	vor.u32 v2, v54  }
0x36e: {  	v52 =	vadd.f32 v52, v46;
	v60 =	vmul.f32 v43, v55;
	v63 =	vld.idx.msk [tilespmem:v61+s15+$0x0], $0xffff;
	v43 =	vand.u32 $0x3FF, v6  }
0x36f: {  	v62 =	vmul.f32 v42, v13;
	v55 =	vshra.s32 v41, $0x17;
	v47 =	vld.idx.msk [tilespmem:v61+s16+$0x0], $0xffff;
	v1 =	vadd.f32 v49, v1  }
0x370: {  	s21 =	simm.s32 $0x1D;
	v3 =	vlaneseq.u32;
	v13 =	vcvt.s32.f32 v55;
	v55 =	vmul.f32 v45, v33;
	[tilespmem:v40+s20+$0x0] =	vst.idx.msk $0xffff, v59;
	v7 =	vld.idx.msk [tilespmem:v5+s17+$0x0], $0xffff  }
0x371: {  	[tilespmem:v37+s20+$0x0] =	vst.idx.msk $0xffff, v1;
	v40 =	vmul.f32 v10, v31;
	v10 =	vadd.s32 s21, v3;
	v41 =	vld.idx.msk [tilespmem:v48+s4+$0x0], $0xffff  }
0x372: {  	v39 =	vshra.s32 v39, $0x17;
	v37 =	vand.u32 $0x3F, v10;
	v10 =	vmul.f32 v11, v34;
	v49 =	vld.idx.msk [tilespmem:v25+s4+$0x0], $0xffff  }
0x373: {  	s19 =	simm.s32 $0x19;
	v50 =	vadd.f32 v51, v50;
	v13 =	vmul.f32 $3.801784040e+00, v13;
	v39 =	vcvt.s32.f32 v39;
	v31 =	vld.idx.msk [tilespmem:v43+s17+$0x0], $0xffff  }
0x374: {  	v1 =	vadd.s32 s19, v3;
	v11 =	vmul.f32 v47, v38;
	v12 =	vadd.f32 v10, v12  }
0x375: {  	v61 =	vld.idx.msk [tilespmem:v61+s13+$0x0], $0xffff;
	v3 =	vlaneseq.u32;
	v39 =	vmul.f32 $3.801784040e+00, v39;
	v4 =	vadd.f32 v13, v7  }
0x376: {  	v34 =	vmul.f32 v12, v34;
	v5 =	vand.u32 $0x7FFFFFFF, v41;
	v13 =	vadd.f32 v11, v63  }
0x377: {  	v1 =	vand.u32 $0x3F, v1;
	v7 =	vld.idx.msk [tilespmem:v57+s13+$0x0], $0xffff;
	v6 =	vmul.f32 $6.816437720e+00, v5;
	v42 =	vtrunc.f32 v4  }
0x378: {  	v59 =	vand.u32 $0x7FFFFFFF, v49;
	v38 =	vmul.f32 v13, v38;
	v31 =	vadd.f32 v39, v31  }
0x379: {  	v42 =	vcvt.f32.s32 v42;
	v45 =	vmul.f32 $6.816437720e+00, v59;
	v33 =	vadd.f32 $1.000000000e+00, v6  }
0x37a: {  	v4 =	vshra.s32 v14, $0x1F;
	v31 =	vtrunc.f32 v31;
	v38 =	vadd.f32 v38, v61  }
0x37b: {  	vm10 =	vgt.s32 v42, $0x0;
	v39 =	vadd.f32 $1.000000000e+00, v45;
	v63 =	vshrl.u32 v33, $0xD  }
0x37c: {  	v43 =	vadd.f32 v34, v7;
	v42 =	vnsel vm10, $0x0, v42;
	v45 =	vand.u32 $0x3FF, v63  }
0x37d: {  	s8 =	simm.s32 $0x20;
	v34 =	vor.u32 v2, v1;
	v6 =	vcvt.f32.s32 v31;
	v42 =	vmin.u32 v42, $0x20  }
0x37e: {  	v7 =	vadd.s32 s8, v3;
	v5 =	vshrl.u32 v39, $0xD;
	v42 =	vxor.u32 v4, v42  }
0x37f: {  	v33 =	vshra.s32 v33, $0x17;
	v59 =	vand.u32 $0x3FF, v5;
	v31 =	vshll.u32 v42, $0x6  }
0x380: {  	[tilespmem:v36+s20+$0x0] =	vst.idx.msk $0xffff, v38;
	v42 =	vand.u32 $0x3F, v7;
	v44 =	vor.u32 v44, v31;
	v31 =	vor.u32 v2, v37  }
0x381: {  	v33 =	vcvt.s32.f32 v33;
	[tilespmem:v32+s20+$0x0] =	vst.idx.msk $0xffff, v43;
	v38 =	vor.u32 v2, v42;
	v61 =	vld.idx.msk [tilespmem:v45+s17+$0x0], $0xffff  }
0x382: {  	s25 =	simm.s32 $0x24;
	vm11 =	vgt.s32 v6, $0x0;
	v39 =	vshra.s32 v39, $0x17;
	v57 =	vadd.s32 $0x840, v44;
	v45 =	vld.idx.msk [tilespmem:v34+s4+$0x0], $0xffff  }
0x383: {  	v4 =	vnsel vm11, $0x0, v6;
	v5 =	vadd.s32 s25, v3;
	v39 =	vcvt.s32.f32 v39  }
0x384: {  	v33 =	vmul.f32 $3.801784040e+00, v33;
	v6 =	vmin.u32 v4, $0x20;
	v47 =	vand.u32 $0x3F, v5;
	v59 =	vld.idx.msk [tilespmem:v59+s17+$0x0], $0xffff  }
0x385: {  	v7 =	vshra.s32 v15, $0x1F;
	v63 =	vmul.f32 $3.801784040e+00, v39;
	v39 =	vor.u32 v2, v47;
	v44 =	vld.idx.msk [tilespmem:v31+s4+$0x0], $0xffff  }
0x386: {  	v0 =	vmul.f32 v26, v0;
	v51 =	vmul.f32 v52, v60;
	v36 =	vxor.u32 v7, v6;
	v43 =	vld.idx.msk [tilespmem:v38+s4+$0x0], $0xffff  }
0x387: {  	v32 =	vshll.u32 v36, $0x6;
	v33 =	vadd.f32 v33, v61;
	v61 =	vld.idx.msk [tilespmem:v57+s16+$0x0], $0xffff;
	v5 =	vand.u32 $0x7FFFFFFF, v45  }
0x388: {  	v20 =	vmul.f32 v27, v0;
	v32 =	vor.u32 v53, v32;
	v29 =	vmul.f32 $6.816437720e+00, v5  }
0x389: {  	v6 =	vshra.s32 v41, $0x1F;
	v32 =	vadd.s32 $0x840, v32;
	v22 =	vld.idx.msk [tilespmem:v57+s15+$0x0], $0xffff;
	v23 =	vtrunc.f32 v33  }
0x38a: {  	v46 =	vld.idx.msk [tilespmem:v39+s4+$0x0], $0xffff;
	v5 =	vshra.s32 v49, $0x1F;
	v23 =	vcvt.f32.s32 v23;
	v29 =	vadd.f32 $1.000000000e+00, v29  }
0x38b: {  	v4 =	vadd.f32 v63, v59;
	v30 =	vand.u32 $0x7FFFFFFF, v44;
	v26 =	vand.u32 $0x7FFFFFFF, v43  }
0x38c: {  	vm12 =	vgt.s32 v23, $0x0;
	v36 =	vmul.f32 v61, v14;
	v60 =	vshrl.u32 v29, $0xD  }
0x38d: {  	v27 =	vtrunc.f32 v4;
	v23 =	vnsel vm12, $0x0, v23;
	v52 =	vand.u32 $0x3FF, v60  }
0x38e: {  	v33 =	vadd.f32 v36, v22;
	v22 =	vmin.u32 v23, $0x20;
	v23 =	vmul.f32 $6.816437720e+00, v30  }
0x38f: {  	v7 =	vld.idx.msk [tilespmem:v32+s16+$0x0], $0xffff;
	v26 =	vmul.f32 $6.816437720e+00, v26;
	v61 =	vand.u32 $0x7FFFFFFF, v46;
	v27 =	vcvt.f32.s32 v27  }
0x390: {  	v29 =	vshra.s32 v29, $0x17;
	v30 =	vadd.f32 v33, v36;
	v23 =	vadd.f32 $1.000000000e+00, v23  }
0x391: {  	v63 =	vmul.f32 $6.816437720e+00, v61;
	v29 =	vcvt.s32.f32 v29;
	v26 =	vadd.f32 $1.000000000e+00, v26  }
0x392: {  	vm13 =	vgt.s32 v27, $0x0;
	v30 =	vmul.f32 v30, v62;
	v62 =	vld.idx.msk [tilespmem:v32+s15+$0x0], $0xffff;
	v0 =	vshrl.u32 v23, $0xD  }
0x393: {  	v22 =	vxor.u32 v6, v22;
	v27 =	vnsel vm13, $0x0, v27;
	v52 =	vld.idx.msk [tilespmem:v52+s17+$0x0], $0xffff;
	v0 =	vand.u32 $0x3FF, v0  }
0x394: {  	v4 =	vmul.f32 v7, v15;
	v22 =	vshll.u32 v22, $0x6;
	v27 =	vmin.u32 v27, $0x20  }
0x395: {  	v6 =	vadd.f32 $1.000000000e+00, v63;
	v22 =	vor.u32 v56, v22;
	v27 =	vxor.u32 v5, v27  }
0x396: {  	v56 =	vadd.s32 $0x840, v22;
	v22 =	vshll.u32 v27, $0x6;
	v27 =	vmul.f32 $3.801784040e+00, v29  }
0x397: {  	v23 =	vshra.s32 v23, $0x17;
	v22 =	vor.u32 v54, v22;
	v36 =	vadd.f32 v4, v62  }
0x398: {  	v23 =	vcvt.s32.f32 v23;
	v59 =	vadd.s32 $0x840, v22;
	v27 =	vadd.f32 v27, v52;
	v0 =	vld.idx.msk [tilespmem:v0+s17+$0x0], $0xffff  }
0x399: {  	v7 =	vshrl.u32 v26, $0xD;
	v26 =	vshra.s32 v26, $0x17;
	v29 =	vld.idx.msk [tilespmem:v35+s13+$0x0], $0xffff;
	v58 =	vadd.f32 v36, v4  }
0x39a: {  	v61 =	vshrl.u32 v6, $0xD;
	v60 =	vmul.f32 $3.801784040e+00, v23;
	v27 =	vtrunc.f32 v27  }
0x39b: {  	v27 =	vcvt.f32.s32 v27;
	v23 =	vmul.f32 v58, v30;
	v30 =	vand.u32 $0x3FF, v7  }
0x39c: {  	v26 =	vcvt.s32.f32 v26;
	v5 =	vshra.s32 v45, $0x1F;
	v35 =	vshra.s32 v6, $0x17;
	v62 =	vld.idx.msk [tilespmem:v56+s16+$0x0], $0xffff  }
0x39d: {  	v22 =	vmul.f32 v50, v51;
	v4 =	vld.idx.msk [tilespmem:v59+s16+$0x0], $0xffff;
	vm14 =	vgt.s32 v27, $0x0;
	v0 =	vadd.f32 v60, v0  }
0x39e: {  	v50 =	vand.u32 $0x3FF, v61;
	v63 =	vadd.f32 v55, v29;
	v29 =	vld.idx.msk [tilespmem:v56+s15+$0x0], $0xffff;
	v27 =	vnsel vm14, $0x0, v27  }
0x39f: {  	v26 =	vmul.f32 $3.801784040e+00, v26;
	v60 =	vld.idx.msk [tilespmem:v28+s13+$0x0], $0xffff;
	v27 =	vmin.u32 v27, $0x20;
	v0 =	vtrunc.f32 v0  }
0x3a0: {  	v35 =	vcvt.s32.f32 v35;
	v54 =	vxor.u32 v5, v27;
	v0 =	vcvt.f32.s32 v0;
	v30 =	vld.idx.msk [tilespmem:v30+s17+$0x0], $0xffff  }
0x3a1: {  	v56 =	vld.idx.msk [tilespmem:v56+s13+$0x0], $0xffff;
	v7 =	vshra.s32 v44, $0x1F;
	v27 =	vmul.f32 v62, v41;
	v54 =	vshll.u32 v54, $0x6  }
0x3a2: {  	v6 =	vld.idx.msk [tilespmem:v59+s15+$0x0], $0xffff;
	v28 =	vmul.f32 v4, v49;
	v1 =	vor.u32 v1, v54;
	vm15 =	vgt.s32 v0, $0x0  }
0x3a3: {  	s30 =	simm.s32 $0x17;
	v50 =	vld.idx.msk [tilespmem:v50+s17+$0x0], $0xffff;
	v29 =	vadd.f32 v27, v29;
	v52 =	vadd.s32 $0x840, v1;
	v0 =	vnsel vm15, $0x0, v0  }
0x3a4: {  	v1 =	vadd.s32 s30, v3;
	v40 =	vadd.f32 v40, v60;
	v0 =	vmin.u32 v0, $0x20  }
0x3a5: {  	v0 =	vxor.u32 v7, v0;
	v61 =	vadd.f32 v26, v30;
	v30 =	vmul.f32 v29, v41  }
0x3a6: {  	v62 =	vld.idx.msk [tilespmem:v59+s13+$0x0], $0xffff;
	v26 =	vmul.f32 $3.801784040e+00, v35;
	v35 =	vand.u32 $0x3F, v1;
	v0 =	vshll.u32 v0, $0x6  }
0x3a7: {  	s26 =	simm.s32 $0x13;
	v0 =	vor.u32 v37, v0;
	v56 =	vadd.f32 v30, v56;
	v30 =	vadd.f32 v28, v6  }
0x3a8: {  	[tilespmem:v24+s20+$0x0] =	vst.idx.msk $0xffff, v63;
	v50 =	vadd.f32 v26, v50;
	v26 =	vadd.s32 s26, v3;
	v63 =	vtrunc.f32 v61  }
0x3a9: {  	v24 =	vld.idx.msk [tilespmem:v57+s13+$0x0], $0xffff;
	v41 =	vand.u32 $0x3F, v26;
	v1 =	vadd.s32 $0x840, v0;
	v0 =	vmul.f32 v30, v49  }
0x3aa: {  	v37 =	vld.idx.msk [tilespmem:v32+s13+$0x0], $0xffff;
	v26 =	vor.u32 v2, v35;
	v32 =	vor.u32 v2, v41;
	v50 =	vtrunc.f32 v50  }
0x3ab: {  	s12 =	simm.s32 $0x8;
	s14 =	simm.s32 $0x1A;
	s25 =	simm.s32 $0x28;
	v53 =	vcvt.f32.s32 v63;
	[tilespmem:v48+s20+$0x0] =	vst.idx.msk $0xffff, v56;
	v49 =	vld.idx.msk [tilespmem:v52+s16+$0x0], $0xffff;
	v51 =	vcvt.f32.s32 v50;
	v50 =	vadd.f32 v0, v62  }
.LBB2_8:
0x3ac: {  	v3 =	vld [tilespmem:$0x1FE80]  }
0x3ad: {  	v4 =	vld [tilespmem:$0x1FED0];
	_ =	sdelay $0x1  }
0x3ae: {  	v9 =	vlaneseq.u32;
	v61 =	vshra.s32 v43, $0x1F  }
0x3af: {  	v36 =	vmul.f32 v36, v15;
	v27 =	vadd.f32 v29, v27;
	vm0 =	vgt.s32 v53, $0x0  }
0x3b0: {  	v54 =	vld.idx.msk [tilespmem:v32+s4+$0x0], $0xffff;
	v0 =	vadd.s32 s25, v9;
	vm9 =	vgt.s32 v51, $0x0;
	v60 =	vnsel vm0, $0x0, v53  }
0x3b1: {  	v53 =	vld.idx.msk [tilespmem:v1+s16+$0x0], $0xffff;
	[tilespmem:v25+s20+$0x0] =	vst.idx.msk $0xffff, v50;
	v62 =	vnsel vm9, $0x0, v51;
	v0 =	vand.u32 $0x3F, v0;
	v25 =	vmin.u32 v60, $0x20;
	v4 =	vmovc v4  }
0x3b2: {  	v63 =	vmin.u32 v62, $0x20;
	v25 =	vxor.u32 v61, v25;
	[tilespmem:$0x1FE80] =	vst v4;
	v4 =	vshra.s32 v46, $0x1F  }
0x3b3: {  	v50 =	vld.idx.msk [tilespmem:v26+s4+$0x0], $0xffff;
	v25 =	vshll.u32 v25, $0x6;
	[tilespmem:v3+s20+$0x0] =	vst.idx.msk $0xffff, v40;
	v3 =	vmov v32;
	v32 =	vxor.u32 v4, v63  }
0x3b4: {  	v60 =	vor.u32 v2, v0;
	v25 =	vor.u32 v42, v25;
	v5 =	vld.idx.msk [tilespmem:v52+s15+$0x0], $0xffff;
	v32 =	vshll.u32 v32, $0x6  }
0x3b5: {  	v6 =	vld.idx.msk [tilespmem:v1+s15+$0x0], $0xffff;
	v7 =	vand.u32 $0x7FFFFFFF, v54;
	v42 =	vmovc v0;
	v0 =	vadd.s32 $0x840, v25;
	v25 =	vor.u32 v47, v32  }
0x3b6: {  	s26 =	sadd.s32 $0x6, s7;
	v48 =	vadd.s32 s14, v9;
	v61 =	vadd.s32 $0x840, v25;
	v25 =	vmul.f32 $6.816437720e+00, v7  }
0x3b7: {  	v55 =	vadd.s32 s26, v9;
	v1 =	vld.idx.msk [tilespmem:v1+s13+$0x0], $0xffff;
	v57 =	vmul.f32 v49, v45;
	v56 =	vmul.f32 v53, v44  }
0x3b8: {  	s19 =	sadd.s32 $0x7, s7;
	v53 =	vand.u32 $0x7FFFFFFF, v50;
	v40 =	vmul.f32 v33, v14;
	v47 =	vld.idx.msk [tilespmem:v52+s13+$0x0], $0xffff;
	v62 =	vadd.f32 $1.000000000e+00, v25  }
0x3b9: {  	v33 =	vadd.f32 v36, v37;
	v14 =	vmovc v54;
	v54 =	vadd.s32 s19, v9;
	v63 =	vld.idx.msk [tilespmem:v60+s4+$0x0], $0xffff;
	v58 =	vadd.f32 v57, v5  }
0x3ba: {  	[tilespmem:$0x1FED0] =	vst v3;
	v59 =	vadd.f32 v56, v6;
	v3 =	vld.idx.msk [tilespmem:v0+s16+$0x0], $0xffff;
	v25 =	vmul.f32 $6.816437720e+00, v53;
	v49 =	vshrl.u32 v62, $0xD  }
0x3bb: {  	s14 =	sadd.s32 $0x3, s7;
	s7 =	smov.u32 s8;
	v6 =	vld.idx.msk [tilespmem:v0+s15+$0x0], $0xffff;
	v53 =	vand.u32 $0x3F, v55;
	v55 =	vmul.f32 v58, v45;
	v45 =	vand.u32 $0x3FF, v49  }
0x3bc: {  	s26 =	sadd.s32 $0x5, s7;
	v32 =	vand.u32 $0x3F, v48;
	v51 =	vmul.f32 v59, v44;
	v0 =	vld.idx.msk [tilespmem:v0+s13+$0x0], $0xffff;
	v4 =	vadd.f32 $1.000000000e+00, v25  }
0x3bd: {  	s21 =	sadd.s32 $0x1, s7;
	v37 =	vadd.s32 s26, v9;
	v48 =	vor.u32 v2, v32;
	v5 =	vld.idx.msk [tilespmem:v61+s16+$0x0], $0xffff;
	v47 =	vadd.f32 v55, v47  }
0x3be: {  	s30 =	sadd.s32 $0x4, s25;
	v52 =	vadd.s32 s21, v9;
	v1 =	vadd.f32 v51, v1;
	v7 =	vld.idx.msk [tilespmem:v61+s15+$0x0], $0xffff;
	v55 =	vshrl.u32 v4, $0xD  }
0x3bf: {  	v8 =	vand.u32 $0x3FF, v55;
	v55 =	vadd.s32 s14, v9;
	[tilespmem:v34+s20+$0x0] =	vst.idx.msk $0xffff, v47;
	v47 =	vadd.s32 s30, v9;
	v9 =	vld [tilespmem:$0x1FEE0]  }
0x3c0: {  	v25 =	vor.u32 v2, v53;
	[tilespmem:v31+s20+$0x0] =	vst.idx.msk $0xffff, v1;
	v1 =	vld.idx.msk [tilespmem:v45+s17+$0x0], $0xffff;
	v45 =	vshra.s32 v62, $0x17  }
0x3c1: {  	v22 =	vmul.f32 v27, v22;
	v40 =	vadd.f32 v40, v24;
	v36 =	vcvt.s32.f32 v45  }
0x3c2: {  	v52 =	vand.u32 $0x3F, v52;
	v51 =	vand.u32 $0x3F, v37;
	v49 =	vld.idx.msk [tilespmem:v48+s4+$0x0], $0xffff;
	v5 =	vmul.f32 v5, v46  }
0x3c3: {  	v3 =	vmul.f32 v3, v43;
	v4 =	vshra.s32 v4, $0x17;
	v36 =	vmul.f32 $3.801784040e+00, v36  }
0x3c4: {  	v15 =	vmovc v50;
	v31 =	vor.u32 v2, v51;
	v4 =	vcvt.s32.f32 v4;
	v7 =	vadd.f32 v5, v7;
	v8 =	vld.idx.msk [tilespmem:v8+s17+$0x0], $0xffff  }
0x3c5: {  	v6 =	vadd.f32 v3, v6;
	v50 =	vld.idx.msk [tilespmem:v25+s4+$0x0], $0xffff;
	v34 =	vor.u32 v2, v52;
	v1 =	vadd.f32 v36, v1  }
0x3c6: {  	v47 =	vand.u32 $0x3F, v47;
	v4 =	vmul.f32 $3.801784040e+00, v4;
	v45 =	vmul.f32 v7, v46  }
0x3c7: {  	v62 =	vand.u32 $0x7FFFFFFF, v49;
	[tilespmem:v9+s20+$0x0] =	vst.idx.msk $0xffff, v33;
	v33 =	vor.u32 v2, v47;
	v1 =	vtrunc.f32 v1  }
0x3c8: {  	v9 =	vmovc v26;
	v26 =	vand.u32 $0x7FFFFFFF, v63;
	v37 =	vld.idx.msk [tilespmem:v61+s13+$0x0], $0xffff;
	v61 =	vmul.f32 v6, v43;
	v43 =	vmovc v63;
	v63 =	vmul.f32 $6.816437720e+00, v62  }
0x3c9: {  	v4 =	vadd.f32 v4, v8;
	v8 =	vmul.f32 $6.816437720e+00, v26;
	v1 =	vcvt.f32.s32 v1  }
0x3ca: {  	v0 =	vadd.f32 v61, v0;
	v61 =	vand.u32 $0x7FFFFFFF, v50;
	v26 =	vadd.f32 $1.000000000e+00, v63  }
0x3cb: {  	v4 =	vtrunc.f32 v4;
	vm10 =	vgt.s32 v1, $0x0;
	v8 =	vadd.f32 $1.000000000e+00, v8  }
0x3cc: {  	v44 =	vmul.f32 $6.816437720e+00, v61;
	v4 =	vcvt.f32.s32 v4;
	v1 =	vnsel vm10, $0x0, v1;
	v46 =	vld.idx.msk [tilespmem:v33+s4+$0x0], $0xffff  }
0x3cd: {  	[tilespmem:v38+s20+$0x0] =	vst.idx.msk $0xffff, v0;
	v62 =	vshrl.u32 v26, $0xD;
	v1 =	vmin.u32 v1, $0x20;
	v0 =	vadd.f32 v45, v37  }
0x3ce: {  	v38 =	vmovc v60;
	v60 =	vshra.s32 v14, $0x1F;
	v26 =	vshra.s32 v26, $0x17;
	v36 =	vadd.f32 $1.000000000e+00, v44;
	v45 =	vld.idx.msk [tilespmem:v34+s4+$0x0], $0xffff  }
0x3cf: {  	vm11 =	vgt.s32 v4, $0x0;
	v1 =	vxor.u32 v60, v1;
	[tilespmem:v39+s20+$0x0] =	vst.idx.msk $0xffff, v0;
	v0 =	vand.u32 $0x3FF, v62  }
0x3d0: {  	v26 =	vcvt.s32.f32 v26;
	v4 =	vnsel vm11, $0x0, v4;
	v63 =	vshrl.u32 v36, $0xD;
	v44 =	vld.idx.msk [tilespmem:v31+s4+$0x0], $0xffff  }
0x3d1: {  	[tilespmem:$0x1FEE0] =	vst v9;
	v9 =	vld [tilespmem:$0x1FE90];
	v1 =	vshll.u32 v1, $0x6;
	v37 =	vand.u32 $0x3FF, v63;
	v60 =	vand.u32 $0x7FFFFFFF, v46  }
0x3d2: {  	v4 =	vmin.u32 v4, $0x20;
	v1 =	vor.u32 v41, v1;
	v41 =	vmul.f32 $6.816437720e+00, v60;
	v60 =	vld [tilespmem:$0x1FEB0]  }
0x3d3: {  	v39 =	vmovc v33;
	v33 =	vshra.s32 v15, $0x1F;
	v36 =	vshra.s32 v36, $0x17;
	v61 =	vand.u32 $0x7FFFFFFF, v45  }
0x3d4: {  	v26 =	vmul.f32 $3.801784040e+00, v26;
	v4 =	vxor.u32 v33, v4;
	v33 =	vmul.f32 $6.816437720e+00, v61;
	v0 =	vld.idx.msk [tilespmem:v0+s17+$0x0], $0xffff  }
0x3d5: {  	v1 =	vadd.s32 $0x840, v1;
	v4 =	vshll.u32 v4, $0x6;
	v62 =	vand.u32 $0x7FFFFFFF, v44  }
0x3d6: {  	v4 =	vor.u32 v35, v4;
	v37 =	vld.idx.msk [tilespmem:v37+s17+$0x0], $0xffff;
	v33 =	vadd.f32 $1.000000000e+00, v33;
	v35 =	vmul.f32 $6.816437720e+00, v62  }
0x3d7: {  	v36 =	vcvt.s32.f32 v36;
	v4 =	vadd.s32 $0x840, v4;
	v61 =	vadd.f32 v60, v9;
	v60 =	vmovc v10;
	v10 =	vmovc v3  }
0x3d8: {  	v63 =	vld [tilespmem:$0x1FEC0];
	v3 =	vshra.s32 v33, $0x17;
	v9 =	vmovc v12;
	v12 =	vmovc v6;
	v6 =	vshrl.u32 v33, $0xD;
	v35 =	vadd.f32 $1.000000000e+00, v35  }
0x3d9: {  	[tilespmem:$0x1FEB0] =	vst v9;
	v3 =	vcvt.s32.f32 v3;
	v9 =	vld [tilespmem:$0x1FEA0];
	v0 =	vadd.f32 v26, v0;
	v26 =	vmul.f32 $3.801784040e+00, v36  }
0x3da: {  	v27 =	vshra.s32 v45, $0x1F;
	v62 =	vld.idx.msk [tilespmem:v1+s16+$0x0], $0xffff;
	v6 =	vand.u32 $0x3FF, v6;
	v33 =	vmovc v11;
	v11 =	vmovc v5;
	v5 =	vshrl.u32 v35, $0xD  }
0x3db: {  	[tilespmem:$0x1FE90] =	vst v60;
	v36 =	vld.idx.msk [tilespmem:v1+s15+$0x0], $0xffff;
	v60 =	vmovc v13;
	v3 =	vmul.f32 $3.801784040e+00, v3;
	v0 =	vtrunc.f32 v0;
	v26 =	vadd.f32 v26, v37  }
0x3dc: {  	[tilespmem:$0x1FEC0] =	vst v60;
	v5 =	vand.u32 $0x3FF, v5;
	v60 =	vld.idx.msk [tilespmem:v1+s13+$0x0], $0xffff;
	v1 =	vadd.f32 v19, v17;
	v17 =	vmovc v56;
	v56 =	vshra.s32 v35, $0x17  }
0x3dd: {  	v19 =	vmovc v59;
	v59 =	vshra.s32 v8, $0x17;
	v35 =	vand.u32 $0x3F, v54;
	v0 =	vcvt.f32.s32 v0  }
0x3de: {  	[tilespmem:$0x1FEA0] =	vst v33;
	v37 =	vld.idx.msk [tilespmem:v4+s13+$0x0], $0xffff;
	v63 =	vadd.f32 v63, v9;
	v33 =	vtrunc.f32 v26;
	v26 =	vadd.f32 v18, v16  }
0x3df: {  	v13 =	vmovc v7;
	v9 =	vld.idx.msk [tilespmem:v4+s16+$0x0], $0xffff;
	v16 =	vmovc v57;
	v57 =	vmul.f32 v62, v14;
	vm12 =	vgt.s32 v0, $0x0;
	v7 =	vcvt.f32.s32 v33  }
0x3e0: {  	v18 =	vmovc v58;
	v62 =	vshra.s32 v49, $0x1F;
	v58 =	vshra.s32 v50, $0x1F;
	v6 =	vld.idx.msk [tilespmem:v6+s17+$0x0], $0xffff;
	v0 =	vnsel vm12, $0x0, v0  }
0x3e1: {  	v4 =	vld.idx.msk [tilespmem:v4+s15+$0x0], $0xffff;
	v33 =	vadd.f32 v57, v36;
	v20 =	vmul.f32 v26, v20;
	vm13 =	vgt.s32 v7, $0x0  }
0x3e2: {  	v26 =	vadd.f32 v30, v28;
	v0 =	vmin.u32 v0, $0x20;
	v7 =	vnsel vm13, $0x0, v7  }
0x3e3: {  	v0 =	vxor.u32 v62, v0;
	v29 =	vadd.f32 v33, v57;
	v62 =	vmul.f32 v61, v21  }
0x3e4: {  	v20 =	vmul.f32 v1, v20;
	v9 =	vmul.f32 v9, v15;
	v7 =	vmin.u32 v7, $0x20  }
0x3e5: {  	v0 =	vshll.u32 v0, $0x6;
	v3 =	vadd.f32 v3, v6;
	v23 =	vmul.f32 v29, v23  }
0x3e6: {  	v1 =	vld.idx.msk [tilespmem:v5+s17+$0x0], $0xffff;
	v0 =	vor.u32 v32, v0;
	v57 =	vxor.u32 v58, v7;
	v36 =	vadd.f32 v9, v4  }
0x3e7: {  	v4 =	vcvt.s32.f32 v56;
	v0 =	vadd.s32 $0x840, v0;
	v5 =	vshll.u32 v57, $0x6  }
0x3e8: {  	v58 =	vadd.f32 $1.000000000e+00, v41;
	v5 =	vor.u32 v53, v5;
	v9 =	vadd.f32 v36, v9  }
0x3e9: {  	v3 =	vtrunc.f32 v3;
	v4 =	vmul.f32 $3.801784040e+00, v4;
	v5 =	vadd.s32 $0x840, v5  }
0x3ea: {  	v3 =	vcvt.f32.s32 v3;
	v23 =	vmul.f32 v9, v23;
	v9 =	vshrl.u32 v8, $0xD  }
0x3eb: {  	v8 =	vshrl.u32 v58, $0xD;
	v1 =	vadd.f32 v4, v1;
	v9 =	vand.u32 $0x3FF, v9  }
0x3ec: {  	v22 =	vmul.f32 v26, v22;
	v21 =	vmul.f32 v63, v62;
	v62 =	vand.u32 $0x3FF, v8;
	v8 =	vld.idx.msk [tilespmem:v0+s16+$0x0], $0xffff  }
0x3ed: {  	v61 =	vcvt.s32.f32 v59;
	vm14 =	vgt.s32 v3, $0x0;
	v26 =	vld.idx.msk [tilespmem:v0+s15+$0x0], $0xffff;
	v1 =	vtrunc.f32 v1  }
0x3ee: {  	v41 =	vand.u32 $0x3F, v55;
	v3 =	vnsel vm14, $0x0, v3;
	v1 =	vcvt.f32.s32 v1;
	v28 =	vld.idx.msk [tilespmem:v5+s16+$0x0], $0xffff  }
0x3ef: {  	v29 =	vshra.s32 v44, $0x1F;
	v32 =	vor.u32 v2, v41;
	v3 =	vmin.u32 v3, $0x20;
	v30 =	vld.idx.msk [tilespmem:v5+s15+$0x0], $0xffff  }
0x3f0: {  	v7 =	vshra.s32 v58, $0x17;
	v3 =	vxor.u32 v27, v3;
	vm15 =	vgt.s32 v1, $0x0;
	v9 =	vld.idx.msk [tilespmem:v9+s17+$0x0], $0xffff  }
0x3f1: {  	v3 =	vshll.u32 v3, $0x6;
	v6 =	vld.idx.msk [tilespmem:v62+s17+$0x0], $0xffff;
	v1 =	vnsel vm15, $0x0, v1;
	v27 =	vmul.f32 v8, v49  }
0x3f2: {  	v7 =	vcvt.s32.f32 v7;
	v0 =	vld.idx.msk [tilespmem:v0+s13+$0x0], $0xffff;
	v3 =	vor.u32 v52, v3;
	v1 =	vmin.u32 v1, $0x20  }
0x3f3: {  	s12 =	sadd.s32 $0x2, s12;
	v1 =	vxor.u32 v29, v1;
	v29 =	vadd.f32 v27, v26;
	v28 =	vmul.f32 v28, v50  }
0x3f4: {  	p0 =	slt.u32 s12, $0xE;
	v4 =	vmul.f32 $3.801784040e+00, v61;
	v7 =	vmul.f32 $3.801784040e+00, v7;
	v5 =	vld.idx.msk [tilespmem:v5+s13+$0x0], $0xffff;
	v52 =	vadd.s32 $0x840, v3  }
.Ltmp2:
0x3f5: {  	v26 =	vor.u32 v2, v35;
	v3 =	vmul.f32 v29, v49;
	v30 =	vadd.f32 v28, v30;
	(pc) =	sbr.rel @p0 .LBB2_8-.Ltmp2, $4  }
0x3f6: {  	v1 =	vshll.u32 v1, $0x6;
	v4 =	vadd.f32 v4, v9;
	v6 =	vadd.f32 v7, v6  }
0x3f7: {  	v1 =	vor.u32 v51, v1;
	v0 =	vadd.f32 v3, v0;
	v3 =	vmul.f32 v30, v50  }
0x3f8: {  	v24 =	vmovc v60;
	v1 =	vadd.s32 $0x840, v1;
	v4 =	vtrunc.f32 v4;
	v63 =	vtrunc.f32 v6  }
0x3f9: {  	s8 =	smov.u32 s25;
	s25 =	sadd.s32 $0x8, s25;
	s14 =	sadd.s32 $0x2, s7;
	v49 =	vld.idx.msk [tilespmem:v52+s16+$0x0], $0xffff;
	v53 =	vcvt.f32.s32 v4;
	v51 =	vcvt.f32.s32 v63;
	[tilespmem:v48+s20+$0x0] =	vst.idx.msk $0xffff, v0;
	v50 =	vadd.f32 v3, v5  }
0x3fa: {  	_ = 	snop  }
0x3fb: {  	vm0 =	vgt.s32 v53, $0x0  }
0x3fc: {  	v0 =	vnsel vm0, $0x0, v53  }
0x3fd: {  	v3 =	vshra.s32 v43, $0x1F;
	v0 =	vmin.u32 v0, $0x20  }
0x3fe: {  	v0 =	vxor.u32 v3, v0  }
0x3ff: {  	v0 =	vshll.u32 v0, $0x6  }
0x400: {  	v0 =	vor.u32 v42, v0  }
0x401: {  	vm15 =	vgt.s32 v51, $0x0;
	v0 =	vadd.s32 $0x840, v0  }
0x402: {  	v9 =	vnsel vm15, $0x0, v51  }
0x403: {  	v4 =	vshra.s32 v46, $0x1F;
	v3 =	vmin.u32 v9, $0x20  }
0x404: {  	v3 =	vxor.u32 v4, v3  }
0x405: {  	v3 =	vshll.u32 v3, $0x6  }
0x406: {  	v3 =	vor.u32 v47, v3;
	v42 =	vld.idx.msk [tilespmem:v0+s16+$0x0], $0xffff  }
0x407: {  	v3 =	vadd.s32 $0x840, v3;
	_ =	sdelay $0x3  }
0x408: {  	v5 =	vld.idx.msk [tilespmem:v0+s15+$0x0], $0xffff;
	v8 =	vmul.f32 v42, v43  }
0x409: {  	v6 =	vld.idx.msk [tilespmem:v3+s16+$0x0], $0xffff  }
0x40a: {  	[tilespmem:$0x1FE30] =	vst v8  }
0x40b: {  	v47 =	vld.idx.msk [tilespmem:v3+s15+$0x0], $0xffff  }
0x40c: {  	s12 =	sadd.s32 $0x1, s8;
	v51 =	vlaneseq.u32;
	v0 =	vld.idx.msk [tilespmem:v0+s13+$0x0], $0xffff  }
0x40d: {  	v7 =	vadd.s32 s12, v51;
	v8 =	vadd.f32 v8, v5  }
0x40e: {  	v9 =	vmul.f32 v6, v46;
	v5 =	vand.u32 $0x3F, v7  }
0x40f: {  	v7 =	vor.u32 v2, v5;
	[tilespmem:$0x1FE40] =	vst v8;
	v8 =	vmul.f32 v8, v43  }
0x410: {  	v53 =	vadd.f32 v9, v47  }
0x411: {  	[tilespmem:$0x1FE50] =	vst v9;
	v0 =	vadd.f32 v8, v0  }
0x412: {  	v3 =	vld.idx.msk [tilespmem:v3+s13+$0x0], $0xffff;
	[tilespmem:$0x1FE60] =	vst v53  }
0x413: {  	s26 =	sadd.s32 $0x5, s8;
	[tilespmem:v38+s20+$0x0] =	vst.idx.msk $0xffff, v0  }
0x414: {  	v48 =	vadd.s32 s26, v51;
	v8 =	vld.idx.msk [tilespmem:v7+s4+$0x0], $0xffff  }
0x415: {  	v4 =	vand.u32 $0x3F, v48  }
0x416: {  	v54 =	vmul.f32 v53, v46;
	v0 =	vor.u32 v2, v4;
	_ =	sdelay $0x1  }
0x417: {  	v3 =	vadd.f32 v54, v3  }
0x418: {  	v55 =	vand.u32 $0x7FFFFFFF, v8  }
0x419: {  	[tilespmem:v39+s20+$0x0] =	vst.idx.msk $0xffff, v3;
	v6 =	vmul.f32 $6.816437720e+00, v55  }
0x41a: {  	v3 =	vld.idx.msk [tilespmem:v0+s4+$0x0], $0xffff  }
0x41b: {  	v6 =	vadd.f32 $1.000000000e+00, v6;
	_ =	sdelay $0x1  }
0x41c: {  	v57 =	vshrl.u32 v6, $0xD  }
0x41d: {  	v38 =	vand.u32 $0x3FF, v57  }
0x41e: {  	v56 =	vand.u32 $0x7FFFFFFF, v3  }
0x41f: {  	v9 =	vmul.f32 $6.816437720e+00, v56;
	_ =	sdelay $0x1  }
0x420: {  	v9 =	vadd.f32 $1.000000000e+00, v9  }
0x421: {  	v6 =	vshra.s32 v6, $0x17;
	v38 =	vld.idx.msk [tilespmem:v38+s17+$0x0], $0xffff  }
0x422: {  	v6 =	vcvt.s32.f32 v6;
	v58 =	vshrl.u32 v9, $0xD  }
0x423: {  	v39 =	vand.u32 $0x3FF, v58  }
0x424: {  	v6 =	vmul.f32 $3.801784040e+00, v6;
	_ =	sdelay $0x1  }
0x425: {  	v6 =	vadd.f32 v6, v38  }
0x426: {  	v59 =	vld.idx.msk [tilespmem:v52+s15+$0x0], $0xffff  }
0x427: {  	v9 =	vshra.s32 v9, $0x17;
	v39 =	vld.idx.msk [tilespmem:v39+s17+$0x0], $0xffff;
	v6 =	vtrunc.f32 v6  }
0x428: {  	v9 =	vcvt.s32.f32 v9;
	v6 =	vcvt.f32.s32 v6  }
0x429: {  	v60 =	vmul.f32 v49, v45  }
0x42a: {  	v9 =	vmul.f32 $3.801784040e+00, v9;
	vm4 =	vgt.s32 v6, $0x0  }
0x42b: {  	v46 =	vadd.f32 v60, v59;
	[tilespmem:$0x1FE20] =	vst v60;
	v6 =	vnsel vm4, $0x0, v6  }
0x42c: {  	v56 =	vshra.s32 v8, $0x1F;
	v63 =	vld.idx.msk [tilespmem:v52+s13+$0x0], $0xffff;
	v9 =	vadd.f32 v9, v39;
	v6 =	vmin.u32 v6, $0x20  }
0x42d: {  	v62 =	vadd.s32 s14, v51;
	v57 =	vmul.f32 v46, v45;
	v61 =	vld.idx.msk [tilespmem:v1+s16+$0x0], $0xffff;
	v6 =	vxor.u32 v56, v6  }
0x42e: {  	v39 =	vand.u32 $0x3F, v62;
	v9 =	vtrunc.f32 v9;
	v6 =	vshll.u32 v6, $0x6  }
0x42f: {  	v48 =	vld.idx.msk [tilespmem:v1+s15+$0x0], $0xffff;
	v55 =	vor.u32 v2, v39;
	v9 =	vcvt.f32.s32 v9;
	v5 =	vor.u32 v5, v6  }
0x430: {  	v5 =	vadd.s32 $0x840, v5  }
0x431: {  	v58 =	vadd.f32 v57, v63;
	vm5 =	vgt.s32 v9, $0x0  }
0x432: {  	v45 =	vmul.f32 v61, v44;
	v9 =	vnsel vm5, $0x0, v9  }
0x433: {  	s30 =	sadd.s32 $0x6, s7;
	v59 =	vld.idx.msk [tilespmem:v1+s13+$0x0], $0xffff;
	v62 =	vshra.s32 v3, $0x1F;
	[tilespmem:v34+s20+$0x0] =	vst.idx.msk $0xffff, v58;
	v9 =	vmin.u32 v9, $0x20  }
0x434: {  	v63 =	vadd.s32 s30, v51;
	v49 =	vadd.f32 v45, v48;
	v38 =	vld.idx.msk [tilespmem:v55+s4+$0x0], $0xffff;
	v43 =	vxor.u32 v62, v9  }
0x435: {  	v9 =	vand.u32 $0x3F, v63;
	v6 =	vshll.u32 v43, $0x6;
	v47 =	vld.idx.msk [tilespmem:v5+s16+$0x0], $0xffff  }
0x436: {  	v44 =	vmul.f32 v49, v44;
	v60 =	vor.u32 v2, v9;
	v4 =	vor.u32 v4, v6  }
0x437: {  	v4 =	vadd.s32 $0x840, v4  }
0x438: {  	v1 =	vadd.f32 v44, v59  }
0x439: {  	v52 =	vand.u32 $0x7FFFFFFF, v38;
	v48 =	vld.idx.msk [tilespmem:v5+s15+$0x0], $0xffff  }
0x43a: {  	[tilespmem:v31+s20+$0x0] =	vst.idx.msk $0xffff, v1;
	v1 =	vmul.f32 $6.816437720e+00, v52;
	v54 =	vmul.f32 v47, v8  }
0x43b: {  	v57 =	vld.idx.msk [tilespmem:v60+s4+$0x0], $0xffff  }
0x43c: {  	v1 =	vadd.f32 $1.000000000e+00, v1;
	v53 =	vld.idx.msk [tilespmem:v4+s16+$0x0], $0xffff;
	[tilespmem:$0x1FE70] =	vst v54  }
0x43d: {  	s14 =	sadd.s32 $0x2, s8;
	v5 =	vld.idx.msk [tilespmem:v5+s13+$0x0], $0xffff  }
0x43e: {  	v59 =	vadd.s32 s14, v51;
	v58 =	vshrl.u32 v1, $0xD;
	v48 =	vadd.f32 v54, v48;
	v56 =	vld.idx.msk [tilespmem:v4+s15+$0x0], $0xffff  }
0x43f: {  	v42 =	vand.u32 $0x3F, v59;
	v34 =	vand.u32 $0x3FF, v58  }
0x440: {  	v63 =	vor.u32 v2, v42;
	v8 =	vmul.f32 v48, v8  }
0x441: {  	s19 =	sadd.s32 $0x6, s8;
	v47 =	vmul.f32 v53, v3  }
0x442: {  	v62 =	vadd.s32 s19, v51;
	v61 =	vand.u32 $0x7FFFFFFF, v57;
	v4 =	vld.idx.msk [tilespmem:v4+s13+$0x0], $0xffff;
	v5 =	vadd.f32 v8, v5  }
0x443: {  	v1 =	vshra.s32 v1, $0x17;
	v6 =	vmul.f32 $6.816437720e+00, v61;
	v44 =	vadd.f32 v47, v56  }
0x444: {  	v1 =	vcvt.s32.f32 v1;
	v31 =	vld.idx.msk [tilespmem:v34+s17+$0x0], $0xffff;
	v8 =	vand.u32 $0x3F, v62;
	[tilespmem:v7+s20+$0x0] =	vst.idx.msk $0xffff, v5  }
0x445: {  	v6 =	vadd.f32 $1.000000000e+00, v6;
	v61 =	vor.u32 v2, v8;
	v3 =	vmul.f32 v44, v3;
	v34 =	vld.idx.msk [tilespmem:v63+s4+$0x0], $0xffff;
	_ =	sdelay $0x1  }
0x446: {  	v53 =	vmul.f32 $3.801784040e+00, v1;
	v43 =	vshrl.u32 v6, $0xD;
	v3 =	vadd.f32 v3, v4  }
0x447: {  	v52 =	vand.u32 $0x3FF, v43  }
0x448: {  	[tilespmem:v0+s20+$0x0] =	vst.idx.msk $0xffff, v3;
	v3 =	vadd.f32 v53, v31  }
0x449: {  	v1 =	vld.idx.msk [tilespmem:v61+s4+$0x0], $0xffff;
	v54 =	vand.u32 $0x7FFFFFFF, v34  }
0x44a: {  	v56 =	vshra.s32 v6, $0x17;
	v3 =	vtrunc.f32 v3;
	v4 =	vmul.f32 $6.816437720e+00, v54  }
0x44b: {  	v5 =	vcvt.s32.f32 v56;
	v3 =	vcvt.f32.s32 v3  }
0x44c: {  	v0 =	vld.idx.msk [tilespmem:v52+s17+$0x0], $0xffff;
	v4 =	vadd.f32 $1.000000000e+00, v4  }
0x44d: {  	v62 =	vshra.s32 v38, $0x1F;
	v5 =	vmul.f32 $3.801784040e+00, v5;
	vm6 =	vgt.s32 v3, $0x0  }
0x44e: {  	v58 =	vand.u32 $0x7FFFFFFF, v1;
	v3 =	vnsel vm6, $0x0, v3;
	v59 =	vshrl.u32 v4, $0xD  }
0x44f: {  	v6 =	vmul.f32 $6.816437720e+00, v58;
	v3 =	vmin.u32 v3, $0x20;
	v7 =	vand.u32 $0x3FF, v59  }
0x450: {  	v3 =	vxor.u32 v62, v3  }
0x451: {  	[tilespmem:v25+s20+$0x0] =	vst.idx.msk $0xffff, v50;
	v0 =	vadd.f32 v5, v0;
	v6 =	vadd.f32 $1.000000000e+00, v6;
	v3 =	vshll.u32 v3, $0x6  }
0x452: {  	v52 =	vld.idx.msk [tilespmem:v26+s4+$0x0], $0xffff;
	v3 =	vor.u32 v39, v3  }
0x453: {  	v0 =	vtrunc.f32 v0;
	v43 =	vshrl.u32 v6, $0xD;
	v3 =	vadd.s32 $0x840, v3  }
0x454: {  	v4 =	vshra.s32 v4, $0x17;
	v0 =	vcvt.f32.s32 v0;
	v5 =	vand.u32 $0x3FF, v43;
	v7 =	vld.idx.msk [tilespmem:v7+s17+$0x0], $0xffff  }
0x455: {  	v4 =	vcvt.s32.f32 v4;
	v43 =	vld.idx.msk [tilespmem:v32+s4+$0x0], $0xffff  }
0x456: {  	v50 =	vshra.s32 v57, $0x1F;
	vm7 =	vgt.s32 v0, $0x0  }
0x457: {  	v58 =	vand.u32 $0x7FFFFFFF, v52;
	v4 =	vmul.f32 $3.801784040e+00, v4;
	v0 =	vnsel vm7, $0x0, v0  }
0x458: {  	v59 =	vmul.f32 $6.816437720e+00, v58;
	v39 =	vshra.s32 v34, $0x1F;
	v0 =	vmin.u32 v0, $0x20;
	v53 =	vld.idx.msk [tilespmem:v3+s16+$0x0], $0xffff  }
0x459: {  	v6 =	vshra.s32 v6, $0x17;
	v0 =	vxor.u32 v50, v0;
	v5 =	vld.idx.msk [tilespmem:v5+s17+$0x0], $0xffff;
	v4 =	vadd.f32 v4, v7  }
0x45a: {  	v6 =	vcvt.s32.f32 v6;
	v0 =	vshll.u32 v0, $0x6;
	v56 =	vld.idx.msk [tilespmem:v3+s15+$0x0], $0xffff;
	v54 =	vand.u32 $0x7FFFFFFF, v43  }
0x45b: {  	v0 =	vor.u32 v9, v0;
	v7 =	vmul.f32 $6.816437720e+00, v54;
	v4 =	vtrunc.f32 v4  }
0x45c: {  	v6 =	vmul.f32 $3.801784040e+00, v6;
	v0 =	vadd.s32 $0x840, v0;
	v4 =	vcvt.f32.s32 v4  }
0x45d: {  	s21 =	sadd.s32 $0x3, s7;
	v62 =	vadd.f32 $1.000000000e+00, v7;
	v7 =	vadd.f32 $1.000000000e+00, v59;
	v53 =	vmul.f32 v53, v38  }
0x45e: {  	v59 =	vadd.s32 s21, v51;
	v5 =	vadd.f32 v6, v5;
	vm8 =	vgt.s32 v4, $0x0  }
0x45f: {  	v31 =	vshrl.u32 v62, $0xD;
	v54 =	vadd.f32 v53, v56;
	v4 =	vnsel vm8, $0x0, v4  }
0x460: {  	v9 =	vand.u32 $0x3FF, v31;
	v5 =	vtrunc.f32 v5;
	v4 =	vmin.u32 v4, $0x20  }
0x461: {  	v56 =	vshrl.u32 v7, $0xD;
	v5 =	vcvt.f32.s32 v5;
	v4 =	vxor.u32 v39, v4  }
0x462: {  	v3 =	vld.idx.msk [tilespmem:v3+s13+$0x0], $0xffff;
	v6 =	vshra.s32 v62, $0x17;
	v31 =	vand.u32 $0x3FF, v56;
	v4 =	vshll.u32 v4, $0x6  }
0x463: {  	v58 =	vld.idx.msk [tilespmem:v0+s16+$0x0], $0xffff;
	v50 =	vmul.f32 v54, v38;
	vm9 =	vgt.s32 v5, $0x0;
	v4 =	vor.u32 v42, v4  }
0x464: {  	v38 =	vld.idx.msk [tilespmem:v0+s15+$0x0], $0xffff;
	v39 =	vand.u32 $0x3F, v59;
	v5 =	vnsel vm9, $0x0, v5;
	v4 =	vadd.s32 $0x840, v4  }
0x465: {  	v62 =	vshra.s32 v1, $0x1F;
	v9 =	vld.idx.msk [tilespmem:v9+s17+$0x0], $0xffff;
	v42 =	vor.u32 v2, v39;
	v5 =	vmin.u32 v5, $0x20  }
0x466: {  	v6 =	vcvt.s32.f32 v6;
	v5 =	vxor.u32 v62, v5  }
0x467: {  	v7 =	vshra.s32 v7, $0x17;
	v0 =	vld.idx.msk [tilespmem:v0+s13+$0x0], $0xffff;
	v3 =	vadd.f32 v50, v3;
	v5 =	vshll.u32 v5, $0x6  }
0x468: {  	s25 =	sadd.s32 $0x7, s7;
	v6 =	vmul.f32 $3.801784040e+00, v6;
	v58 =	vmul.f32 v58, v57;
	v31 =	vld.idx.msk [tilespmem:v31+s17+$0x0], $0xffff;
	v5 =	vor.u32 v8, v5  }
0x469: {  	v7 =	vcvt.s32.f32 v7;
	v56 =	vadd.s32 s25, v51;
	[tilespmem:v55+s20+$0x0] =	vst.idx.msk $0xffff, v3;
	v5 =	vadd.s32 $0x840, v5;
	v25 =	vld.idx.msk [tilespmem:v4+s16+$0x0], $0xffff  }
0x46a: {  	v59 =	vadd.f32 v58, v38;
	v38 =	vand.u32 $0x3F, v56;
	v6 =	vadd.f32 v6, v9;
	v56 =	vld.idx.msk [tilespmem:v42+s4+$0x0], $0xffff  }
0x46b: {  	v62 =	vld.idx.msk [tilespmem:v4+s15+$0x0], $0xffff  }
0x46c: {  	v3 =	vmul.f32 $3.801784040e+00, v7;
	v6 =	vtrunc.f32 v6  }
0x46d: {  	v9 =	vmul.f32 v59, v57;
	v6 =	vcvt.f32.s32 v6  }
0x46e: {  	v8 =	vld.idx.msk [tilespmem:v5+s16+$0x0], $0xffff;
	v55 =	vmul.f32 v25, v34  }
0x46f: {  	v3 =	vadd.f32 v3, v31;
	v4 =	vld.idx.msk [tilespmem:v4+s13+$0x0], $0xffff;
	v0 =	vadd.f32 v9, v0;
	vm10 =	vgt.s32 v6, $0x0  }
0x470: {  	v9 =	vld.idx.msk [tilespmem:v5+s15+$0x0], $0xffff;
	v6 =	vnsel vm10, $0x0, v6;
	v57 =	vadd.f32 v55, v62;
	v62 =	vand.u32 $0x7FFFFFFF, v56  }
0x471: {  	[tilespmem:v60+s20+$0x0] =	vst.idx.msk $0xffff, v0;
	v60 =	vshra.s32 v43, $0x1F;
	v31 =	vmin.u32 v6, $0x20;
	v25 =	vmul.f32 $6.816437720e+00, v62  }
0x472: {  	v50 =	vor.u32 v2, v38;
	v0 =	vxor.u32 v60, v31;
	v31 =	vmul.f32 v57, v34  }
0x473: {  	s26 =	sadd.s32 $0x3, s8;
	v0 =	vshll.u32 v0, $0x6;
	v60 =	vmul.f32 v8, v1;
	v6 =	vadd.f32 $1.000000000e+00, v25  }
0x474: {  	v5 =	vld.idx.msk [tilespmem:v5+s13+$0x0], $0xffff;
	v0 =	vor.u32 v41, v0;
	v34 =	vadd.s32 s26, v51;
	v4 =	vadd.f32 v31, v4  }
0x475: {  	v31 =	vand.u32 $0x3F, v34;
	v34 =	vadd.f32 v60, v9;
	v41 =	vshrl.u32 v6, $0xD  }
0x476: {  	v25 =	vadd.s32 $0x840, v0;
	v0 =	vand.u32 $0x3FF, v41;
	v41 =	vor.u32 v2, v31  }
0x477: {  	v62 =	vld.idx.msk [tilespmem:v50+s4+$0x0], $0xffff;
	v1 =	vmul.f32 v34, v1;
	_ =	sdelay $0x1  }
0x478: {  	v36 =	vmul.f32 v36, v15;
	v3 =	vtrunc.f32 v3;
	v1 =	vadd.f32 v1, v5  }
0x479: {  	v33 =	vmul.f32 v33, v14;
	v3 =	vcvt.f32.s32 v3;
	[tilespmem:v63+s20+$0x0] =	vst.idx.msk $0xffff, v4  }
0x47a: {  	v16 =	vadd.f32 v18, v16;
	v17 =	vadd.f32 v19, v17;
	s30 =	sadd.s32 $0x7, s8;
	[tilespmem:v61+s20+$0x0] =	vst.idx.msk $0xffff, v1;
	v14 =	vld.idx.msk [tilespmem:v41+s4+$0x0], $0xffff  }
0x47b: {  	vm11 =	vgt.s32 v3, $0x0;
	v51 =	vadd.s32 s30, v51;
	v7 =	vand.u32 $0x7FFFFFFF, v62;
	v1 =	vld [tilespmem:$0x1FE90]  }
0x47c: {  	v3 =	vnsel vm11, $0x0, v3;
	v9 =	vand.u32 $0x3F, v51;
	v7 =	vmul.f32 $6.816437720e+00, v7;
	v51 =	vld [tilespmem:$0x1FEB0]  }
0x47d: {  	v10 =	vadd.f32 v12, v10;
	v3 =	vmin.u32 v3, $0x20;
	v63 =	vshra.s32 v52, $0x1F;
	v61 =	vld [tilespmem:$0x1FEA0]  }
0x47e: {  	v11 =	vadd.f32 v13, v11;
	v3 =	vxor.u32 v63, v3;
	v4 =	vadd.f32 $1.000000000e+00, v7;
	v63 =	vld [tilespmem:$0x1FEC0]  }
0x47f: {  	v15 =	vadd.f32 v36, v37;
	v2 =	vor.u32 v2, v9;
	v3 =	vshll.u32 v3, $0x6;
	v7 =	vld.idx.msk [tilespmem:v25+s16+$0x0], $0xffff  }
0x480: {  	v6 =	vshra.s32 v6, $0x17;
	v3 =	vor.u32 v35, v3;
	v0 =	vld.idx.msk [tilespmem:v0+s17+$0x0], $0xffff;
	v37 =	vshrl.u32 v4, $0xD  }
0x481: {  	v8 =	vld.idx.msk [tilespmem:v25+s15+$0x0], $0xffff;
	v5 =	vand.u32 $0x3FF, v37;
	v1 =	vadd.f32 v51, v1;
	v51 =	vcvt.s32.f32 v6  }
0x482: {  	v16 =	vmul.f32 v16, v20;
	v3 =	vadd.s32 $0x840, v3;
	v4 =	vshra.s32 v4, $0x17  }
0x483: {  	v35 =	vadd.f32 v63, v61;
	v63 =	vand.u32 $0x7FFFFFFF, v14;
	v18 =	vmul.f32 $3.801784040e+00, v51  }
0x484: {  	v7 =	vmul.f32 v7, v43;
	v6 =	vld.idx.msk [tilespmem:v2+s4+$0x0], $0xffff;
	v61 =	vadd.f32 v29, v27;
	v27 =	vmul.f32 $6.816437720e+00, v63  }
0x485: {  	v16 =	vmul.f32 v17, v16;
	v4 =	vcvt.s32.f32 v4;
	v0 =	vadd.f32 v18, v0  }
0x486: {  	v5 =	vld.idx.msk [tilespmem:v5+s17+$0x0], $0xffff;
	v1 =	vmul.f32 v1, v21;
	v18 =	vadd.f32 v7, v8;
	v8 =	vadd.f32 $1.000000000e+00, v27  }
0x487: {  	v4 =	vmul.f32 $3.801784040e+00, v4;
	v21 =	vadd.f32 v30, v28;
	v19 =	vmul.f32 v61, v22  }
0x488: {  	v37 =	vld.idx.msk [tilespmem:v3+s16+$0x0], $0xffff;
	v22 =	vmul.f32 v35, v1;
	v35 =	vshra.s32 v56, $0x1F;
	v36 =	vshrl.u32 v8, $0xD  }
0x489: {  	v19 =	vmul.f32 v21, v19;
	v29 =	vand.u32 $0x7FFFFFFF, v6;
	v27 =	vand.u32 $0x3FF, v36  }
0x48a: {  	v7 =	vadd.f32 v18, v7;
	v20 =	vmul.f32 $6.816437720e+00, v29;
	v0 =	vtrunc.f32 v0  }
0x48b: {  	v51 =	vld.idx.msk [tilespmem:v3+s15+$0x0], $0xffff;
	v4 =	vadd.f32 v4, v5;
	v8 =	vshra.s32 v8, $0x17;
	v10 =	vmul.f32 v10, v22  }
0x48c: {  	v18 =	vmul.f32 v18, v43;
	v0 =	vcvt.f32.s32 v0;
	v20 =	vadd.f32 $1.000000000e+00, v20  }
0x48d: {  	v21 =	vadd.f32 v49, v45;
	v36 =	vmul.f32 v37, v52;
	v8 =	vcvt.s32.f32 v8  }
0x48e: {  	v7 =	vmul.f32 v7, v23;
	v4 =	vtrunc.f32 v4;
	v61 =	vshrl.u32 v20, $0xD;
	v27 =	vld.idx.msk [tilespmem:v27+s17+$0x0], $0xffff  }
0x48f: {  	vm12 =	vgt.s32 v0, $0x0;
	v30 =	vcvt.f32.s32 v4;
	v63 =	vand.u32 $0x3FF, v61  }
0x490: {  	v5 =	vadd.f32 v36, v51;
	v8 =	vmul.f32 $3.801784040e+00, v8;
	v0 =	vnsel vm12, $0x0, v0  }
0x491: {  	v20 =	vshra.s32 v20, $0x17;
	v0 =	vmin.u32 v0, $0x20;
	vm13 =	vgt.s32 v30, $0x0  }
0x492: {  	v20 =	vcvt.s32.f32 v20;
	v4 =	vadd.f32 v5, v36;
	v37 =	vnsel vm13, $0x0, v30  }
0x493: {  	v0 =	vxor.u32 v35, v0;
	v61 =	vmin.u32 v37, $0x20;
	v37 =	vld [tilespmem:$0x1FE20];
	v8 =	vadd.f32 v8, v27  }
0x494: {  	v5 =	vmul.f32 v5, v52;
	v0 =	vshll.u32 v0, $0x6;
	v20 =	vmul.f32 $3.801784040e+00, v20;
	v51 =	vld.idx.msk [tilespmem:v63+s17+$0x0], $0xffff  }
0x495: {  	v4 =	vmul.f32 v4, v7;
	v0 =	vor.u32 v39, v0;
	v29 =	vtrunc.f32 v8  }
0x496: {  	v1 =	vadd.s32 $0x840, v0;
	v63 =	vshra.s32 v62, $0x1F;
	v35 =	vcvt.f32.s32 v29  }
0x497: {  	v3 =	vld.idx.msk [tilespmem:v3+s13+$0x0], $0xffff;
	v7 =	vadd.f32 v33, v24;
	v23 =	vxor.u32 v63, v61;
	v63 =	vadd.f32 v54, v53  }
0x498: {  	v49 =	vld [tilespmem:$0x1FE30];
	v28 =	vshll.u32 v23, $0x6;
	v13 =	vadd.f32 v46, v37;
	vm14 =	vgt.s32 v35, $0x0  }
0x499: {  	v53 =	vld [tilespmem:$0x1FE70];
	v17 =	vor.u32 v38, v28;
	v0 =	vadd.f32 v20, v51;
	v20 =	vnsel vm14, $0x0, v35  }
0x49a: {  	v33 =	vld.idx.msk [tilespmem:v25+s13+$0x0], $0xffff;
	v38 =	vshra.s32 v14, $0x1F;
	v8 =	vadd.s32 $0x840, v17;
	v20 =	vmin.u32 v20, $0x20  }
0x49b: {  	v10 =	vmul.f32 v11, v10;
	v30 =	vld.idx.msk [tilespmem:v1+s16+$0x0], $0xffff;
	v13 =	vmul.f32 v13, v16;
	v20 =	vxor.u32 v38, v20  }
0x49c: {  	v3 =	vadd.f32 v5, v3;
	v46 =	vshra.s32 v6, $0x1F;
	v51 =	vld [tilespmem:$0x1FE40];
	v20 =	vshll.u32 v20, $0x6  }
0x49d: {  	v36 =	vld.idx.msk [tilespmem:v1+s15+$0x0], $0xffff;
	v13 =	vmul.f32 v21, v13;
	v0 =	vtrunc.f32 v0;
	v20 =	vor.u32 v31, v20  }
0x49e: {  	v1 =	vld.idx.msk [tilespmem:v1+s13+$0x0], $0xffff;
	v24 =	vadd.f32 v48, v53;
	v0 =	vcvt.f32.s32 v0;
	v20 =	vadd.s32 $0x840, v20  }
0x49f: {  	v37 =	vmul.f32 v63, v19;
	v35 =	vadd.f32 v59, v58;
	v58 =	vadd.f32 v44, v47;
	v39 =	vld.idx.msk [tilespmem:v8+s16+$0x0], $0xffff  }
0x4a0: {  	v13 =	vmul.f32 v24, v13;
	v17 =	vmul.f32 v30, v56;
	v45 =	vld.idx.msk [tilespmem:v8+s15+$0x0], $0xffff;
	vm15 =	vgt.s32 v0, $0x0  }
0x4a1: {  	v63 =	vadd.f32 v34, v60;
	v30 =	vld [tilespmem:$0x1FE50];
	v11 =	vadd.f32 v51, v49;
	v0 =	vnsel vm15, $0x0, v0  }
0x4a2: {  	v13 =	vmul.f32 v58, v13;
	v12 =	vadd.f32 v17, v36;
	v31 =	vld [tilespmem:$0x1FE60];
	v0 =	vmin.u32 v0, $0x20  }
0x4a3: {  	v10 =	vmul.f32 v11, v10;
	v11 =	vadd.f32 v18, v33;
	v0 =	vxor.u32 v46, v0;
	v36 =	vld.idx.msk [tilespmem:v20+s16+$0x0], $0xffff  }
0x4a4: {  	v29 =	vand.u32 $0x7FFFFF, v13;
	v13 =	vshra.s32 v13, $0x17;
	v0 =	vshll.u32 v0, $0x6  }
0x4a5: {  	v17 =	vadd.f32 v12, v17;
	v61 =	vmul.f32 v39, v62;
	v0 =	vor.u32 v9, v0;
	v39 =	vld.idx.msk [tilespmem:v20+s15+$0x0], $0xffff  }
0x4a6: {  	v12 =	vmul.f32 v12, v56;
	v13 =	vcvt.s32.f32 v13;
	v0 =	vadd.s32 $0x840, v0  }
0x4a7: {  	v4 =	vmul.f32 v17, v4;
	v9 =	vadd.f32 v31, v30;
	v22 =	vadd.f32 v61, v45  }
0x4a8: {  	v13 =	vmul.f32 $6.931471820e-01, v13;
	v1 =	vadd.f32 v12, v1;
	v52 =	vmul.f32 v36, v14  }
0x4a9: {  	v30 =	vor.u32 $0x3F800000, v29;
	v9 =	vmul.f32 v9, v10;
	v38 =	vadd.f32 v22, v61  }
0x4aa: {  	v10 =	vmul.f32 v35, v37;
	v61 =	vadd.f32 v57, v55;
	v19 =	vadd.f32 v52, v39  }
0x4ab: {  	v31 =	vmul.f32 $1.871761230e-01, v30;
	v18 =	vmul.f32 v22, v62;
	v43 =	vand.u32 $0x7FFFFF, v9;
	v45 =	vld.idx.msk [tilespmem:v0+s16+$0x0], $0xffff  }
0x4ac: {  	v10 =	vmul.f32 v61, v10;
	v46 =	vor.u32 $0x3F800000, v43;
	v23 =	vadd.f32 v19, v52;
	v52 =	vld [tilespmem:$0x1FE80]  }
0x4ad: {  	v35 =	vmul.f32 $4.221197130e+00, v30;
	v33 =	vadd.f32 $-8.650234930e-01, v31;
	v51 =	vld.idx.msk [tilespmem:v0+s15+$0x0], $0xffff;
	v21 =	vmul.f32 $1.871761230e-01, v46  }
0x4ae: {  	v9 =	vshra.s32 v9, $0x17;
	v49 =	vmul.f32 v46, v46;
	v10 =	vmul.f32 v63, v10  }
0x4af: {  	v4 =	vmul.f32 v38, v4;
	v9 =	vcvt.s32.f32 v9;
	v21 =	vadd.f32 $-8.650234930e-01, v21  }
0x4b0: {  	v8 =	vld.idx.msk [tilespmem:v8+s13+$0x0], $0xffff;
	v54 =	vmul.f32 $1.741411720e-02, v49;
	v36 =	vand.u32 $0x7FFFFF, v10;
	v16 =	vmul.f32 v45, v6  }
0x4b1: {  	v59 =	vmul.f32 $2.252362730e+00, v46;
	v17 =	vmul.f32 $4.221197130e+00, v46;
	v37 =	vor.u32 $0x3F800000, v36  }
0x4b2: {  	v21 =	vsub.f32 v21, v54;
	v24 =	vmul.f32 v37, v37;
	v22 =	vadd.f32 v16, v51  }
0x4b3: {  	v62 =	vadd.f32 $-3.674869780e+00, v59;
	v4 =	vmul.f32 v23, v4;
	v23 =	vmul.f32 v30, v30  }
0x4b4: {  	v17 =	vadd.f32 $-9.013311760e+01, v17;
	v21 =	vmul.f32 v21, v49;
	v16 =	vadd.f32 v22, v16;
	[tilespmem:v52+s20+$0x0] =	vst.idx.msk $0xffff, v40  }
0x4b5: {  	v8 =	vadd.f32 v18, v8;
	v38 =	vmul.f32 $1.871761230e-01, v37;
	v34 =	vmul.f32 $1.741411720e-02, v23;
	v28 =	vld [tilespmem:$0x1FEE0]  }
0x4b6: {  	v46 =	vmul.f32 $2.252362730e+00, v37;
	v21 =	vadd.f32 v21, v62;
	v4 =	vmul.f32 v16, v4  }
0x4b7: {  	v25 =	vadd.f32 $-8.650234930e-01, v38;
	v43 =	vmul.f32 $1.741411720e-02, v24;
	v16 =	vsub.f32 v33, v34  }
0x4b8: {  	v5 =	vmul.f32 v21, v49;
	v21 =	vmul.f32 $2.252362730e+00, v30;
	v39 =	vand.u32 $0x7FFFFF, v4  }
0x4b9: {  	v25 =	vsub.f32 v25, v43;
	v16 =	vmul.f32 v16, v23;
	v27 =	vor.u32 $0x3F800000, v39  }
0x4ba: {  	v21 =	vadd.f32 $-3.674869780e+00, v21;
	v44 =	vmul.f32 v27, v27;
	v45 =	vmul.f32 $1.871761230e-01, v27  }
0x4bb: {  	v9 =	vmul.f32 $6.931471820e-01, v9;
	v49 =	vadd.f32 $-3.674869780e+00, v46;
	v5 =	vadd.f32 v5, v17  }
0x4bc: {  	v16 =	vadd.f32 v16, v21;
	v47 =	vadd.f32 $-8.650234930e-01, v45;
	v48 =	vmul.f32 $1.741411720e-02, v44  }
0x4bd: {  	v25 =	vmul.f32 v25, v24;
	v5 =	vadd.f32 v5, v9;
	v9 =	vadd.f32 $-9.013311760e+01, v35;
	[tilespmem:v28+s20+$0x0] =	vst.idx.msk $0xffff, v15  }
0x4be: {  	v51 =	vmul.f32 $2.252362730e+00, v27;
	v16 =	vmul.f32 v16, v23;
	v23 =	vsub.f32 v47, v48;
	v56 =	vld [tilespmem:$0x1FED0]  }
0x4bf: {  	v10 =	vshra.s32 v10, $0x17;
	v17 =	vmul.f32 $4.221197130e+00, v37;
	v25 =	vadd.f32 v25, v49  }
0x4c0: {  	v9 =	vadd.f32 v16, v9;
	v16 =	vadd.f32 $-3.674869780e+00, v51;
	v23 =	vmul.f32 v23, v44  }
0x4c1: {  	v10 =	vcvt.s32.f32 v10;
	v4 =	vshra.s32 v4, $0x17;
	v53 =	vadd.f32 $-9.013311760e+01, v17  }
0x4c2: {  	v0 =	vld.idx.msk [tilespmem:v0+s13+$0x0], $0xffff;
	v54 =	vmul.f32 v25, v24;
	v55 =	vmul.f32 $4.221197130e+00, v27;
	v16 =	vadd.f32 v23, v16  }
0x4c3: {  	v10 =	vmul.f32 $6.931471820e-01, v10;
	v4 =	vcvt.s32.f32 v4;
	v9 =	vadd.f32 v9, v13  }
0x4c4: {  	v58 =	vld.idx.msk [tilespmem:v20+s13+$0x0], $0xffff;
	v57 =	vadd.f32 v54, v53;
	v13 =	vadd.f32 $-9.013311760e+01, v55;
	v59 =	vmul.f32 v16, v44  }
0x4c5: {  	v6 =	vmul.f32 v22, v6;
	[tilespmem:v26+s20+$0x0] =	vst.idx.msk $0xffff, v3;
	v5 =	vadd.f32 v9, v5  }
0x4c6: {  	s2 =	sadd.s32 $0x1, s2;
	v4 =	vmul.f32 $6.931471820e-01, v4;
	v60 =	vadd.f32 v59, v13;
	[tilespmem:v56+s20+$0x0] =	vst.idx.msk $0xffff, v7;
	v7 =	vadd.f32 v57, v10  }
0x4c7: {  	p0 =	sne.s32 s2, $0x8;
	v61 =	vmul.f32 v19, v14;
	v0 =	vadd.f32 v6, v0;
	[tilespmem:v32+s20+$0x0] =	vst.idx.msk $0xffff, v11  }
.Ltmp3:
0x4c8: {  	[tilespmem:v50+s20+$0x0] =	vst.idx.msk $0xffff, v8;
	v4 =	vadd.f32 v60, v4;
	v5 =	vadd.f32 v7, v5;
	(pc) =	sbr.rel @p0 .LBB2_7-.Ltmp3, $4  }
0x4c9: {  	v62 =	vadd.f32 v61, v58;
	[tilespmem:v42+s20+$0x0] =	vst.idx.msk $0xffff, v1  }
0x4ca: {  	[tilespmem:v2+s20+$0x0] =	vst.idx.msk $0xffff, v0;
	v63 =	vadd.f32 v4, v5  }
0x4cb: {  	[tilespmem:v41+s20+$0x0] =	vst.idx.msk $0xffff, v62  }
0x4cc: {  	[tilespmem:s6+$0x10080] =	vst v63  }
0x4cd: {  	s31 =	sadd.s32 $0x1, s31  }
0x4ce: {  	p0 =	sne.s32 s31, $0x20  }
.Ltmp4:
0x4cf: {  	s1 =	sshll.u32 s0, $0x4;
	(pc) =	sbr.rel @p0 .LBB2_2-.Ltmp4, $4  }
0x4d0: {  	s30 =	sshrl.u32 s0, $0x3;
	s1 =	sadd.s32 s9, s1  }
0x4d1: {  	[hbm4b:s1+s4] =	stream.linear.scatter [tilespmem:s23], [sflag:$0x4], $0x4000, $0x38;
	[tilespmem:$0x13680] =	vst v63  }
0x4d2: {  	s0 =	sadd.s32 s3, s30  }
0x4d3: {  	[hbm4b:s0+s4] =	stream.linear.scatter [tilespmem:s24], [sflag:$0x6], $0x80, $0x38;
	[tilespmem:$0x13680] =	vst v63  }
0x4d4: {  	s0 =	simm.s32 $0x3  }
0x4d5: {  	_ =	swait.ge [sflag:s0], $0x4000  }
0x4d6: {  	[sflag:s0] =	ssyncset.done $0x0  }
0x4d7: {  	s30 =	simm.s32 $0x5;
	[sflag:s0] =	ssyncadd.s32 $0xFFFFC000  }
0x4d8: {  	_ =	swait.ge [sflag:s30], $0x80  }
0x4d9: {  	[sflag:s30] =	ssyncset.done $0x0  }
0x4da: {  	[sflag:s30] =	ssyncadd.s32 $0xFFFFFF80  }
0x4db: {  	_ =	swait.ge [sflag:s28], $0x4000  }
0x4dc: {  	[sflag:s28] =	ssyncset.done $0x0  }
0x4dd: {  	[sflag:s28] =	ssyncadd.s32 $0xFFFFC000  }
0x4de: {  	_ =	swait.ge [sflag:s29], $0x80  }
0x4df: {  	s1 =	rddreg [dreg:$0x8]  }
0x4e0: {  	s31 =	rddreg [dreg:$0x7];
	s1 =	sadd.s32 $0x1, s1  }
0x4e1: {  	p0 =	sne.s32 s1, s31  }
.Ltmp5:
0x4e2: {  	_ = 	snop;
	(pc) =	sbr.rel @p0 .LBB2_1-.Ltmp5, $3  }
0x4e3: {  	_ =	sdelay $0x1  }
0x4e4: {  	[sflag:s29] =	ssyncset.done $0x0  }
0x4e5: {  	[sflag:s29] =	ssyncadd.s32 $0xFFFFFF80  }
0x4e6: {  	_ =	sfence.sel $0x180000  }
0x4e7: {  	[bflag:$0x0] =	sbarrier.arrive $0xFFFF  }
0x4e8: {  	_ =	strace $0x90000047  }
0x4e9: {  	s0 =	stileid.u32;
	[bflag:$0x2] =	sbarrier.arrive $0xFFFF  }
0x4ea: {  	p0 =	sne.s32 s0, $0x0;
	s0 =	rddreg [dreg:$0x3]  }
0x4eb: {  	s0 =	sadd.s32 @!p0 $0x100000, s0  }
0x4ec: {  	[sflag:s0] =	ssyncadd.tile.s32 @!p0 $0x1;
	_ =	shalt  }
.Lfunc_end2:
_tile_overlayer_lowered:
.L_overlay_start_2:
0x4ed: {  	(tag) =	ssettag $0x2  }
0x4ee: {  	s0 =	rddreg [dreg:$0x0];
	s2 =	stileid.u32  }
0x4ef: {  	s1 =	rddreg [dreg:$0x1];
	p0 =	sne.s32 s2, $0x0  }
0x4f0: {  	s3 =	rddreg [dreg:$0x2];
	[bflag:$0x3] =	sbarrier.arrive $0xFFFF;
	s2 =	simm.s32 @!p0 $0x1C07  }
0x4f1: {  	[timem:s3], [sflag:s2] =	dma.local @!p0 [hbm:s0], s1  }
0x4f2: {  	s0 =	simm.s32 @!p0 $0x7  }
0x4f3: {  	_ =	swait.ge @!p0 [sflag:s0], s1  }
0x4f4: {  	s1 =	ssub.s32 @!p0 $0x0, s1;
	[sflag:s0] =	ssyncset.done @!p0 $0x0  }
0x4f5: {  	[sflag:s0] =	ssyncadd.s32 @!p0 s1  }
0x4f6: {  	[bflag:$0x3] =	sbarrier.arrive $0xFFFF  }
0x4f7: {  	_ =	shalt  }

</sc_bundles>
